<compile_context>
chip_gen: v7x
topology: tpu7x:2x2x1
jax: 0.10.2.dev20260603
libtpu: 0.0.44.dev20260713+nightly
codegen_flags: <defaults>
</compile_context>

<pallas_src>
import functools

import jax
import jax.numpy as jnp
from jax import lax
from jax.experimental import pallas as pl
from jax.experimental.pallas import tpu as pltpu
from jax.experimental.pallas import tpu_sc as plsc

B = 16384
D = 64
NC = 2
NS = 16
NW = NC * NS
BPW = B // NW


def _sc_bias_body(uid_hbm, eid_hbm, ub_hbm, eb_hbm,
                  ub_out, eb_out,
                  uidx_v, eidx_v, ubv, ebv, semb):
    wid = lax.axis_index("s") * NC + lax.axis_index("c")
    base = wid * BPW
    pltpu.sync_copy(uid_hbm.at[wid], uidx_v)
    pltpu.sync_copy(eid_hbm.at[wid], eidx_v)
    cub = pltpu.async_copy(ub_hbm.at[uidx_v.at[0]], ubv, semb)
    ceb = pltpu.async_copy(eb_hbm.at[eidx_v.at[0]], ebv, semb)
    cub.wait()
    ceb.wait()
    pltpu.sync_copy(ubv, ub_out.at[pl.ds(base, BPW)])
    pltpu.sync_copy(ebv, eb_out.at[pl.ds(base, BPW)])


@functools.cache
def _sc_bias_gather():
    return pl.kernel(
        _sc_bias_body,
        out_type=[
            jax.ShapeDtypeStruct((B,), jnp.float32),
            jax.ShapeDtypeStruct((B,), jnp.float32),
        ],
        mesh=plsc.VectorSubcoreMesh(core_axis_name="c", subcore_axis_name="s"),
        compiler_params=pltpu.CompilerParams(use_tc_tiling_on_sc=False),
        scratch_types=[
            pltpu.VMEM((1, BPW), jnp.int32),
            pltpu.VMEM((1, BPW), jnp.int32),
            pltpu.VMEM((BPW,), jnp.float32),
            pltpu.VMEM((BPW,), jnp.float32),
            pltpu.SemaphoreType.DMA,
        ],
    )


RPC = BPW // 2


def _sc_emb_body(uid_hbm, eid_hbm, uemb_hbm, eemb_hbm,
                 ue_out, ee_out,
                 uidx_v, eidx_v, urows_v, erows_v, semu, seme):
    wid = lax.axis_index("s") * NC + lax.axis_index("c")
    base = wid * BPW
    pltpu.sync_copy(uid_hbm.at[wid], uidx_v)
    pltpu.sync_copy(eid_hbm.at[wid], eidx_v)
    for h in range(2):
        def issue(g, _):
            chunk_u = uidx_v[0, pl.ds(h * RPC + g * 16, 16)]
            chunk_e = eidx_v[0, pl.ds(h * RPC + g * 16, 16)]
            for l in range(16):
                iu = chunk_u[l]
                ie = chunk_e[l]
                r = g * 16 + l
                pltpu.async_copy(uemb_hbm.at[pl.ds(iu, 1)],
                                 urows_v.at[pl.ds(r, 1)], semu)
                pltpu.async_copy(eemb_hbm.at[pl.ds(ie, 1)],
                                 erows_v.at[pl.ds(r, 1)], seme)
            return 0

        lax.fori_loop(0, RPC // 16, issue, 0)
        pltpu.make_async_copy(uemb_hbm.at[pl.ds(0, RPC)], urows_v, semu).wait()
        pltpu.make_async_copy(eemb_hbm.at[pl.ds(0, RPC)], erows_v, seme).wait()
        pltpu.sync_copy(urows_v, ue_out.at[pl.ds(base + h * RPC, RPC)])
        pltpu.sync_copy(erows_v, ee_out.at[pl.ds(base + h * RPC, RPC)])


@functools.cache
def _sc_emb_gather():
    return pl.kernel(
        _sc_emb_body,
        out_type=[
            jax.ShapeDtypeStruct((B, D), jnp.float32),
            jax.ShapeDtypeStruct((B, D), jnp.float32),
        ],
        mesh=plsc.VectorSubcoreMesh(core_axis_name="c", subcore_axis_name="s"),
        scratch_types=[
            pltpu.VMEM((1, BPW), jnp.int32),
            pltpu.VMEM((1, BPW), jnp.int32),
            pltpu.VMEM((RPC, D), jnp.float32),
            pltpu.VMEM((RPC, D), jnp.float32),
            pltpu.SemaphoreType.DMA,
            pltpu.SemaphoreType.DMA,
        ],
    )


BLK = 1024
NBLK = B // BLK
_EPS = 1e-5

_row_spec = lambda w: pl.BlockSpec((BLK, w), lambda t: (t, 0))
_full_spec = lambda r, c: pl.BlockSpec((r, c), lambda t: (0, 0))
_part_spec = pl.BlockSpec((1, 1, 256), lambda t: (t, 0, 0))
_part_spec128 = pl.BlockSpec((1, 1, 128), lambda t: (t, 0, 0))


def _phase1_body(ue_ref, ee_ref, w1a_ref, w1b_ref, b1_ref,
                 h1_ref, ps_ref, pq_ref):
    h = (jnp.dot(ue_ref[...], w1a_ref[...], preferred_element_type=jnp.float32)
         + jnp.dot(ee_ref[...], w1b_ref[...], preferred_element_type=jnp.float32)
         + b1_ref[...])
    h = jnp.maximum(h, 0.0)
    h1_ref[...] = h
    ps_ref[...] = jnp.sum(h, axis=0, keepdims=True).reshape(1, 1, 256)
    pq_ref[...] = jnp.sum(h * h, axis=0, keepdims=True).reshape(1, 1, 256)


_phase1 = pl.pallas_call(
    _phase1_body,
    grid=(NBLK,),
    in_specs=[_row_spec(D), _row_spec(D), _full_spec(D, 256),
              _full_spec(D, 256), _full_spec(1, 256)],
    out_specs=[_row_spec(256), _part_spec, _part_spec],
    out_shape=[
        jax.ShapeDtypeStruct((B, 256), jnp.float32),
        jax.ShapeDtypeStruct((NBLK, 1, 256), jnp.float32),
        jax.ShapeDtypeStruct((NBLK, 1, 256), jnp.float32),
    ],
)


def _phase2_body(h1_ref, sc_ref, sh_ref, w2_ref, b2_ref,
                 h2_ref, ps_ref, pq_ref):
    h = h1_ref[...] * sc_ref[...] + sh_ref[...]
    h = jnp.maximum(jnp.dot(h, w2_ref[...], preferred_element_type=jnp.float32)
                    + b2_ref[...], 0.0)
    h2_ref[...] = h
    ps_ref[...] = jnp.sum(h, axis=0, keepdims=True).reshape(1, 1, 128)
    pq_ref[...] = jnp.sum(h * h, axis=0, keepdims=True).reshape(1, 1, 128)


_phase2 = pl.pallas_call(
    _phase2_body,
    grid=(NBLK,),
    in_specs=[_row_spec(256), _full_spec(1, 256), _full_spec(1, 256),
              _full_spec(256, 128), _full_spec(1, 128)],
    out_specs=[_row_spec(128), _part_spec128, _part_spec128],
    out_shape=[
        jax.ShapeDtypeStruct((B, 128), jnp.float32),
        jax.ShapeDtypeStruct((NBLK, 1, 128), jnp.float32),
        jax.ShapeDtypeStruct((NBLK, 1, 128), jnp.float32),
    ],
)


def _phase3_body(h2_ref, sc_ref, sh_ref, w3_ref, b3_ref, w4_ref,
                 ue_ref, ee_ref, ub_ref, eb_ref, b4gb_ref, out_ref):
    h = h2_ref[...] * sc_ref[...] + sh_ref[...]
    h = jnp.maximum(jnp.dot(h, w3_ref[...], preferred_element_type=jnp.float32)
                    + b3_ref[...], 0.0)
    mlp_out = jnp.sum(h * w4_ref[...], axis=1, keepdims=True)
    mf = (jnp.sum(ue_ref[...] * ee_ref[...], axis=1, keepdims=True)
          + ub_ref[...] + eb_ref[...])
    out_ref[...] = jax.nn.sigmoid(mlp_out + 0.3 * mf + b4gb_ref[0, 0])


_phase3 = pl.pallas_call(
    _phase3_body,
    grid=(NBLK,),
    in_specs=[_row_spec(128), _full_spec(1, 128), _full_spec(1, 128),
              _full_spec(128, D), _full_spec(1, D), _full_spec(1, D),
              _row_spec(D), _row_spec(D), _row_spec(1), _row_spec(1),
              _full_spec(1, 1)],
    out_specs=_row_spec(1),
    out_shape=jax.ShapeDtypeStruct((B, 1), jnp.float32),
)


def _bn_coeffs(ps, pq, g, be):
    m = ps.sum(axis=0)[0] * (1.0 / B)
    v = pq.sum(axis=0)[0] * (1.0 / B) - m * m
    s = g * lax.rsqrt(v + _EPS)
    return s.reshape(1, -1), (be - m * s).reshape(1, -1)


def _mlp(ue, ee, ub, eb, w1a, w1b, b1, g1, be1, w2, b2, g2, be2,
         w3, b3, w4, b4gb):
    h1, ps1, pq1 = _phase1(ue, ee, w1a, w1b, b1.reshape(1, -1))
    sc1, sh1 = _bn_coeffs(ps1, pq1, g1, be1)
    h2, ps2, pq2 = _phase2(h1, sc1, sh1, w2, b2.reshape(1, -1))
    sc2, sh2 = _bn_coeffs(ps2, pq2, g2, be2)
    return _phase3(h2, sc2, sh2, w3, b3.reshape(1, -1), w4,
                   ue, ee, ub, eb, b4gb)


def kernel(user_ids, exercise_ids, user_emb, ex_emb, user_b, ex_b, global_b,
           W1, b1, g1, be1, W2, b2, g2, be2, W3, b3, W4, b4):
    uid = user_ids.astype(jnp.int32).reshape(NW, 1, BPW)
    eid = exercise_ids.astype(jnp.int32).reshape(NW, 1, BPW)
    ue, ee = _sc_emb_gather()(uid, eid, user_emb, ex_emb)
    ub, eb = _sc_bias_gather()(uid, eid, user_b.reshape(-1),
                               ex_b.reshape(-1))
    w1a = W1[:, :D].T
    w1b = W1[:, D:].T
    b4gb = (0.7 * b4 + 0.3 * global_b).reshape(1, 1)
    return _mlp(ue, ee, ub.reshape(B, 1), eb.reshape(B, 1), w1a, w1b, b1,
                g1, be1, W2.T, b2, g2, be2, W3.T, b3,
                W4.reshape(1, D) * 0.7, b4gb)

# --- scband reference (transcript-rebuilt; emitter-appended) ---
"""Pipeline reference for scband-collaborative-filtering-network-74320114090418 (READ-ONLY COPY).

The authoritative reference and input builder live on the scoring server;
editing this copy changes nothing except your own understanding.
"""

import jax, jax.numpy as jnp
import numpy as np

B = 16384
NU = 1000000
NE = 100000
D = 64


def _bn(x, g, b, eps=1e-5):
    m = jnp.mean(x, axis=0)
    v = jnp.var(x, axis=0)
    return (x - m) / jnp.sqrt(v + eps) * g + b


def setup_inputs(seed: int = 0) -> dict:
    key = jax.random.key(seed)
    ks = jax.random.split(key, 24)
    inp = {}
    inp['user_ids'] = jax.random.randint(ks[0], (B,), 0, NU, dtype=jnp.int64) if jax.config.jax_enable_x64 else jax.random.randint(ks[0], (B,), 0, NU)
    inp['exercise_ids'] = jax.random.randint(ks[1], (B,), 0, NE)
    inp['user_emb'] = jax.random.normal(ks[2], (NU, D), dtype=jnp.float32) * 0.02
    inp['ex_emb'] = jax.random.normal(ks[3], (NE, D), dtype=jnp.float32) * 0.02
    inp['user_b'] = jax.random.normal(ks[4], (NU, 1), dtype=jnp.float32) * 0.01
    inp['ex_b'] = jax.random.normal(ks[5], (NE, 1), dtype=jnp.float32) * 0.01
    inp['global_b'] = jnp.zeros((1,), dtype=jnp.float32)
    inp['W1'] = jax.random.normal(ks[6], (256, 2 * D), dtype=jnp.float32) * (1.0 / np.sqrt(2 * D))
    inp['b1'] = jnp.zeros((256,), dtype=jnp.float32)
    inp['g1'] = jnp.ones((256,), dtype=jnp.float32)
    inp['be1'] = jnp.zeros((256,), dtype=jnp.float32)
    inp['W2'] = jax.random.normal(ks[7], (128, 256), dtype=jnp.float32) * (1.0 / np.sqrt(256))
    inp['b2'] = jnp.zeros((128,), dtype=jnp.float32)
    inp['g2'] = jnp.ones((128,), dtype=jnp.float32)
    inp['be2'] = jnp.zeros((128,), dtype=jnp.float32)
    inp['W3'] = jax.random.normal(ks[8], (64, 128), dtype=jnp.float32) * (1.0 / np.sqrt(128))
    inp['b3'] = jnp.zeros((64,), dtype=jnp.float32)
    inp['W4'] = jax.random.normal(ks[9], (1, 64), dtype=jnp.float32) * (1.0 / np.sqrt(64))
    inp['b4'] = jnp.zeros((1,), dtype=jnp.float32)
    return inp


def reference(user_ids, exercise_ids, user_emb, ex_emb, user_b, ex_b, global_b, W1, b1, g1, be1, W2, b2, g2, be2, W3, b3, W4, b4):
    ue = jnp.take(user_emb, user_ids, axis=0)
    ee = jnp.take(ex_emb, exercise_ids, axis=0)
    concat = jnp.concatenate([ue, ee], axis=-1)
    h = jnp.maximum(concat @ W1.T + b1, 0.0)
    h = _bn(h, g1, be1)
    h = jnp.maximum(h @ W2.T + b2, 0.0)
    h = _bn(h, g2, be2)
    h = jnp.maximum(h @ W3.T + b3, 0.0)
    mlp_out = h @ W4.T + b4
    mf = jnp.sum(ue * ee, axis=-1, keepdims=True)
    mf = mf + jnp.take(user_b, user_ids, axis=0) + jnp.take(ex_b, exercise_ids, axis=0) + global_b
    out = 0.7 * mlp_out + 0.3 * mf
    return jax.nn.sigmoid(out)

if __name__ == "__main__":
    import jax
    _d = setup_inputs()
    print(jax.jit(kernel)(*tuple(_d.values())))

</pallas_src>

<mosaic_0001>
#map = affine_map<(d0, d1) -> (0, 0, 0)>
#map1 = affine_map<(d0, d1) -> (0)>
module attributes {stable_mosaic.version = 14 : i64} {
  func.func @_sc_bias_body(%arg0: i32, %arg1: i32, %arg2: memref<32x1x512xi32, #tpu.memory_space<hbm>>, %arg3: memref<32x1x512xi32, #tpu.memory_space<hbm>>, %arg4: memref<1000000xf32, #tpu.memory_space<hbm>>, %arg5: memref<100000xf32, #tpu.memory_space<hbm>>, %arg6: memref<16384xf32, #tpu.memory_space<hbm>>, %arg7: memref<16384xf32, #tpu.memory_space<hbm>>, %arg8: memref<1x512xi32, #tpu.memory_space<vmem>>, %arg9: memref<1x512xi32, #tpu.memory_space<vmem>>, %arg10: memref<512xf32, #tpu.memory_space<vmem>>, %arg11: memref<512xf32, #tpu.memory_space<vmem>>, %arg12: memref<!tpu.dma_semaphore, #tpu.memory_space<semaphore_mem>>) attributes {dimension_semantics = [#tpu.dimension_semantics<core_parallel>, #tpu.dimension_semantics<subcore_parallel>], iteration_bounds = array<i64: 2, 16>, scalar_prefetch = 0 : i64, scratch_operands = 5 : i64, tpu.core_type = #tpu.core_type<sc_vector_subcore>, window_params = [{transform_indices = #map}, {transform_indices = #map}, {transform_indices = #map1}, {transform_indices = #map1}, {transform_indices = #map1}, {transform_indices = #map1}]} {
    %mul3A = arith.constant 2 : i32
    %mul3A_0 = arith.muli %arg1, %mul3A : i32
    %add3A = arith.addi %mul3A_0, %arg0 : i32
    %mul3A_1 = arith.constant 512 : i32
    %mul3A_2 = arith.muli %add3A, %mul3A_1 : i32
    "tpu.region"() ({
      %run_scoped3A = tpu.sem_alloc : memref<!tpu.dma_semaphore, #tpu.memory_space<semaphore_mem>>
      %dma_start3A_25 = arith.constant 0 : i32
      %dma_start3A_26 = arith.constant 0 : i32
      %dma_start3A_27 = tpu.memref_slice %arg2[%add3A, %dma_start3A_25, %dma_start3A_26] : memref<32x1x512xi32, #tpu.memory_space<hbm>> -> memref<1x1x512xi32, #tpu.memory_space<hbm>>
      %dma_start3A_28 = tpu.memref_squeeze %dma_start3A_27 : memref<1x1x512xi32, #tpu.memory_space<hbm>> -> memref<1x512xi32, #tpu.memory_space<hbm>>
      %dma_start3A_29 = arith.constant 0 : i32
      %dma_start3A_30 = arith.constant 0 : i32
      %dma_start3A_31 = tpu.memref_slice %arg2[%add3A, %dma_start3A_29, %dma_start3A_30] : memref<32x1x512xi32, #tpu.memory_space<hbm>> -> memref<1x1x512xi32, #tpu.memory_space<hbm>>
      %dma_start3A_32 = tpu.memref_squeeze %dma_start3A_31 : memref<1x1x512xi32, #tpu.memory_space<hbm>> -> memref<1x512xi32, #tpu.memory_space<hbm>>
      tpu.enqueue_dma source(%dma_start3A_32 : memref<1x512xi32, #tpu.memory_space<hbm>>) target(%arg8 : memref<1x512xi32, #tpu.memory_space<vmem>>) target_semaphore(%run_scoped3A : memref<!tpu.dma_semaphore, #tpu.memory_space<semaphore_mem>>)
      %dma_wait3A_33 = arith.constant 0 : i32
      %dma_wait3A_34 = arith.constant 0 : i32
      %dma_wait3A_35 = tpu.memref_slice %arg2[%add3A, %dma_wait3A_33, %dma_wait3A_34] : memref<32x1x512xi32, #tpu.memory_space<hbm>> -> memref<1x1x512xi32, #tpu.memory_space<hbm>>
      %dma_wait3A_36 = tpu.memref_squeeze %dma_wait3A_35 : memref<1x1x512xi32, #tpu.memory_space<hbm>> -> memref<1x512xi32, #tpu.memory_space<hbm>>
      %dma_wait3A_37 = arith.constant 0 : i32
      %dma_wait3A_38 = arith.constant 0 : i32
      %dma_wait3A_39 = tpu.memref_slice %arg2[%add3A, %dma_wait3A_37, %dma_wait3A_38] : memref<32x1x512xi32, #tpu.memory_space<hbm>> -> memref<1x1x512xi32, #tpu.memory_space<hbm>>
      %dma_wait3A_40 = tpu.memref_squeeze %dma_wait3A_39 : memref<1x1x512xi32, #tpu.memory_space<hbm>> -> memref<1x512xi32, #tpu.memory_space<hbm>>
      tpu.wait_dma2 semaphore(%run_scoped3A : memref<!tpu.dma_semaphore, #tpu.memory_space<semaphore_mem>>) src(%dma_wait3A_40 : memref<1x512xi32, #tpu.memory_space<hbm>>) dst(%arg8 : memref<1x512xi32, #tpu.memory_space<vmem>>)
      tpu.yield
    }) : () -> ()
    "tpu.region"() ({
      %run_scoped3A = tpu.sem_alloc : memref<!tpu.dma_semaphore, #tpu.memory_space<semaphore_mem>>
      %dma_start3A_25 = arith.constant 0 : i32
      %dma_start3A_26 = arith.constant 0 : i32
      %dma_start3A_27 = tpu.memref_slice %arg3[%add3A, %dma_start3A_25, %dma_start3A_26] : memref<32x1x512xi32, #tpu.memory_space<hbm>> -> memref<1x1x512xi32, #tpu.memory_space<hbm>>
      %dma_start3A_28 = tpu.memref_squeeze %dma_start3A_27 : memref<1x1x512xi32, #tpu.memory_space<hbm>> -> memref<1x512xi32, #tpu.memory_space<hbm>>
      %dma_start3A_29 = arith.constant 0 : i32
      %dma_start3A_30 = arith.constant 0 : i32
      %dma_start3A_31 = tpu.memref_slice %arg3[%add3A, %dma_start3A_29, %dma_start3A_30] : memref<32x1x512xi32, #tpu.memory_space<hbm>> -> memref<1x1x512xi32, #tpu.memory_space<hbm>>
      %dma_start3A_32 = tpu.memref_squeeze %dma_start3A_31 : memref<1x1x512xi32, #tpu.memory_space<hbm>> -> memref<1x512xi32, #tpu.memory_space<hbm>>
      tpu.enqueue_dma source(%dma_start3A_32 : memref<1x512xi32, #tpu.memory_space<hbm>>) target(%arg9 : memref<1x512xi32, #tpu.memory_space<vmem>>) target_semaphore(%run_scoped3A : memref<!tpu.dma_semaphore, #tpu.memory_space<semaphore_mem>>)
      %dma_wait3A_33 = arith.constant 0 : i32
      %dma_wait3A_34 = arith.constant 0 : i32
      %dma_wait3A_35 = tpu.memref_slice %arg3[%add3A, %dma_wait3A_33, %dma_wait3A_34] : memref<32x1x512xi32, #tpu.memory_space<hbm>> -> memref<1x1x512xi32, #tpu.memory_space<hbm>>
      %dma_wait3A_36 = tpu.memref_squeeze %dma_wait3A_35 : memref<1x1x512xi32, #tpu.memory_space<hbm>> -> memref<1x512xi32, #tpu.memory_space<hbm>>
      %dma_wait3A_37 = arith.constant 0 : i32
      %dma_wait3A_38 = arith.constant 0 : i32
      %dma_wait3A_39 = tpu.memref_slice %arg3[%add3A, %dma_wait3A_37, %dma_wait3A_38] : memref<32x1x512xi32, #tpu.memory_space<hbm>> -> memref<1x1x512xi32, #tpu.memory_space<hbm>>
      %dma_wait3A_40 = tpu.memref_squeeze %dma_wait3A_39 : memref<1x1x512xi32, #tpu.memory_space<hbm>> -> memref<1x512xi32, #tpu.memory_space<hbm>>
      tpu.wait_dma2 semaphore(%run_scoped3A : memref<!tpu.dma_semaphore, #tpu.memory_space<semaphore_mem>>) src(%dma_wait3A_40 : memref<1x512xi32, #tpu.memory_space<hbm>>) dst(%arg9 : memref<1x512xi32, #tpu.memory_space<vmem>>)
      tpu.yield
    }) : () -> ()
    %dma_start3A = arith.constant 0 : i32
    %dma_start3A_3 = arith.constant 0 : i32
    %dma_start3A_4 = tpu.memref_slice %arg8[%dma_start3A, %dma_start3A_3] : memref<1x512xi32, #tpu.memory_space<vmem>> -> memref<1x512xi32, #tpu.memory_space<vmem>>
    %dma_start3A_5 = tpu.memref_squeeze %dma_start3A_4 : memref<1x512xi32, #tpu.memory_space<vmem>> -> memref<512xi32, #tpu.memory_space<vmem>>
    %dma_start3A_6 = arith.constant 0 : i32
    %dma_start3A_7 = tpu.memref_slice %arg4[%dma_start3A_6] : memref<1000000xf32, #tpu.memory_space<hbm>> -> memref<1000000xf32, #tpu.memory_space<hbm>>
    tpu.enqueue_indirect_dma source(%dma_start3A_7 : memref<1000000xf32, #tpu.memory_space<hbm>>) target(%arg10 : memref<512xf32, #tpu.memory_space<vmem>>) offsets(%dma_start3A_5 : memref<512xi32, #tpu.memory_space<vmem>>) semaphore(%arg12 : memref<!tpu.dma_semaphore, #tpu.memory_space<semaphore_mem>>)
    %dma_start3A_8 = arith.constant 0 : i32
    %dma_start3A_9 = arith.constant 0 : i32
    %dma_start3A_10 = tpu.memref_slice %arg9[%dma_start3A_8, %dma_start3A_9] : memref<1x512xi32, #tpu.memory_space<vmem>> -> memref<1x512xi32, #tpu.memory_space<vmem>>
    %dma_start3A_11 = tpu.memref_squeeze %dma_start3A_10 : memref<1x512xi32, #tpu.memory_space<vmem>> -> memref<512xi32, #tpu.memory_space<vmem>>
    %dma_start3A_12 = arith.constant 0 : i32
    %dma_start3A_13 = tpu.memref_slice %arg5[%dma_start3A_12] : memref<100000xf32, #tpu.memory_space<hbm>> -> memref<100000xf32, #tpu.memory_space<hbm>>
    tpu.enqueue_indirect_dma source(%dma_start3A_13 : memref<100000xf32, #tpu.memory_space<hbm>>) target(%arg11 : memref<512xf32, #tpu.memory_space<vmem>>) offsets(%dma_start3A_11 : memref<512xi32, #tpu.memory_space<vmem>>) semaphore(%arg12 : memref<!tpu.dma_semaphore, #tpu.memory_space<semaphore_mem>>)
    %dma_wait3A = arith.constant 0 : i32
    %dma_wait3A_14 = arith.constant 0 : i32
    %dma_wait3A_15 = tpu.memref_slice %arg8[%dma_wait3A, %dma_wait3A_14] : memref<1x512xi32, #tpu.memory_space<vmem>> -> memref<1x512xi32, #tpu.memory_space<vmem>>
    %dma_wait3A_16 = tpu.memref_squeeze %dma_wait3A_15 : memref<1x512xi32, #tpu.memory_space<vmem>> -> memref<512xi32, #tpu.memory_space<vmem>>
    %dma_wait3A_17 = arith.constant 0 : i32
    %dma_wait3A_18 = tpu.memref_slice %arg4[%dma_wait3A_17] : memref<1000000xf32, #tpu.memory_space<hbm>> -> memref<1000000xf32, #tpu.memory_space<hbm>>
    tpu.wait_indirect_dma semaphore(%arg12 : memref<!tpu.dma_semaphore, #tpu.memory_space<semaphore_mem>>) src(%dma_wait3A_18 : memref<1000000xf32, #tpu.memory_space<hbm>>) dst(%arg10 : memref<512xf32, #tpu.memory_space<vmem>>)
    %dma_wait3A_19 = arith.constant 0 : i32
    %dma_wait3A_20 = arith.constant 0 : i32
    %dma_wait3A_21 = tpu.memref_slice %arg9[%dma_wait3A_19, %dma_wait3A_20] : memref<1x512xi32, #tpu.memory_space<vmem>> -> memref<1x512xi32, #tpu.memory_space<vmem>>
    %dma_wait3A_22 = tpu.memref_squeeze %dma_wait3A_21 : memref<1x512xi32, #tpu.memory_space<vmem>> -> memref<512xi32, #tpu.memory_space<vmem>>
    %dma_wait3A_23 = arith.constant 0 : i32
    %dma_wait3A_24 = tpu.memref_slice %arg5[%dma_wait3A_23] : memref<100000xf32, #tpu.memory_space<hbm>> -> memref<100000xf32, #tpu.memory_space<hbm>>
    tpu.wait_indirect_dma semaphore(%arg12 : memref<!tpu.dma_semaphore, #tpu.memory_space<semaphore_mem>>) src(%dma_wait3A_24 : memref<100000xf32, #tpu.memory_space<hbm>>) dst(%arg11 : memref<512xf32, #tpu.memory_space<vmem>>)
    "tpu.region"() ({
      %run_scoped3A = tpu.sem_alloc : memref<!tpu.dma_semaphore, #tpu.memory_space<semaphore_mem>>
      %dma_start3A_25 = tpu.memref_slice %arg6[%mul3A_2] : memref<16384xf32, #tpu.memory_space<hbm>> -> memref<512xf32, #tpu.memory_space<hbm>>
      %dma_start3A_26 = tpu.memref_slice %arg6[%mul3A_2] : memref<16384xf32, #tpu.memory_space<hbm>> -> memref<512xf32, #tpu.memory_space<hbm>>
      tpu.enqueue_dma source(%arg10 : memref<512xf32, #tpu.memory_space<vmem>>) target(%dma_start3A_26 : memref<512xf32, #tpu.memory_space<hbm>>) target_semaphore(%run_scoped3A : memref<!tpu.dma_semaphore, #tpu.memory_space<semaphore_mem>>)
      %dma_wait3A_27 = tpu.memref_slice %arg6[%mul3A_2] : memref<16384xf32, #tpu.memory_space<hbm>> -> memref<512xf32, #tpu.memory_space<hbm>>
      %dma_wait3A_28 = tpu.memref_slice %arg6[%mul3A_2] : memref<16384xf32, #tpu.memory_space<hbm>> -> memref<512xf32, #tpu.memory_space<hbm>>
      tpu.wait_dma2 semaphore(%run_scoped3A : memref<!tpu.dma_semaphore, #tpu.memory_space<semaphore_mem>>) src(%arg10 : memref<512xf32, #tpu.memory_space<vmem>>) dst(%dma_wait3A_28 : memref<512xf32, #tpu.memory_space<hbm>>)
      tpu.yield
    }) : () -> ()
    "tpu.region"() ({
      %run_scoped3A = tpu.sem_alloc : memref<!tpu.dma_semaphore, #tpu.memory_space<semaphore_mem>>
      %dma_start3A_25 = tpu.memref_slice %arg7[%mul3A_2] : memref<16384xf32, #tpu.memory_space<hbm>> -> memref<512xf32, #tpu.memory_space<hbm>>
      %dma_start3A_26 = tpu.memref_slice %arg7[%mul3A_2] : memref<16384xf32, #tpu.memory_space<hbm>> -> memref<512xf32, #tpu.memory_space<hbm>>
      tpu.enqueue_dma source(%arg11 : memref<512xf32, #tpu.memory_space<vmem>>) target(%dma_start3A_26 : memref<512xf32, #tpu.memory_space<hbm>>) target_semaphore(%run_scoped3A : memref<!tpu.dma_semaphore, #tpu.memory_space<semaphore_mem>>)
      %dma_wait3A_27 = tpu.memref_slice %arg7[%mul3A_2] : memref<16384xf32, #tpu.memory_space<hbm>> -> memref<512xf32, #tpu.memory_space<hbm>>
      %dma_wait3A_28 = tpu.memref_slice %arg7[%mul3A_2] : memref<16384xf32, #tpu.memory_space<hbm>> -> memref<512xf32, #tpu.memory_space<hbm>>
      tpu.wait_dma2 semaphore(%run_scoped3A : memref<!tpu.dma_semaphore, #tpu.memory_space<semaphore_mem>>) src(%arg11 : memref<512xf32, #tpu.memory_space<vmem>>) dst(%dma_wait3A_28 : memref<512xf32, #tpu.memory_space<hbm>>)
      tpu.yield
    }) : () -> ()
    return
  }
}

#map = affine_map<(d0, d1) -> (0, 0, 0)>
#map1 = affine_map<(d0, d1) -> (0, 0)>
module attributes {stable_mosaic.version = 14 : i64} {
  func.func @_sc_emb_body(%arg0: i32, %arg1: i32, %arg2: memref<32x1x512xi32, #tpu.memory_space<hbm>>, %arg3: memref<32x1x512xi32, #tpu.memory_space<hbm>>, %arg4: memref<1000000x64xf32, #tpu.memory_space<hbm>>, %arg5: memref<100000x64xf32, #tpu.memory_space<hbm>>, %arg6: memref<16384x64xf32, #tpu.memory_space<hbm>>, %arg7: memref<16384x64xf32, #tpu.memory_space<hbm>>, %arg8: memref<1x512xi32, #tpu.memory_space<vmem>>, %arg9: memref<1x512xi32, #tpu.memory_space<vmem>>, %arg10: memref<256x64xf32, #tpu.memory_space<vmem>>, %arg11: memref<256x64xf32, #tpu.memory_space<vmem>>, %arg12: memref<!tpu.dma_semaphore, #tpu.memory_space<semaphore_mem>>, %arg13: memref<!tpu.dma_semaphore, #tpu.memory_space<semaphore_mem>>) attributes {dimension_semantics = [#tpu.dimension_semantics<core_parallel>, #tpu.dimension_semantics<subcore_parallel>], iteration_bounds = array<i64: 2, 16>, scalar_prefetch = 0 : i64, scratch_operands = 6 : i64, tpu.core_type = #tpu.core_type<sc_vector_subcore>, window_params = [{transform_indices = #map}, {transform_indices = #map}, {transform_indices = #map1}, {transform_indices = #map1}, {transform_indices = #map1}, {transform_indices = #map1}]} {
    %mul3A = arith.constant 2 : i32
    %mul3A_0 = arith.muli %arg1, %mul3A : i32
    %add3A = arith.addi %mul3A_0, %arg0 : i32
    %mul3A_1 = arith.constant 512 : i32
    %mul3A_2 = arith.muli %add3A, %mul3A_1 : i32
    "tpu.region"() ({
      %run_scoped3A = tpu.sem_alloc : memref<!tpu.dma_semaphore, #tpu.memory_space<semaphore_mem>>
      %dma_start3A = arith.constant 0 : i32
      %dma_start3A_47 = arith.constant 0 : i32
      %dma_start3A_48 = tpu.memref_slice %arg2[%add3A, %dma_start3A, %dma_start3A_47] : memref<32x1x512xi32, #tpu.memory_space<hbm>> -> memref<1x1x512xi32, #tpu.memory_space<hbm>>
      %dma_start3A_49 = tpu.memref_squeeze %dma_start3A_48 : memref<1x1x512xi32, #tpu.memory_space<hbm>> -> memref<1x512xi32, #tpu.memory_space<hbm>>
      %dma_start3A_50 = arith.constant 0 : i32
      %dma_start3A_51 = arith.constant 0 : i32
      %dma_start3A_52 = tpu.memref_slice %arg2[%add3A, %dma_start3A_50, %dma_start3A_51] : memref<32x1x512xi32, #tpu.memory_space<hbm>> -> memref<1x1x512xi32, #tpu.memory_space<hbm>>
      %dma_start3A_53 = tpu.memref_squeeze %dma_start3A_52 : memref<1x1x512xi32, #tpu.memory_space<hbm>> -> memref<1x512xi32, #tpu.memory_space<hbm>>
      tpu.enqueue_dma source(%dma_start3A_53 : memref<1x512xi32, #tpu.memory_space<hbm>>) target(%arg8 : memref<1x512xi32, #tpu.memory_space<vmem>>) target_semaphore(%run_scoped3A : memref<!tpu.dma_semaphore, #tpu.memory_space<semaphore_mem>>)
      %dma_wait3A_54 = arith.constant 0 : i32
      %dma_wait3A_55 = arith.constant 0 : i32
      %dma_wait3A_56 = tpu.memref_slice %arg2[%add3A, %dma_wait3A_54, %dma_wait3A_55] : memref<32x1x512xi32, #tpu.memory_space<hbm>> -> memref<1x1x512xi32, #tpu.memory_space<hbm>>
      %dma_wait3A_57 = tpu.memref_squeeze %dma_wait3A_56 : memref<1x1x512xi32, #tpu.memory_space<hbm>> -> memref<1x512xi32, #tpu.memory_space<hbm>>
      %dma_wait3A_58 = arith.constant 0 : i32
      %dma_wait3A_59 = arith.constant 0 : i32
      %dma_wait3A_60 = tpu.memref_slice %arg2[%add3A, %dma_wait3A_58, %dma_wait3A_59] : memref<32x1x512xi32, #tpu.memory_space<hbm>> -> memref<1x1x512xi32, #tpu.memory_space<hbm>>
      %dma_wait3A_61 = tpu.memref_squeeze %dma_wait3A_60 : memref<1x1x512xi32, #tpu.memory_space<hbm>> -> memref<1x512xi32, #tpu.memory_space<hbm>>
      tpu.wait_dma2 semaphore(%run_scoped3A : memref<!tpu.dma_semaphore, #tpu.memory_space<semaphore_mem>>) src(%dma_wait3A_61 : memref<1x512xi32, #tpu.memory_space<hbm>>) dst(%arg8 : memref<1x512xi32, #tpu.memory_space<vmem>>)
      tpu.yield
    }) : () -> ()
    "tpu.region"() ({
      %run_scoped3A = tpu.sem_alloc : memref<!tpu.dma_semaphore, #tpu.memory_space<semaphore_mem>>
      %dma_start3A = arith.constant 0 : i32
      %dma_start3A_47 = arith.constant 0 : i32
      %dma_start3A_48 = tpu.memref_slice %arg3[%add3A, %dma_start3A, %dma_start3A_47] : memref<32x1x512xi32, #tpu.memory_space<hbm>> -> memref<1x1x512xi32, #tpu.memory_space<hbm>>
      %dma_start3A_49 = tpu.memref_squeeze %dma_start3A_48 : memref<1x1x512xi32, #tpu.memory_space<hbm>> -> memref<1x512xi32, #tpu.memory_space<hbm>>
      %dma_start3A_50 = arith.constant 0 : i32
      %dma_start3A_51 = arith.constant 0 : i32
      %dma_start3A_52 = tpu.memref_slice %arg3[%add3A, %dma_start3A_50, %dma_start3A_51] : memref<32x1x512xi32, #tpu.memory_space<hbm>> -> memref<1x1x512xi32, #tpu.memory_space<hbm>>
      %dma_start3A_53 = tpu.memref_squeeze %dma_start3A_52 : memref<1x1x512xi32, #tpu.memory_space<hbm>> -> memref<1x512xi32, #tpu.memory_space<hbm>>
      tpu.enqueue_dma source(%dma_start3A_53 : memref<1x512xi32, #tpu.memory_space<hbm>>) target(%arg9 : memref<1x512xi32, #tpu.memory_space<vmem>>) target_semaphore(%run_scoped3A : memref<!tpu.dma_semaphore, #tpu.memory_space<semaphore_mem>>)
      %dma_wait3A_54 = arith.constant 0 : i32
      %dma_wait3A_55 = arith.constant 0 : i32
      %dma_wait3A_56 = tpu.memref_slice %arg3[%add3A, %dma_wait3A_54, %dma_wait3A_55] : memref<32x1x512xi32, #tpu.memory_space<hbm>> -> memref<1x1x512xi32, #tpu.memory_space<hbm>>
      %dma_wait3A_57 = tpu.memref_squeeze %dma_wait3A_56 : memref<1x1x512xi32, #tpu.memory_space<hbm>> -> memref<1x512xi32, #tpu.memory_space<hbm>>
      %dma_wait3A_58 = arith.constant 0 : i32
      %dma_wait3A_59 = arith.constant 0 : i32
      %dma_wait3A_60 = tpu.memref_slice %arg3[%add3A, %dma_wait3A_58, %dma_wait3A_59] : memref<32x1x512xi32, #tpu.memory_space<hbm>> -> memref<1x1x512xi32, #tpu.memory_space<hbm>>
      %dma_wait3A_61 = tpu.memref_squeeze %dma_wait3A_60 : memref<1x1x512xi32, #tpu.memory_space<hbm>> -> memref<1x512xi32, #tpu.memory_space<hbm>>
      tpu.wait_dma2 semaphore(%run_scoped3A : memref<!tpu.dma_semaphore, #tpu.memory_space<semaphore_mem>>) src(%dma_wait3A_61 : memref<1x512xi32, #tpu.memory_space<hbm>>) dst(%arg9 : memref<1x512xi32, #tpu.memory_space<vmem>>)
      tpu.yield
    }) : () -> ()
    %scan3A = arith.constant 0 : i32
    %scan3A_3 = arith.constant 0 : i32
    %scan3A_4 = arith.constant 16 : i32
    %scan3A_5 = arith.addi %scan3A_3, %scan3A_4 : i32
    %scan3A_6 = arith.constant 1 : i32
    %scan3A_7 = scf.for %scan3A_47 = %scan3A_3 to %scan3A_5 step %scan3A_6 iter_args(%scan3A_48 = %scan3A) -> (i32)  : i32 {
      %mul3A_49 = arith.constant 16 : i32
      %mul3A_50 = arith.muli %scan3A_47, %mul3A_49 : i32
      %add3A_51 = arith.constant 0 : i32
      %add3A_52 = arith.addi %add3A_51, %mul3A_50 : i32
      %get3A = arith.constant 0 : i32
      %get3A_53 = arith.index_cast %get3A : i32 to index
      %get3A_54 = arith.index_cast %add3A_52 : i32 to index
      %get3A_55 = tpu.vector_load %arg8[%get3A_53, %get3A_54] {strides = array<i32>} : memref<1x512xi32, #tpu.memory_space<vmem>>, vector<1x16xi32>,
      %get3A_56 = vector.shape_cast %get3A_55 : vector<1x16xi32> to vector<16xi32>
      %mul3A_57 = arith.constant 16 : i32
      %mul3A_58 = arith.muli %scan3A_47, %mul3A_57 : i32
      %add3A_59 = arith.constant 0 : i32
      %add3A_60 = arith.addi %add3A_59, %mul3A_58 : i32
      %get3A_61 = arith.constant 0 : i32
      %get3A_62 = arith.index_cast %get3A_61 : i32 to index
      %get3A_63 = arith.index_cast %add3A_60 : i32 to index
      %get3A_64 = tpu.vector_load %arg9[%get3A_62, %get3A_63] {strides = array<i32>} : memref<1x512xi32, #tpu.memory_space<vmem>>, vector<1x16xi32>,
      %get3A_65 = vector.shape_cast %get3A_64 : vector<1x16xi32> to vector<16xi32>
      %slice3A = vector.extract_strided_slice %get3A_56 {offsets = [0], sizes = [1], strides = [1]} : vector<16xi32> to vector<1xi32>
      %squeeze3A = vector.extract %slice3A[0] : i32 from vector<1xi32>
      %slice3A_66 = vector.extract_strided_slice %get3A_65 {offsets = [0], sizes = [1], strides = [1]} : vector<16xi32> to vector<1xi32>
      %squeeze3A_67 = vector.extract %slice3A_66[0] : i32 from vector<1xi32>
      %mul3A_68 = arith.constant 16 : i32
      %mul3A_69 = arith.muli %scan3A_47, %mul3A_68 : i32
      %add3A_70 = arith.constant 0 : i32
      %add3A_71 = arith.addi %mul3A_69, %add3A_70 : i32
      %dma_start3A = arith.constant 0 : i32
      %dma_start3A_72 = tpu.memref_slice %arg10[%add3A_71, %dma_start3A] : memref<256x64xf32, #tpu.memory_space<vmem>> -> memref<1x64xf32, #tpu.memory_space<vmem>>
      %dma_start3A_73 = arith.constant 0 : i32
      %dma_start3A_74 = tpu.memref_slice %arg4[%squeeze3A, %dma_start3A_73] : memref<1000000x64xf32, #tpu.memory_space<hbm>> -> memref<1x64xf32, #tpu.memory_space<hbm>>
      %dma_start3A_75 = arith.constant 0 : i32
      %dma_start3A_76 = tpu.memref_slice %arg10[%add3A_71, %dma_start3A_75] : memref<256x64xf32, #tpu.memory_space<vmem>> -> memref<1x64xf32, #tpu.memory_space<vmem>>
      %dma_start3A_77 = arith.constant 0 : i32
      %dma_start3A_78 = tpu.memref_slice %arg4[%squeeze3A, %dma_start3A_77] : memref<1000000x64xf32, #tpu.memory_space<hbm>> -> memref<1x64xf32, #tpu.memory_space<hbm>>
      tpu.enqueue_dma source(%dma_start3A_78 : memref<1x64xf32, #tpu.memory_space<hbm>>) target(%dma_start3A_76 : memref<1x64xf32, #tpu.memory_space<vmem>>) target_semaphore(%arg12 : memref<!tpu.dma_semaphore, #tpu.memory_space<semaphore_mem>>)
      %dma_start3A_79 = arith.constant 0 : i32
      %dma_start3A_80 = tpu.memref_slice %arg11[%add3A_71, %dma_start3A_79] : memref<256x64xf32, #tpu.memory_space<vmem>> -> memref<1x64xf32, #tpu.memory_space<vmem>>
      %dma_start3A_81 = arith.constant 0 : i32
      %dma_start3A_82 = tpu.memref_slice %arg5[%squeeze3A_67, %dma_start3A_81] : memref<100000x64xf32, #tpu.memory_space<hbm>> -> memref<1x64xf32, #tpu.memory_space<hbm>>
      %dma_start3A_83 = arith.constant 0 : i32
      %dma_start3A_84 = tpu.memref_slice %arg11[%add3A_71, %dma_start3A_83] : memref<256x64xf32, #tpu.memory_space<vmem>> -> memref<1x64xf32, #tpu.memory_space<vmem>>
      %dma_start3A_85 = arith.constant 0 : i32
      %dma_start3A_86 = tpu.memref_slice %arg5[%squeeze3A_67, %dma_start3A_85] : memref<100000x64xf32, #tpu.memory_space<hbm>> -> memref<1x64xf32, #tpu.memory_space<hbm>>
      tpu.enqueue_dma source(%dma_start3A_86 : memref<1x64xf32, #tpu.memory_space<hbm>>) target(%dma_start3A_84 : memref<1x64xf32, #tpu.memory_space<vmem>>) target_semaphore(%arg13 : memref<!tpu.dma_semaphore, #tpu.memory_space<semaphore_mem>>)
      %slice3A_87 = vector.extract_strided_slice %get3A_56 {offsets = [1], sizes = [1], strides = [1]} : vector<16xi32> to vector<1xi32>
      %squeeze3A_88 = vector.extract %slice3A_87[0] : i32 from vector<1xi32>
      %slice3A_89 = vector.extract_strided_slice %get3A_65 {offsets = [1], sizes = [1], strides = [1]} : vector<16xi32> to vector<1xi32>
      %squeeze3A_90 = vector.extract %slice3A_89[0] : i32 from vector<1xi32>
      %mul3A_91 = arith.constant 16 : i32
      %mul3A_92 = arith.muli %scan3A_47, %mul3A_91 : i32
      %add3A_93 = arith.constant 1 : i32
      %add3A_94 = arith.addi %mul3A_92, %add3A_93 : i32
      %dma_start3A_95 = arith.constant 0 : i32
      %dma_start3A_96 = tpu.memref_slice %arg10[%add3A_94, %dma_start3A_95] : memref<256x64xf32, #tpu.memory_space<vmem>> -> memref<1x64xf32, #tpu.memory_space<vmem>>
      %dma_start3A_97 = arith.constant 0 : i32
      %dma_start3A_98 = tpu.memref_slice %arg4[%squeeze3A_88, %dma_start3A_97] : memref<1000000x64xf32, #tpu.memory_space<hbm>> -> memref<1x64xf32, #tpu.memory_space<hbm>>
      %dma_start3A_99 = arith.constant 0 : i32
      %dma_start3A_100 = tpu.memref_slice %arg10[%add3A_94, %dma_start3A_99] : memref<256x64xf32, #tpu.memory_space<vmem>> -> memref<1x64xf32, #tpu.memory_space<vmem>>
      %dma_start3A_101 = arith.constant 0 : i32
      %dma_start3A_102 = tpu.memref_slice %arg4[%squeeze3A_88, %dma_start3A_101] : memref<1000000x64xf32, #tpu.memory_space<hbm>> -> memref<1x64xf32, #tpu.memory_space<hbm>>
      tpu.enqueue_dma source(%dma_start3A_102 : memref<1x64xf32, #tpu.memory_space<hbm>>) target(%dma_start3A_100 : memref<1x64xf32, #tpu.memory_space<vmem>>) target_semaphore(%arg12 : memref<!tpu.dma_semaphore, #tpu.memory_space<semaphore_mem>>)
      %dma_start3A_103 = arith.constant 0 : i32
      %dma_start3A_104 = tpu.memref_slice %arg11[%add3A_94, %dma_start3A_103] : memref<256x64xf32, #tpu.memory_space<vmem>> -> memref<1x64xf32, #tpu.memory_space<vmem>>
      %dma_start3A_105 = arith.constant 0 : i32
      %dma_start3A_106 = tpu.memref_slice %arg5[%squeeze3A_90, %dma_start3A_105] : memref<100000x64xf32, #tpu.memory_space<hbm>> -> memref<1x64xf32, #tpu.memory_space<hbm>>
      %dma_start3A_107 = arith.constant 0 : i32
      %dma_start3A_108 = tpu.memref_slice %arg11[%add3A_94, %dma_start3A_107] : memref<256x64xf32, #tpu.memory_space<vmem>> -> memref<1x64xf32, #tpu.memory_space<vmem>>
      %dma_start3A_109 = arith.constant 0 : i32
      %dma_start3A_110 = tpu.memref_slice %arg5[%squeeze3A_90, %dma_start3A_109] : memref<100000x64xf32, #tpu.memory_space<hbm>> -> memref<1x64xf32, #tpu.memory_space<hbm>>
      tpu.enqueue_dma source(%dma_start3A_110 : memref<1x64xf32, #tpu.memory_space<hbm>>) target(%dma_start3A_108 : memref<1x64xf32, #tpu.memory_space<vmem>>) target_semaphore(%arg13 : memref<!tpu.dma_semaphore, #tpu.memory_space<semaphore_mem>>)
      %slice3A_111 = vector.extract_strided_slice %get3A_56 {offsets = [2], sizes = [1], strides = [1]} : vector<16xi32> to vector<1xi32>
      %squeeze3A_112 = vector.extract %slice3A_111[0] : i32 from vector<1xi32>
      %slice3A_113 = vector.extract_strided_slice %get3A_65 {offsets = [2], sizes = [1], strides = [1]} : vector<16xi32> to vector<1xi32>
      %squeeze3A_114 = vector.extract %slice3A_113[0] : i32 from vector<1xi32>
      %mul3A_115 = arith.constant 16 : i32
      %mul3A_116 = arith.muli %scan3A_47, %mul3A_115 : i32
      %add3A_117 = arith.constant 2 : i32
      %add3A_118 = arith.addi %mul3A_116, %add3A_117 : i32
      %dma_start3A_119 = arith.constant 0 : i32
      %dma_start3A_120 = tpu.memref_slice %arg10[%add3A_118, %dma_start3A_119] : memref<256x64xf32, #tpu.memory_space<vmem>> -> memref<1x64xf32, #tpu.memory_space<vmem>>
      %dma_start3A_121 = arith.constant 0 : i32
      %dma_start3A_122 = tpu.memref_slice %arg4[%squeeze3A_112, %dma_start3A_121] : memref<1000000x64xf32, #tpu.memory_space<hbm>> -> memref<1x64xf32, #tpu.memory_space<hbm>>
      %dma_start3A_123 = arith.constant 0 : i32
      %dma_start3A_124 = tpu.memref_slice %arg10[%add3A_118, %dma_start3A_123] : memref<256x64xf32, #tpu.memory_space<vmem>> -> memref<1x64xf32, #tpu.memory_space<vmem>>
      %dma_start3A_125 = arith.constant 0 : i32
      %dma_start3A_126 = tpu.memref_slice %arg4[%squeeze3A_112, %dma_start3A_125] : memref<1000000x64xf32, #tpu.memory_space<hbm>> -> memref<1x64xf32, #tpu.memory_space<hbm>>
      tpu.enqueue_dma source(%dma_start3A_126 : memref<1x64xf32, #tpu.memory_space<hbm>>) target(%dma_start3A_124 : memref<1x64xf32, #tpu.memory_space<vmem>>) target_semaphore(%arg12 : memref<!tpu.dma_semaphore, #tpu.memory_space<semaphore_mem>>)
      %dma_start3A_127 = arith.constant 0 : i32
      %dma_start3A_128 = tpu.memref_slice %arg11[%add3A_118, %dma_start3A_127] : memref<256x64xf32, #tpu.memory_space<vmem>> -> memref<1x64xf32, #tpu.memory_space<vmem>>
      %dma_start3A_129 = arith.constant 0 : i32
      %dma_start3A_130 = tpu.memref_slice %arg5[%squeeze3A_114, %dma_start3A_129] : memref<100000x64xf32, #tpu.memory_space<hbm>> -> memref<1x64xf32, #tpu.memory_space<hbm>>
      %dma_start3A_131 = arith.constant 0 : i32
      %dma_start3A_132 = tpu.memref_slice %arg11[%add3A_118, %dma_start3A_131] : memref<256x64xf32, #tpu.memory_space<vmem>> -> memref<1x64xf32, #tpu.memory_space<vmem>>
      %dma_start3A_133 = arith.constant 0 : i32
      %dma_start3A_134 = tpu.memref_slice %arg5[%squeeze3A_114, %dma_start3A_133] : memref<100000x64xf32, #tpu.memory_space<hbm>> -> memref<1x64xf32, #tpu.memory_space<hbm>>
      tpu.enqueue_dma source(%dma_start3A_134 : memref<1x64xf32, #tpu.memory_space<hbm>>) target(%dma_start3A_132 : memref<1x64xf32, #tpu.memory_space<vmem>>) target_semaphore(%arg13 : memref<!tpu.dma_semaphore, #tpu.memory_space<semaphore_mem>>)
      %slice3A_135 = vector.extract_strided_slice %get3A_56 {offsets = [3], sizes = [1], strides = [1]} : vector<16xi32> to vector<1xi32>
      %squeeze3A_136 = vector.extract %slice3A_135[0] : i32 from vector<1xi32>
      %slice3A_137 = vector.extract_strided_slice %get3A_65 {offsets = [3], sizes = [1], strides = [1]} : vector<16xi32> to vector<1xi32>
      %squeeze3A_138 = vector.extract %slice3A_137[0] : i32 from vector<1xi32>
      %mul3A_139 = arith.constant 16 : i32
      %mul3A_140 = arith.muli %scan3A_47, %mul3A_139 : i32
      %add3A_141 = arith.constant 3 : i32
      %add3A_142 = arith.addi %mul3A_140, %add3A_141 : i32
      %dma_start3A_143 = arith.constant 0 : i32
      %dma_start3A_144 = tpu.memref_slice %arg10[%add3A_142, %dma_start3A_143] : memref<256x64xf32, #tpu.memory_space<vmem>> -> memref<1x64xf32, #tpu.memory_space<vmem>>
      %dma_start3A_145 = arith.constant 0 : i32
      %dma_start3A_146 = tpu.memref_slice %arg4[%squeeze3A_136, %dma_start3A_145] : memref<1000000x64xf32, #tpu.memory_space<hbm>> -> memref<1x64xf32, #tpu.memory_space<hbm>>
      %dma_start3A_147 = arith.constant 0 : i32
      %dma_start3A_148 = tpu.memref_slice %arg10[%add3A_142, %dma_start3A_147] : memref<256x64xf32, #tpu.memory_space<vmem>> -> memref<1x64xf32, #tpu.memory_space<vmem>>
      %dma_start3A_149 = arith.constant 0 : i32
      %dma_start3A_150 = tpu.memref_slice %arg4[%squeeze3A_136, %dma_start3A_149] : memref<1000000x64xf32, #tpu.memory_space<hbm>> -> memref<1x64xf32, #tpu.memory_space<hbm>>
      tpu.enqueue_dma source(%dma_start3A_150 : memref<1x64xf32, #tpu.memory_space<hbm>>) target(%dma_start3A_148 : memref<1x64xf32, #tpu.memory_space<vmem>>) target_semaphore(%arg12 : memref<!tpu.dma_semaphore, #tpu.memory_space<semaphore_mem>>)
      %dma_start3A_151 = arith.constant 0 : i32
      %dma_start3A_152 = tpu.memref_slice %arg11[%add3A_142, %dma_start3A_151] : memref<256x64xf32, #tpu.memory_space<vmem>> -> memref<1x64xf32, #tpu.memory_space<vmem>>
      %dma_start3A_153 = arith.constant 0 : i32
      %dma_start3A_154 = tpu.memref_slice %arg5[%squeeze3A_138, %dma_start3A_153] : memref<100000x64xf32, #tpu.memory_space<hbm>> -> memref<1x64xf32, #tpu.memory_space<hbm>>
      %dma_start3A_155 = arith.constant 0 : i32
      %dma_start3A_156 = tpu.memref_slice %arg11[%add3A_142, %dma_start3A_155] : memref<256x64xf32, #tpu.memory_space<vmem>> -> memref<1x64xf32, #tpu.memory_space<vmem>>
      %dma_start3A_157 = arith.constant 0 : i32
      %dma_start3A_158 = tpu.memref_slice %arg5[%squeeze3A_138, %dma_start3A_157] : memref<100000x64xf32, #tpu.memory_space<hbm>> -> memref<1x64xf32, #tpu.memory_space<hbm>>
      tpu.enqueue_dma source(%dma_start3A_158 : memref<1x64xf32, #tpu.memory_space<hbm>>) target(%dma_start3A_156 : memref<1x64xf32, #tpu.memory_space<vmem>>) target_semaphore(%arg13 : memref<!tpu.dma_semaphore, #tpu.memory_space<semaphore_mem>>)
      %slice3A_159 = vector.extract_strided_slice %get3A_56 {offsets = [4], sizes = [1], strides = [1]} : vector<16xi32> to vector<1xi32>
      %squeeze3A_160 = vector.extract %slice3A_159[0] : i32 from vector<1xi32>
      %slice3A_161 = vector.extract_strided_slice %get3A_65 {offsets = [4], sizes = [1], strides = [1]} : vector<16xi32> to vector<1xi32>
      %squeeze3A_162 = vector.extract %slice3A_161[0] : i32 from vector<1xi32>
      %mul3A_163 = arith.constant 16 : i32
      %mul3A_164 = arith.muli %scan3A_47, %mul3A_163 : i32
      %add3A_165 = arith.constant 4 : i32
      %add3A_166 = arith.addi %mul3A_164, %add3A_165 : i32
      %dma_start3A_167 = arith.constant 0 : i32
      %dma_start3A_168 = tpu.memref_slice %arg10[%add3A_166, %dma_start3A_167] : memref<256x64xf32, #tpu.memory_space<vmem>> -> memref<1x64xf32, #tpu.memory_space<vmem>>
      %dma_start3A_169 = arith.constant 0 : i32
      %dma_start3A_170 = tpu.memref_slice %arg4[%squeeze3A_160, %dma_start3A_169] : memref<1000000x64xf32, #tpu.memory_space<hbm>> -> memref<1x64xf32, #tpu.memory_space<hbm>>
      %dma_start3A_171 = arith.constant 0 : i32
      %dma_start3A_172 = tpu.memref_slice %arg10[%add3A_166, %dma_start3A_171] : memref<256x64xf32, #tpu.memory_space<vmem>> -> memref<1x64xf32, #tpu.memory_space<vmem>>
      %dma_start3A_173 = arith.constant 0 : i32
      %dma_start3A_174 = tpu.memref_slice %arg4[%squeeze3A_160, %dma_start3A_173] : memref<1000000x64xf32, #tpu.memory_space<hbm>> -> memref<1x64xf32, #tpu.memory_space<hbm>>
      tpu.enqueue_dma source(%dma_start3A_174 : memref<1x64xf32, #tpu.memory_space<hbm>>) target(%dma_start3A_172 : memref<1x64xf32, #tpu.memory_space<vmem>>) target_semaphore(%arg12 : memref<!tpu.dma_semaphore, #tpu.memory_space<semaphore_mem>>)
      %dma_start3A_175 = arith.constant 0 : i32
      %dma_start3A_176 = tpu.memref_slice %arg11[%add3A_166, %dma_start3A_175] : memref<256x64xf32, #tpu.memory_space<vmem>> -> memref<1x64xf32, #tpu.memory_space<vmem>>
      %dma_start3A_177 = arith.constant 0 : i32
      %dma_start3A_178 = tpu.memref_slice %arg5[%squeeze3A_162, %dma_start3A_177] : memref<100000x64xf32, #tpu.memory_space<hbm>> -> memref<1x64xf32, #tpu.memory_space<hbm>>
      %dma_start3A_179 = arith.constant 0 : i32
      %dma_start3A_180 = tpu.memref_slice %arg11[%add3A_166, %dma_start3A_179] : memref<256x64xf32, #tpu.memory_space<vmem>> -> memref<1x64xf32, #tpu.memory_space<vmem>>
      %dma_start3A_181 = arith.constant 0 : i32
      %dma_start3A_182 = tpu.memref_slice %arg5[%squeeze3A_162, %dma_start3A_181] : memref<100000x64xf32, #tpu.memory_space<hbm>> -> memref<1x64xf32, #tpu.memory_space<hbm>>
      tpu.enqueue_dma source(%dma_start3A_182 : memref<1x64xf32, #tpu.memory_space<hbm>>) target(%dma_start3A_180 : memref<1x64xf32, #tpu.memory_space<vmem>>) target_semaphore(%arg13 : memref<!tpu.dma_semaphore, #tpu.memory_space<semaphore_mem>>)
      %slice3A_183 = vector.extract_strided_slice %get3A_56 {offsets = [5], sizes = [1], strides = [1]} : vector<16xi32> to vector<1xi32>
      %squeeze3A_184 = vector.extract %slice3A_183[0] : i32 from vector<1xi32>
      %slice3A_185 = vector.extract_strided_slice %get3A_65 {offsets = [5], sizes = [1], strides = [1]} : vector<16xi32> to vector<1xi32>
      %squeeze3A_186 = vector.extract %slice3A_185[0] : i32 from vector<1xi32>
      %mul3A_187 = arith.constant 16 : i32
      %mul3A_188 = arith.muli %scan3A_47, %mul3A_187 : i32
      %add3A_189 = arith.constant 5 : i32
      %add3A_190 = arith.addi %mul3A_188, %add3A_189 : i32
      %dma_start3A_191 = arith.constant 0 : i32
      %dma_start3A_192 = tpu.memref_slice %arg10[%add3A_190, %dma_start3A_191] : memref<256x64xf32, #tpu.memory_space<vmem>> -> memref<1x64xf32, #tpu.memory_space<vmem>>
      %dma_start3A_193 = arith.constant 0 : i32
      %dma_start3A_194 = tpu.memref_slice %arg4[%squeeze3A_184, %dma_start3A_193] : memref<1000000x64xf32, #tpu.memory_space<hbm>> -> memref<1x64xf32, #tpu.memory_space<hbm>>
      %dma_start3A_195 = arith.constant 0 : i32
      %dma_start3A_196 = tpu.memref_slice %arg10[%add3A_190, %dma_start3A_195] : memref<256x64xf32, #tpu.memory_space<vmem>> -> memref<1x64xf32, #tpu.memory_space<vmem>>
      %dma_start3A_197 = arith.constant 0 : i32
      %dma_start3A_198 = tpu.memref_slice %arg4[%squeeze3A_184, %dma_start3A_197] : memref<1000000x64xf32, #tpu.memory_space<hbm>> -> memref<1x64xf32, #tpu.memory_space<hbm>>
      tpu.enqueue_dma source(%dma_start3A_198 : memref<1x64xf32, #tpu.memory_space<hbm>>) target(%dma_start3A_196 : memref<1x64xf32, #tpu.memory_space<vmem>>) target_semaphore(%arg12 : memref<!tpu.dma_semaphore, #tpu.memory_space<semaphore_mem>>)
      %dma_start3A_199 = arith.constant 0 : i32
      %dma_start3A_200 = tpu.memref_slice %arg11[%add3A_190, %dma_start3A_199] : memref<256x64xf32, #tpu.memory_space<vmem>> -> memref<1x64xf32, #tpu.memory_space<vmem>>
      %dma_start3A_201 = arith.constant 0 : i32
      %dma_start3A_202 = tpu.memref_slice %arg5[%squeeze3A_186, %dma_start3A_201] : memref<100000x64xf32, #tpu.memory_space<hbm>> -> memref<1x64xf32, #tpu.memory_space<hbm>>
      %dma_start3A_203 = arith.constant 0 : i32
      %dma_start3A_204 = tpu.memref_slice %arg11[%add3A_190, %dma_start3A_203] : memref<256x64xf32, #tpu.memory_space<vmem>> -> memref<1x64xf32, #tpu.memory_space<vmem>>
      %dma_start3A_205 = arith.constant 0 : i32
      %dma_start3A_206 = tpu.memref_slice %arg5[%squeeze3A_186, %dma_start3A_205] : memref<100000x64xf32, #tpu.memory_space<hbm>> -> memref<1x64xf32, #tpu.memory_space<hbm>>
      tpu.enqueue_dma source(%dma_start3A_206 : memref<1x64xf32, #tpu.memory_space<hbm>>) target(%dma_start3A_204 : memref<1x64xf32, #tpu.memory_space<vmem>>) target_semaphore(%arg13 : memref<!tpu.dma_semaphore, #tpu.memory_space<semaphore_mem>>)
      %slice3A_207 = vector.extract_strided_slice %get3A_56 {offsets = [6], sizes = [1], strides = [1]} : vector<16xi32> to vector<1xi32>
      %squeeze3A_208 = vector.extract %slice3A_207[0] : i32 from vector<1xi32>
      %slice3A_209 = vector.extract_strided_slice %get3A_65 {offsets = [6], sizes = [1], strides = [1]} : vector<16xi32> to vector<1xi32>
      %squeeze3A_210 = vector.extract %slice3A_209[0] : i32 from vector<1xi32>
      %mul3A_211 = arith.constant 16 : i32
      %mul3A_212 = arith.muli %scan3A_47, %mul3A_211 : i32
      %add3A_213 = arith.constant 6 : i32
      %add3A_214 = arith.addi %mul3A_212, %add3A_213 : i32
      %dma_start3A_215 = arith.constant 0 : i32
      %dma_start3A_216 = tpu.memref_slice %arg10[%add3A_214, %dma_start3A_215] : memref<256x64xf32, #tpu.memory_space<vmem>> -> memref<1x64xf32, #tpu.memory_space<vmem>>
      %dma_start3A_217 = arith.constant 0 : i32
      %dma_start3A_218 = tpu.memref_slice %arg4[%squeeze3A_208, %dma_start3A_217] : memref<1000000x64xf32, #tpu.memory_space<hbm>> -> memref<1x64xf32, #tpu.memory_space<hbm>>
      %dma_start3A_219 = arith.constant 0 : i32
      %dma_start3A_220 = tpu.memref_slice %arg10[%add3A_214, %dma_start3A_219] : memref<256x64xf32, #tpu.memory_space<vmem>> -> memref<1x64xf32, #tpu.memory_space<vmem>>
      %dma_start3A_221 = arith.constant 0 : i32
      %dma_start3A_222 = tpu.memref_slice %arg4[%squeeze3A_208, %dma_start3A_221] : memref<1000000x64xf32, #tpu.memory_space<hbm>> -> memref<1x64xf32, #tpu.memory_space<hbm>>
      tpu.enqueue_dma source(%dma_start3A_222 : memref<1x64xf32, #tpu.memory_space<hbm>>) target(%dma_start3A_220 : memref<1x64xf32, #tpu.memory_space<vmem>>) target_semaphore(%arg12 : memref<!tpu.dma_semaphore, #tpu.memory_space<semaphore_mem>>)
      %dma_start3A_223 = arith.constant 0 : i32
      %dma_start3A_224 = tpu.memref_slice %arg11[%add3A_214, %dma_start3A_223] : memref<256x64xf32, #tpu.memory_space<vmem>> -> memref<1x64xf32, #tpu.memory_space<vmem>>
      %dma_start3A_225 = arith.constant 0 : i32
      %dma_start3A_226 = tpu.memref_slice %arg5[%squeeze3A_210, %dma_start3A_225] : memref<100000x64xf32, #tpu.memory_space<hbm>> -> memref<1x64xf32, #tpu.memory_space<hbm>>
      %dma_start3A_227 = arith.constant 0 : i32
      %dma_start3A_228 = tpu.memref_slice %arg11[%add3A_214, %dma_start3A_227] : memref<256x64xf32, #tpu.memory_space<vmem>> -> memref<1x64xf32, #tpu.memory_space<vmem>>
      %dma_start3A_229 = arith.constant 0 : i32
      %dma_start3A_230 = tpu.memref_slice %arg5[%squeeze3A_210, %dma_start3A_229] : memref<100000x64xf32, #tpu.memory_space<hbm>> -> memref<1x64xf32, #tpu.memory_space<hbm>>
      tpu.enqueue_dma source(%dma_start3A_230 : memref<1x64xf32, #tpu.memory_space<hbm>>) target(%dma_start3A_228 : memref<1x64xf32, #tpu.memory_space<vmem>>) target_semaphore(%arg13 : memref<!tpu.dma_semaphore, #tpu.memory_space<semaphore_mem>>)
      %slice3A_231 = vector.extract_strided_slice %get3A_56 {offsets = [7], sizes = [1], strides = [1]} : vector<16xi32> to vector<1xi32>
      %squeeze3A_232 = vector.extract %slice3A_231[0] : i32 from vector<1xi32>
      %slice3A_233 = vector.extract_strided_slice %get3A_65 {offsets = [7], sizes = [1], strides = [1]} : vector<16xi32> to vector<1xi32>
      %squeeze3A_234 = vector.extract %slice3A_233[0] : i32 from vector<1xi32>
      %mul3A_235 = arith.constant 16 : i32
      %mul3A_236 = arith.muli %scan3A_47, %mul3A_235 : i32
      %add3A_237 = arith.constant 7 : i32
      %add3A_238 = arith.addi %mul3A_236, %add3A_237 : i32
      %dma_start3A_239 = arith.constant 0 : i32
      %dma_start3A_240 = tpu.memref_slice %arg10[%add3A_238, %dma_start3A_239] : memref<256x64xf32, #tpu.memory_space<vmem>> -> memref<1x64xf32, #tpu.memory_space<vmem>>
      %dma_start3A_241 = arith.constant 0 : i32
      %dma_start3A_242 = tpu.memref_slice %arg4[%squeeze3A_232, %dma_start3A_241] : memref<1000000x64xf32, #tpu.memory_space<hbm>> -> memref<1x64xf32, #tpu.memory_space<hbm>>
      %dma_start3A_243 = arith.constant 0 : i32
      %dma_start3A_244 = tpu.memref_slice %arg10[%add3A_238, %dma_start3A_243] : memref<256x64xf32, #tpu.memory_space<vmem>> -> memref<1x64xf32, #tpu.memory_space<vmem>>
      %dma_start3A_245 = arith.constant 0 : i32
      %dma_start3A_246 = tpu.memref_slice %arg4[%squeeze3A_232, %dma_start3A_245] : memref<1000000x64xf32, #tpu.memory_space<hbm>> -> memref<1x64xf32, #tpu.memory_space<hbm>>
      tpu.enqueue_dma source(%dma_start3A_246 : memref<1x64xf32, #tpu.memory_space<hbm>>) target(%dma_start3A_244 : memref<1x64xf32, #tpu.memory_space<vmem>>) target_semaphore(%arg12 : memref<!tpu.dma_semaphore, #tpu.memory_space<semaphore_mem>>)
      %dma_start3A_247 = arith.constant 0 : i32
      %dma_start3A_248 = tpu.memref_slice %arg11[%add3A_238, %dma_start3A_247] : memref<256x64xf32, #tpu.memory_space<vmem>> -> memref<1x64xf32, #tpu.memory_space<vmem>>
      %dma_start3A_249 = arith.constant 0 : i32
      %dma_start3A_250 = tpu.memref_slice %arg5[%squeeze3A_234, %dma_start3A_249] : memref<100000x64xf32, #tpu.memory_space<hbm>> -> memref<1x64xf32, #tpu.memory_space<hbm>>
      %dma_start3A_251 = arith.constant 0 : i32
      %dma_start3A_252 = tpu.memref_slice %arg11[%add3A_238, %dma_start3A_251] : memref<256x64xf32, #tpu.memory_space<vmem>> -> memref<1x64xf32, #tpu.memory_space<vmem>>
      %dma_start3A_253 = arith.constant 0 : i32
      %dma_start3A_254 = tpu.memref_slice %arg5[%squeeze3A_234, %dma_start3A_253] : memref<100000x64xf32, #tpu.memory_space<hbm>> -> memref<1x64xf32, #tpu.memory_space<hbm>>
      tpu.enqueue_dma source(%dma_start3A_254 : memref<1x64xf32, #tpu.memory_space<hbm>>) target(%dma_start3A_252 : memref<1x64xf32, #tpu.memory_space<vmem>>) target_semaphore(%arg13 : memref<!tpu.dma_semaphore, #tpu.memory_space<semaphore_mem>>)
      %slice3A_255 = vector.extract_strided_slice %get3A_56 {offsets = [8], sizes = [1], strides = [1]} : vector<16xi32> to vector<1xi32>
      %squeeze3A_256 = vector.extract %slice3A_255[0] : i32 from vector<1xi32>
      %slice3A_257 = vector.extract_strided_slice %get3A_65 {offsets = [8], sizes = [1], strides = [1]} : vector<16xi32> to vector<1xi32>
      %squeeze3A_258 = vector.extract %slice3A_257[0] : i32 from vector<1xi32>
      %mul3A_259 = arith.constant 16 : i32
      %mul3A_260 = arith.muli %scan3A_47, %mul3A_259 : i32
      %add3A_261 = arith.constant 8 : i32
      %add3A_262 = arith.addi %mul3A_260, %add3A_261 : i32
      %dma_start3A_263 = arith.constant 0 : i32
      %dma_start3A_264 = tpu.memref_slice %arg10[%add3A_262, %dma_start3A_263] : memref<256x64xf32, #tpu.memory_space<vmem>> -> memref<1x64xf32, #tpu.memory_space<vmem>>
      %dma_start3A_265 = arith.constant 0 : i32
      %dma_start3A_266 = tpu.memref_slice %arg4[%squeeze3A_256, %dma_start3A_265] : memref<1000000x64xf32, #tpu.memory_space<hbm>> -> memref<1x64xf32, #tpu.memory_space<hbm>>
      %dma_start3A_267 = arith.constant 0 : i32
      %dma_start3A_268 = tpu.memref_slice %arg10[%add3A_262, %dma_start3A_267] : memref<256x64xf32, #tpu.memory_space<vmem>> -> memref<1x64xf32, #tpu.memory_space<vmem>>
      %dma_start3A_269 = arith.constant 0 : i32
      %dma_start3A_270 = tpu.memref_slice %arg4[%squeeze3A_256, %dma_start3A_269] : memref<1000000x64xf32, #tpu.memory_space<hbm>> -> memref<1x64xf32, #tpu.memory_space<hbm>>
      tpu.enqueue_dma source(%dma_start3A_270 : memref<1x64xf32, #tpu.memory_space<hbm>>) target(%dma_start3A_268 : memref<1x64xf32, #tpu.memory_space<vmem>>) target_semaphore(%arg12 : memref<!tpu.dma_semaphore, #tpu.memory_space<semaphore_mem>>)
      %dma_start3A_271 = arith.constant 0 : i32
      %dma_start3A_272 = tpu.memref_slice %arg11[%add3A_262, %dma_start3A_271] : memref<256x64xf32, #tpu.memory_space<vmem>> -> memref<1x64xf32, #tpu.memory_space<vmem>>
      %dma_start3A_273 = arith.constant 0 : i32
      %dma_start3A_274 = tpu.memref_slice %arg5[%squeeze3A_258, %dma_start3A_273] : memref<100000x64xf32, #tpu.memory_space<hbm>> -> memref<1x64xf32, #tpu.memory_space<hbm>>
      %dma_start3A_275 = arith.constant 0 : i32
      %dma_start3A_276 = tpu.memref_slice %arg11[%add3A_262, %dma_start3A_275] : memref<256x64xf32, #tpu.memory_space<vmem>> -> memref<1x64xf32, #tpu.memory_space<vmem>>
      %dma_start3A_277 = arith.constant 0 : i32
      %dma_start3A_278 = tpu.memref_slice %arg5[%squeeze3A_258, %dma_start3A_277] : memref<100000x64xf32, #tpu.memory_space<hbm>> -> memref<1x64xf32, #tpu.memory_space<hbm>>
      tpu.enqueue_dma source(%dma_start3A_278 : memref<1x64xf32, #tpu.memory_space<hbm>>) target(%dma_start3A_276 : memref<1x64xf32, #tpu.memory_space<vmem>>) target_semaphore(%arg13 : memref<!tpu.dma_semaphore, #tpu.memory_space<semaphore_mem>>)
      %slice3A_279 = vector.extract_strided_slice %get3A_56 {offsets = [9], sizes = [1], strides = [1]} : vector<16xi32> to vector<1xi32>
      %squeeze3A_280 = vector.extract %slice3A_279[0] : i32 from vector<1xi32>
      %slice3A_281 = vector.extract_strided_slice %get3A_65 {offsets = [9], sizes = [1], strides = [1]} : vector<16xi32> to vector<1xi32>
      %squeeze3A_282 = vector.extract %slice3A_281[0] : i32 from vector<1xi32>
      %mul3A_283 = arith.constant 16 : i32
      %mul3A_284 = arith.muli %scan3A_47, %mul3A_283 : i32
      %add3A_285 = arith.constant 9 : i32
      %add3A_286 = arith.addi %mul3A_284, %add3A_285 : i32
      %dma_start3A_287 = arith.constant 0 : i32
      %dma_start3A_288 = tpu.memref_slice %arg10[%add3A_286, %dma_start3A_287] : memref<256x64xf32, #tpu.memory_space<vmem>> -> memref<1x64xf32, #tpu.memory_space<vmem>>
      %dma_start3A_289 = arith.constant 0 : i32
      %dma_start3A_290 = tpu.memref_slice %arg4[%squeeze3A_280, %dma_start3A_289] : memref<1000000x64xf32, #tpu.memory_space<hbm>> -> memref<1x64xf32, #tpu.memory_space<hbm>>
      %dma_start3A_291 = arith.constant 0 : i32
      %dma_start3A_292 = tpu.memref_slice %arg10[%add3A_286, %dma_start3A_291] : memref<256x64xf32, #tpu.memory_space<vmem>> -> memref<1x64xf32, #tpu.memory_space<vmem>>
      %dma_start3A_293 = arith.constant 0 : i32
      %dma_start3A_294 = tpu.memref_slice %arg4[%squeeze3A_280, %dma_start3A_293] : memref<1000000x64xf32, #tpu.memory_space<hbm>> -> memref<1x64xf32, #tpu.memory_space<hbm>>
      tpu.enqueue_dma source(%dma_start3A_294 : memref<1x64xf32, #tpu.memory_space<hbm>>) target(%dma_start3A_292 : memref<1x64xf32, #tpu.memory_space<vmem>>) target_semaphore(%arg12 : memref<!tpu.dma_semaphore, #tpu.memory_space<semaphore_mem>>)
      %dma_start3A_295 = arith.constant 0 : i32
      %dma_start3A_296 = tpu.memref_slice %arg11[%add3A_286, %dma_start3A_295] : memref<256x64xf32, #tpu.memory_space<vmem>> -> memref<1x64xf32, #tpu.memory_space<vmem>>
      %dma_start3A_297 = arith.constant 0 : i32
      %dma_start3A_298 = tpu.memref_slice %arg5[%squeeze3A_282, %dma_start3A_297] : memref<100000x64xf32, #tpu.memory_space<hbm>> -> memref<1x64xf32, #tpu.memory_space<hbm>>
      %dma_start3A_299 = arith.constant 0 : i32
      %dma_start3A_300 = tpu.memref_slice %arg11[%add3A_286, %dma_start3A_299] : memref<256x64xf32, #tpu.memory_space<vmem>> -> memref<1x64xf32, #tpu.memory_space<vmem>>
      %dma_start3A_301 = arith.constant 0 : i32
      %dma_start3A_302 = tpu.memref_slice %arg5[%squeeze3A_282, %dma_start3A_301] : memref<100000x64xf32, #tpu.memory_space<hbm>> -> memref<1x64xf32, #tpu.memory_space<hbm>>
      tpu.enqueue_dma source(%dma_start3A_302 : memref<1x64xf32, #tpu.memory_space<hbm>>) target(%dma_start3A_300 : memref<1x64xf32, #tpu.memory_space<vmem>>) target_semaphore(%arg13 : memref<!tpu.dma_semaphore, #tpu.memory_space<semaphore_mem>>)
      %slice3A_303 = vector.extract_strided_slice %get3A_56 {offsets = [10], sizes = [1], strides = [1]} : vector<16xi32> to vector<1xi32>
      %squeeze3A_304 = vector.extract %slice3A_303[0] : i32 from vector<1xi32>
      %slice3A_305 = vector.extract_strided_slice %get3A_65 {offsets = [10], sizes = [1], strides = [1]} : vector<16xi32> to vector<1xi32>
      %squeeze3A_306 = vector.extract %slice3A_305[0] : i32 from vector<1xi32>
      %mul3A_307 = arith.constant 16 : i32
      %mul3A_308 = arith.muli %scan3A_47, %mul3A_307 : i32
      %add3A_309 = arith.constant 10 : i32
      %add3A_310 = arith.addi %mul3A_308, %add3A_309 : i32
      %dma_start3A_311 = arith.constant 0 : i32
      %dma_start3A_312 = tpu.memref_slice %arg10[%add3A_310, %dma_start3A_311] : memref<256x64xf32, #tpu.memory_space<vmem>> -> memref<1x64xf32, #tpu.memory_space<vmem>>
      %dma_start3A_313 = arith.constant 0 : i32
      %dma_start3A_314 = tpu.memref_slice %arg4[%squeeze3A_304, %dma_start3A_313] : memref<1000000x64xf32, #tpu.memory_space<hbm>> -> memref<1x64xf32, #tpu.memory_space<hbm>>
      %dma_start3A_315 = arith.constant 0 : i32
      %dma_start3A_316 = tpu.memref_slice %arg10[%add3A_310, %dma_start3A_315] : memref<256x64xf32, #tpu.memory_space<vmem>> -> memref<1x64xf32, #tpu.memory_space<vmem>>
      %dma_start3A_317 = arith.constant 0 : i32
      %dma_start3A_318 = tpu.memref_slice %arg4[%squeeze3A_304, %dma_start3A_317] : memref<1000000x64xf32, #tpu.memory_space<hbm>> -> memref<1x64xf32, #tpu.memory_space<hbm>>
      tpu.enqueue_dma source(%dma_start3A_318 : memref<1x64xf32, #tpu.memory_space<hbm>>) target(%dma_start3A_316 : memref<1x64xf32, #tpu.memory_space<vmem>>) target_semaphore(%arg12 : memref<!tpu.dma_semaphore, #tpu.memory_space<semaphore_mem>>)
      %dma_start3A_319 = arith.constant 0 : i32
      %dma_start3A_320 = tpu.memref_slice %arg11[%add3A_310, %dma_start3A_319] : memref<256x64xf32, #tpu.memory_space<vmem>> -> memref<1x64xf32, #tpu.memory_space<vmem>>
      %dma_start3A_321 = arith.constant 0 : i32
      %dma_start3A_322 = tpu.memref_slice %arg5[%squeeze3A_306, %dma_start3A_321] : memref<100000x64xf32, #tpu.memory_space<hbm>> -> memref<1x64xf32, #tpu.memory_space<hbm>>
      %dma_start3A_323 = arith.constant 0 : i32
      %dma_start3A_324 = tpu.memref_slice %arg11[%add3A_310, %dma_start3A_323] : memref<256x64xf32, #tpu.memory_space<vmem>> -> memref<1x64xf32, #tpu.memory_space<vmem>>
      %dma_start3A_325 = arith.constant 0 : i32
      %dma_start3A_326 = tpu.memref_slice %arg5[%squeeze3A_306, %dma_start3A_325] : memref<100000x64xf32, #tpu.memory_space<hbm>> -> memref<1x64xf32, #tpu.memory_space<hbm>>
      tpu.enqueue_dma source(%dma_start3A_326 : memref<1x64xf32, #tpu.memory_space<hbm>>) target(%dma_start3A_324 : memref<1x64xf32, #tpu.memory_space<vmem>>) target_semaphore(%arg13 : memref<!tpu.dma_semaphore, #tpu.memory_space<semaphore_mem>>)
      %slice3A_327 = vector.extract_strided_slice %get3A_56 {offsets = [11], sizes = [1], strides = [1]} : vector<16xi32> to vector<1xi32>
      %squeeze3A_328 = vector.extract %slice3A_327[0] : i32 from vector<1xi32>
      %slice3A_329 = vector.extract_strided_slice %get3A_65 {offsets = [11], sizes = [1], strides = [1]} : vector<16xi32> to vector<1xi32>
      %squeeze3A_330 = vector.extract %slice3A_329[0] : i32 from vector<1xi32>
      %mul3A_331 = arith.constant 16 : i32
      %mul3A_332 = arith.muli %scan3A_47, %mul3A_331 : i32
      %add3A_333 = arith.constant 11 : i32
      %add3A_334 = arith.addi %mul3A_332, %add3A_333 : i32
      %dma_start3A_335 = arith.constant 0 : i32
      %dma_start3A_336 = tpu.memref_slice %arg10[%add3A_334, %dma_start3A_335] : memref<256x64xf32, #tpu.memory_space<vmem>> -> memref<1x64xf32, #tpu.memory_space<vmem>>
      %dma_start3A_337 = arith.constant 0 : i32
      %dma_start3A_338 = tpu.memref_slice %arg4[%squeeze3A_328, %dma_start3A_337] : memref<1000000x64xf32, #tpu.memory_space<hbm>> -> memref<1x64xf32, #tpu.memory_space<hbm>>
      %dma_start3A_339 = arith.constant 0 : i32
      %dma_start3A_340 = tpu.memref_slice %arg10[%add3A_334, %dma_start3A_339] : memref<256x64xf32, #tpu.memory_space<vmem>> -> memref<1x64xf32, #tpu.memory_space<vmem>>
      %dma_start3A_341 = arith.constant 0 : i32
      %dma_start3A_342 = tpu.memref_slice %arg4[%squeeze3A_328, %dma_start3A_341] : memref<1000000x64xf32, #tpu.memory_space<hbm>> -> memref<1x64xf32, #tpu.memory_space<hbm>>
      tpu.enqueue_dma source(%dma_start3A_342 : memref<1x64xf32, #tpu.memory_space<hbm>>) target(%dma_start3A_340 : memref<1x64xf32, #tpu.memory_space<vmem>>) target_semaphore(%arg12 : memref<!tpu.dma_semaphore, #tpu.memory_space<semaphore_mem>>)
      %dma_start3A_343 = arith.constant 0 : i32
      %dma_start3A_344 = tpu.memref_slice %arg11[%add3A_334, %dma_start3A_343] : memref<256x64xf32, #tpu.memory_space<vmem>> -> memref<1x64xf32, #tpu.memory_space<vmem>>
      %dma_start3A_345 = arith.constant 0 : i32
      %dma_start3A_346 = tpu.memref_slice %arg5[%squeeze3A_330, %dma_start3A_345] : memref<100000x64xf32, #tpu.memory_space<hbm>> -> memref<1x64xf32, #tpu.memory_space<hbm>>
      %dma_start3A_347 = arith.constant 0 : i32
      %dma_start3A_348 = tpu.memref_slice %arg11[%add3A_334, %dma_start3A_347] : memref<256x64xf32, #tpu.memory_space<vmem>> -> memref<1x64xf32, #tpu.memory_space<vmem>>
      %dma_start3A_349 = arith.constant 0 : i32
      %dma_start3A_350 = tpu.memref_slice %arg5[%squeeze3A_330, %dma_start3A_349] : memref<100000x64xf32, #tpu.memory_space<hbm>> -> memref<1x64xf32, #tpu.memory_space<hbm>>
      tpu.enqueue_dma source(%dma_start3A_350 : memref<1x64xf32, #tpu.memory_space<hbm>>) target(%dma_start3A_348 : memref<1x64xf32, #tpu.memory_space<vmem>>) target_semaphore(%arg13 : memref<!tpu.dma_semaphore, #tpu.memory_space<semaphore_mem>>)
      %slice3A_351 = vector.extract_strided_slice %get3A_56 {offsets = [12], sizes = [1], strides = [1]} : vector<16xi32> to vector<1xi32>
      %squeeze3A_352 = vector.extract %slice3A_351[0] : i32 from vector<1xi32>
      %slice3A_353 = vector.extract_strided_slice %get3A_65 {offsets = [12], sizes = [1], strides = [1]} : vector<16xi32> to vector<1xi32>
      %squeeze3A_354 = vector.extract %slice3A_353[0] : i32 from vector<1xi32>
      %mul3A_355 = arith.constant 16 : i32
      %mul3A_356 = arith.muli %scan3A_47, %mul3A_355 : i32
      %add3A_357 = arith.constant 12 : i32
      %add3A_358 = arith.addi %mul3A_356, %add3A_357 : i32
      %dma_start3A_359 = arith.constant 0 : i32
      %dma_start3A_360 = tpu.memref_slice %arg10[%add3A_358, %dma_start3A_359] : memref<256x64xf32, #tpu.memory_space<vmem>> -> memref<1x64xf32, #tpu.memory_space<vmem>>
      %dma_start3A_361 = arith.constant 0 : i32
      %dma_start3A_362 = tpu.memref_slice %arg4[%squeeze3A_352, %dma_start3A_361] : memref<1000000x64xf32, #tpu.memory_space<hbm>> -> memref<1x64xf32, #tpu.memory_space<hbm>>
      %dma_start3A_363 = arith.constant 0 : i32
      %dma_start3A_364 = tpu.memref_slice %arg10[%add3A_358, %dma_start3A_363] : memref<256x64xf32, #tpu.memory_space<vmem>> -> memref<1x64xf32, #tpu.memory_space<vmem>>
      %dma_start3A_365 = arith.constant 0 : i32
      %dma_start3A_366 = tpu.memref_slice %arg4[%squeeze3A_352, %dma_start3A_365] : memref<1000000x64xf32, #tpu.memory_space<hbm>> -> memref<1x64xf32, #tpu.memory_space<hbm>>
      tpu.enqueue_dma source(%dma_start3A_366 : memref<1x64xf32, #tpu.memory_space<hbm>>) target(%dma_start3A_364 : memref<1x64xf32, #tpu.memory_space<vmem>>) target_semaphore(%arg12 : memref<!tpu.dma_semaphore, #tpu.memory_space<semaphore_mem>>)
      %dma_start3A_367 = arith.constant 0 : i32
      %dma_start3A_368 = tpu.memref_slice %arg11[%add3A_358, %dma_start3A_367] : memref<256x64xf32, #tpu.memory_space<vmem>> -> memref<1x64xf32, #tpu.memory_space<vmem>>
      %dma_start3A_369 = arith.constant 0 : i32
      %dma_start3A_370 = tpu.memref_slice %arg5[%squeeze3A_354, %dma_start3A_369] : memref<100000x64xf32, #tpu.memory_space<hbm>> -> memref<1x64xf32, #tpu.memory_space<hbm>>
      %dma_start3A_371 = arith.constant 0 : i32
      %dma_start3A_372 = tpu.memref_slice %arg11[%add3A_358, %dma_start3A_371] : memref<256x64xf32, #tpu.memory_space<vmem>> -> memref<1x64xf32, #tpu.memory_space<vmem>>
      %dma_start3A_373 = arith.constant 0 : i32
      %dma_start3A_374 = tpu.memref_slice %arg5[%squeeze3A_354, %dma_start3A_373] : memref<100000x64xf32, #tpu.memory_space<hbm>> -> memref<1x64xf32, #tpu.memory_space<hbm>>
      tpu.enqueue_dma source(%dma_start3A_374 : memref<1x64xf32, #tpu.memory_space<hbm>>) target(%dma_start3A_372 : memref<1x64xf32, #tpu.memory_space<vmem>>) target_semaphore(%arg13 : memref<!tpu.dma_semaphore, #tpu.memory_space<semaphore_mem>>)
      %slice3A_375 = vector.extract_strided_slice %get3A_56 {offsets = [13], sizes = [1], strides = [1]} : vector<16xi32> to vector<1xi32>
      %squeeze3A_376 = vector.extract %slice3A_375[0] : i32 from vector<1xi32>
      %slice3A_377 = vector.extract_strided_slice %get3A_65 {offsets = [13], sizes = [1], strides = [1]} : vector<16xi32> to vector<1xi32>
      %squeeze3A_378 = vector.extract %slice3A_377[0] : i32 from vector<1xi32>
      %mul3A_379 = arith.constant 16 : i32
      %mul3A_380 = arith.muli %scan3A_47, %mul3A_379 : i32
      %add3A_381 = arith.constant 13 : i32
      %add3A_382 = arith.addi %mul3A_380, %add3A_381 : i32
      %dma_start3A_383 = arith.constant 0 : i32
      %dma_start3A_384 = tpu.memref_slice %arg10[%add3A_382, %dma_start3A_383] : memref<256x64xf32, #tpu.memory_space<vmem>> -> memref<1x64xf32, #tpu.memory_space<vmem>>
      %dma_start3A_385 = arith.constant 0 : i32
      %dma_start3A_386 = tpu.memref_slice %arg4[%squeeze3A_376, %dma_start3A_385] : memref<1000000x64xf32, #tpu.memory_space<hbm>> -> memref<1x64xf32, #tpu.memory_space<hbm>>
      %dma_start3A_387 = arith.constant 0 : i32
      %dma_start3A_388 = tpu.memref_slice %arg10[%add3A_382, %dma_start3A_387] : memref<256x64xf32, #tpu.memory_space<vmem>> -> memref<1x64xf32, #tpu.memory_space<vmem>>
      %dma_start3A_389 = arith.constant 0 : i32
      %dma_start3A_390 = tpu.memref_slice %arg4[%squeeze3A_376, %dma_start3A_389] : memref<1000000x64xf32, #tpu.memory_space<hbm>> -> memref<1x64xf32, #tpu.memory_space<hbm>>
      tpu.enqueue_dma source(%dma_start3A_390 : memref<1x64xf32, #tpu.memory_space<hbm>>) target(%dma_start3A_388 : memref<1x64xf32, #tpu.memory_space<vmem>>) target_semaphore(%arg12 : memref<!tpu.dma_semaphore, #tpu.memory_space<semaphore_mem>>)
      %dma_start3A_391 = arith.constant 0 : i32
      %dma_start3A_392 = tpu.memref_slice %arg11[%add3A_382, %dma_start3A_391] : memref<256x64xf32, #tpu.memory_space<vmem>> -> memref<1x64xf32, #tpu.memory_space<vmem>>
      %dma_start3A_393 = arith.constant 0 : i32
      %dma_start3A_394 = tpu.memref_slice %arg5[%squeeze3A_378, %dma_start3A_393] : memref<100000x64xf32, #tpu.memory_space<hbm>> -> memref<1x64xf32, #tpu.memory_space<hbm>>
      %dma_start3A_395 = arith.constant 0 : i32
      %dma_start3A_396 = tpu.memref_slice %arg11[%add3A_382, %dma_start3A_395] : memref<256x64xf32, #tpu.memory_space<vmem>> -> memref<1x64xf32, #tpu.memory_space<vmem>>
      %dma_start3A_397 = arith.constant 0 : i32
      %dma_start3A_398 = tpu.memref_slice %arg5[%squeeze3A_378, %dma_start3A_397] : memref<100000x64xf32, #tpu.memory_space<hbm>> -> memref<1x64xf32, #tpu.memory_space<hbm>>
      tpu.enqueue_dma source(%dma_start3A_398 : memref<1x64xf32, #tpu.memory_space<hbm>>) target(%dma_start3A_396 : memref<1x64xf32, #tpu.memory_space<vmem>>) target_semaphore(%arg13 : memref<!tpu.dma_semaphore, #tpu.memory_space<semaphore_mem>>)
      %slice3A_399 = vector.extract_strided_slice %get3A_56 {offsets = [14], sizes = [1], strides = [1]} : vector<16xi32> to vector<1xi32>
      %squeeze3A_400 = vector.extract %slice3A_399[0] : i32 from vector<1xi32>
      %slice3A_401 = vector.extract_strided_slice %get3A_65 {offsets = [14], sizes = [1], strides = [1]} : vector<16xi32> to vector<1xi32>
      %squeeze3A_402 = vector.extract %slice3A_401[0] : i32 from vector<1xi32>
      %mul3A_403 = arith.constant 16 : i32
      %mul3A_404 = arith.muli %scan3A_47, %mul3A_403 : i32
      %add3A_405 = arith.constant 14 : i32
      %add3A_406 = arith.addi %mul3A_404, %add3A_405 : i32
      %dma_start3A_407 = arith.constant 0 : i32
      %dma_start3A_408 = tpu.memref_slice %arg10[%add3A_406, %dma_start3A_407] : memref<256x64xf32, #tpu.memory_space<vmem>> -> memref<1x64xf32, #tpu.memory_space<vmem>>
      %dma_start3A_409 = arith.constant 0 : i32
      %dma_start3A_410 = tpu.memref_slice %arg4[%squeeze3A_400, %dma_start3A_409] : memref<1000000x64xf32, #tpu.memory_space<hbm>> -> memref<1x64xf32, #tpu.memory_space<hbm>>
      %dma_start3A_411 = arith.constant 0 : i32
      %dma_start3A_412 = tpu.memref_slice %arg10[%add3A_406, %dma_start3A_411] : memref<256x64xf32, #tpu.memory_space<vmem>> -> memref<1x64xf32, #tpu.memory_space<vmem>>
      %dma_start3A_413 = arith.constant 0 : i32
      %dma_start3A_414 = tpu.memref_slice %arg4[%squeeze3A_400, %dma_start3A_413] : memref<1000000x64xf32, #tpu.memory_space<hbm>> -> memref<1x64xf32, #tpu.memory_space<hbm>>
      tpu.enqueue_dma source(%dma_start3A_414 : memref<1x64xf32, #tpu.memory_space<hbm>>) target(%dma_start3A_412 : memref<1x64xf32, #tpu.memory_space<vmem>>) target_semaphore(%arg12 : memref<!tpu.dma_semaphore, #tpu.memory_space<semaphore_mem>>)
      %dma_start3A_415 = arith.constant 0 : i32
      %dma_start3A_416 = tpu.memref_slice %arg11[%add3A_406, %dma_start3A_415] : memref<256x64xf32, #tpu.memory_space<vmem>> -> memref<1x64xf32, #tpu.memory_space<vmem>>
      %dma_start3A_417 = arith.constant 0 : i32
      %dma_start3A_418 = tpu.memref_slice %arg5[%squeeze3A_402, %dma_start3A_417] : memref<100000x64xf32, #tpu.memory_space<hbm>> -> memref<1x64xf32, #tpu.memory_space<hbm>>
      %dma_start3A_419 = arith.constant 0 : i32
      %dma_start3A_420 = tpu.memref_slice %arg11[%add3A_406, %dma_start3A_419] : memref<256x64xf32, #tpu.memory_space<vmem>> -> memref<1x64xf32, #tpu.memory_space<vmem>>
      %dma_start3A_421 = arith.constant 0 : i32
      %dma_start3A_422 = tpu.memref_slice %arg5[%squeeze3A_402, %dma_start3A_421] : memref<100000x64xf32, #tpu.memory_space<hbm>> -> memref<1x64xf32, #tpu.memory_space<hbm>>
      tpu.enqueue_dma source(%dma_start3A_422 : memref<1x64xf32, #tpu.memory_space<hbm>>) target(%dma_start3A_420 : memref<1x64xf32, #tpu.memory_space<vmem>>) target_semaphore(%arg13 : memref<!tpu.dma_semaphore, #tpu.memory_space<semaphore_mem>>)
      %slice3A_423 = vector.extract_strided_slice %get3A_56 {offsets = [15], sizes = [1], strides = [1]} : vector<16xi32> to vector<1xi32>
      %squeeze3A_424 = vector.extract %slice3A_423[0] : i32 from vector<1xi32>
      %slice3A_425 = vector.extract_strided_slice %get3A_65 {offsets = [15], sizes = [1], strides = [1]} : vector<16xi32> to vector<1xi32>
      %squeeze3A_426 = vector.extract %slice3A_425[0] : i32 from vector<1xi32>
      %mul3A_427 = arith.constant 16 : i32
      %mul3A_428 = arith.muli %scan3A_47, %mul3A_427 : i32
      %add3A_429 = arith.constant 15 : i32
      %add3A_430 = arith.addi %mul3A_428, %add3A_429 : i32
      %dma_start3A_431 = arith.constant 0 : i32
      %dma_start3A_432 = tpu.memref_slice %arg10[%add3A_430, %dma_start3A_431] : memref<256x64xf32, #tpu.memory_space<vmem>> -> memref<1x64xf32, #tpu.memory_space<vmem>>
      %dma_start3A_433 = arith.constant 0 : i32
      %dma_start3A_434 = tpu.memref_slice %arg4[%squeeze3A_424, %dma_start3A_433] : memref<1000000x64xf32, #tpu.memory_space<hbm>> -> memref<1x64xf32, #tpu.memory_space<hbm>>
      %dma_start3A_435 = arith.constant 0 : i32
      %dma_start3A_436 = tpu.memref_slice %arg10[%add3A_430, %dma_start3A_435] : memref<256x64xf32, #tpu.memory_space<vmem>> -> memref<1x64xf32, #tpu.memory_space<vmem>>
      %dma_start3A_437 = arith.constant 0 : i32
      %dma_start3A_438 = tpu.memref_slice %arg4[%squeeze3A_424, %dma_start3A_437] : memref<1000000x64xf32, #tpu.memory_space<hbm>> -> memref<1x64xf32, #tpu.memory_space<hbm>>
      tpu.enqueue_dma source(%dma_start3A_438 : memref<1x64xf32, #tpu.memory_space<hbm>>) target(%dma_start3A_436 : memref<1x64xf32, #tpu.memory_space<vmem>>) target_semaphore(%arg12 : memref<!tpu.dma_semaphore, #tpu.memory_space<semaphore_mem>>)
      %dma_start3A_439 = arith.constant 0 : i32
      %dma_start3A_440 = tpu.memref_slice %arg11[%add3A_430, %dma_start3A_439] : memref<256x64xf32, #tpu.memory_space<vmem>> -> memref<1x64xf32, #tpu.memory_space<vmem>>
      %dma_start3A_441 = arith.constant 0 : i32
      %dma_start3A_442 = tpu.memref_slice %arg5[%squeeze3A_426, %dma_start3A_441] : memref<100000x64xf32, #tpu.memory_space<hbm>> -> memref<1x64xf32, #tpu.memory_space<hbm>>
      %dma_start3A_443 = arith.constant 0 : i32
      %dma_start3A_444 = tpu.memref_slice %arg11[%add3A_430, %dma_start3A_443] : memref<256x64xf32, #tpu.memory_space<vmem>> -> memref<1x64xf32, #tpu.memory_space<vmem>>
      %dma_start3A_445 = arith.constant 0 : i32
      %dma_start3A_446 = tpu.memref_slice %arg5[%squeeze3A_426, %dma_start3A_445] : memref<100000x64xf32, #tpu.memory_space<hbm>> -> memref<1x64xf32, #tpu.memory_space<hbm>>
      tpu.enqueue_dma source(%dma_start3A_446 : memref<1x64xf32, #tpu.memory_space<hbm>>) target(%dma_start3A_444 : memref<1x64xf32, #tpu.memory_space<vmem>>) target_semaphore(%arg13 : memref<!tpu.dma_semaphore, #tpu.memory_space<semaphore_mem>>)
      %scan3A_447 = arith.constant 0 : i32
      scf.yield %scan3A_447 : i32
    }
    %scan3A_8 = arith.constant 16 : i32
    %dma_wait3A = arith.constant 0 : i32
    %dma_wait3A_9 = arith.constant 0 : i32
    %dma_wait3A_10 = tpu.memref_slice %arg4[%dma_wait3A, %dma_wait3A_9] : memref<1000000x64xf32, #tpu.memory_space<hbm>> -> memref<256x64xf32, #tpu.memory_space<hbm>>
    %dma_wait3A_11 = arith.constant 0 : i32
    %dma_wait3A_12 = arith.constant 0 : i32
    %dma_wait3A_13 = tpu.memref_slice %arg4[%dma_wait3A_11, %dma_wait3A_12] : memref<1000000x64xf32, #tpu.memory_space<hbm>> -> memref<256x64xf32, #tpu.memory_space<hbm>>
    tpu.wait_dma2 semaphore(%arg12 : memref<!tpu.dma_semaphore, #tpu.memory_space<semaphore_mem>>) src(%dma_wait3A_13 : memref<256x64xf32, #tpu.memory_space<hbm>>) dst(%arg10 : memref<256x64xf32, #tpu.memory_space<vmem>>)
    %dma_wait3A_14 = arith.constant 0 : i32
    %dma_wait3A_15 = arith.constant 0 : i32
    %dma_wait3A_16 = tpu.memref_slice %arg5[%dma_wait3A_14, %dma_wait3A_15] : memref<100000x64xf32, #tpu.memory_space<hbm>> -> memref<256x64xf32, #tpu.memory_space<hbm>>
    %dma_wait3A_17 = arith.constant 0 : i32
    %dma_wait3A_18 = arith.constant 0 : i32
    %dma_wait3A_19 = tpu.memref_slice %arg5[%dma_wait3A_17, %dma_wait3A_18] : memref<100000x64xf32, #tpu.memory_space<hbm>> -> memref<256x64xf32, #tpu.memory_space<hbm>>
    tpu.wait_dma2 semaphore(%arg13 : memref<!tpu.dma_semaphore, #tpu.memory_space<semaphore_mem>>) src(%dma_wait3A_19 : memref<256x64xf32, #tpu.memory_space<hbm>>) dst(%arg11 : memref<256x64xf32, #tpu.memory_space<vmem>>)
    %add3A_20 = arith.constant 0 : i32
    %add3A_21 = arith.addi %mul3A_2, %add3A_20 : i32
    "tpu.region"() ({
      %run_scoped3A = tpu.sem_alloc : memref<!tpu.dma_semaphore, #tpu.memory_space<semaphore_mem>>
      %dma_start3A = arith.constant 0 : i32
      %dma_start3A_47 = tpu.memref_slice %arg6[%add3A_21, %dma_start3A] : memref<16384x64xf32, #tpu.memory_space<hbm>> -> memref<256x64xf32, #tpu.memory_space<hbm>>
      %dma_start3A_48 = arith.constant 0 : i32
      %dma_start3A_49 = tpu.memref_slice %arg6[%add3A_21, %dma_start3A_48] : memref<16384x64xf32, #tpu.memory_space<hbm>> -> memref<256x64xf32, #tpu.memory_space<hbm>>
      tpu.enqueue_dma source(%arg10 : memref<256x64xf32, #tpu.memory_space<vmem>>) target(%dma_start3A_49 : memref<256x64xf32, #tpu.memory_space<hbm>>) target_semaphore(%run_scoped3A : memref<!tpu.dma_semaphore, #tpu.memory_space<semaphore_mem>>)
      %dma_wait3A_50 = arith.constant 0 : i32
      %dma_wait3A_51 = tpu.memref_slice %arg6[%add3A_21, %dma_wait3A_50] : memref<16384x64xf32, #tpu.memory_space<hbm>> -> memref<256x64xf32, #tpu.memory_space<hbm>>
      %dma_wait3A_52 = arith.constant 0 : i32
      %dma_wait3A_53 = tpu.memref_slice %arg6[%add3A_21, %dma_wait3A_52] : memref<16384x64xf32, #tpu.memory_space<hbm>> -> memref<256x64xf32, #tpu.memory_space<hbm>>
      tpu.wait_dma2 semaphore(%run_scoped3A : memref<!tpu.dma_semaphore, #tpu.memory_space<semaphore_mem>>) src(%arg10 : memref<256x64xf32, #tpu.memory_space<vmem>>) dst(%dma_wait3A_53 : memref<256x64xf32, #tpu.memory_space<hbm>>)
      tpu.yield
    }) : () -> ()
    %add3A_22 = arith.constant 0 : i32
    %add3A_23 = arith.addi %mul3A_2, %add3A_22 : i32
    "tpu.region"() ({
      %run_scoped3A = tpu.sem_alloc : memref<!tpu.dma_semaphore, #tpu.memory_space<semaphore_mem>>
      %dma_start3A = arith.constant 0 : i32
      %dma_start3A_47 = tpu.memref_slice %arg7[%add3A_23, %dma_start3A] : memref<16384x64xf32, #tpu.memory_space<hbm>> -> memref<256x64xf32, #tpu.memory_space<hbm>>
      %dma_start3A_48 = arith.constant 0 : i32
      %dma_start3A_49 = tpu.memref_slice %arg7[%add3A_23, %dma_start3A_48] : memref<16384x64xf32, #tpu.memory_space<hbm>> -> memref<256x64xf32, #tpu.memory_space<hbm>>
      tpu.enqueue_dma source(%arg11 : memref<256x64xf32, #tpu.memory_space<vmem>>) target(%dma_start3A_49 : memref<256x64xf32, #tpu.memory_space<hbm>>) target_semaphore(%run_scoped3A : memref<!tpu.dma_semaphore, #tpu.memory_space<semaphore_mem>>)
      %dma_wait3A_50 = arith.constant 0 : i32
      %dma_wait3A_51 = tpu.memref_slice %arg7[%add3A_23, %dma_wait3A_50] : memref<16384x64xf32, #tpu.memory_space<hbm>> -> memref<256x64xf32, #tpu.memory_space<hbm>>
      %dma_wait3A_52 = arith.constant 0 : i32
      %dma_wait3A_53 = tpu.memref_slice %arg7[%add3A_23, %dma_wait3A_52] : memref<16384x64xf32, #tpu.memory_space<hbm>> -> memref<256x64xf32, #tpu.memory_space<hbm>>
      tpu.wait_dma2 semaphore(%run_scoped3A : memref<!tpu.dma_semaphore, #tpu.memory_space<semaphore_mem>>) src(%arg11 : memref<256x64xf32, #tpu.memory_space<vmem>>) dst(%dma_wait3A_53 : memref<256x64xf32, #tpu.memory_space<hbm>>)
      tpu.yield
    }) : () -> ()
    %scan3A_24 = arith.constant 0 : i32
    %scan3A_25 = arith.constant 0 : i32
    %scan3A_26 = arith.constant 16 : i32
    %scan3A_27 = arith.addi %scan3A_25, %scan3A_26 : i32
    %scan3A_28 = arith.constant 1 : i32
    %scan3A_29 = scf.for %scan3A_47 = %scan3A_25 to %scan3A_27 step %scan3A_28 iter_args(%scan3A_48 = %scan3A_24) -> (i32)  : i32 {
      %mul3A_49 = arith.constant 16 : i32
      %mul3A_50 = arith.muli %scan3A_47, %mul3A_49 : i32
      %add3A_51 = arith.constant 256 : i32
      %add3A_52 = arith.addi %add3A_51, %mul3A_50 : i32
      %get3A = arith.constant 0 : i32
      %get3A_53 = arith.index_cast %get3A : i32 to index
      %get3A_54 = arith.index_cast %add3A_52 : i32 to index
      %get3A_55 = tpu.vector_load %arg8[%get3A_53, %get3A_54] {strides = array<i32>} : memref<1x512xi32, #tpu.memory_space<vmem>>, vector<1x16xi32>,
      %get3A_56 = vector.shape_cast %get3A_55 : vector<1x16xi32> to vector<16xi32>
      %mul3A_57 = arith.constant 16 : i32
      %mul3A_58 = arith.muli %scan3A_47, %mul3A_57 : i32
      %add3A_59 = arith.constant 256 : i32
      %add3A_60 = arith.addi %add3A_59, %mul3A_58 : i32
      %get3A_61 = arith.constant 0 : i32
      %get3A_62 = arith.index_cast %get3A_61 : i32 to index
      %get3A_63 = arith.index_cast %add3A_60 : i32 to index
      %get3A_64 = tpu.vector_load %arg9[%get3A_62, %get3A_63] {strides = array<i32>} : memref<1x512xi32, #tpu.memory_space<vmem>>, vector<1x16xi32>,
      %get3A_65 = vector.shape_cast %get3A_64 : vector<1x16xi32> to vector<16xi32>
      %slice3A = vector.extract_strided_slice %get3A_56 {offsets = [0], sizes = [1], strides = [1]} : vector<16xi32> to vector<1xi32>
      %squeeze3A = vector.extract %slice3A[0] : i32 from vector<1xi32>
      %slice3A_66 = vector.extract_strided_slice %get3A_65 {offsets = [0], sizes = [1], strides = [1]} : vector<16xi32> to vector<1xi32>
      %squeeze3A_67 = vector.extract %slice3A_66[0] : i32 from vector<1xi32>
      %mul3A_68 = arith.constant 16 : i32
      %mul3A_69 = arith.muli %scan3A_47, %mul3A_68 : i32
      %add3A_70 = arith.constant 0 : i32
      %add3A_71 = arith.addi %mul3A_69, %add3A_70 : i32
      %dma_start3A = arith.constant 0 : i32
      %dma_start3A_72 = tpu.memref_slice %arg10[%add3A_71, %dma_start3A] : memref<256x64xf32, #tpu.memory_space<vmem>> -> memref<1x64xf32, #tpu.memory_space<vmem>>
      %dma_start3A_73 = arith.constant 0 : i32
      %dma_start3A_74 = tpu.memref_slice %arg4[%squeeze3A, %dma_start3A_73] : memref<1000000x64xf32, #tpu.memory_space<hbm>> -> memref<1x64xf32, #tpu.memory_space<hbm>>
      %dma_start3A_75 = arith.constant 0 : i32
      %dma_start3A_76 = tpu.memref_slice %arg10[%add3A_71, %dma_start3A_75] : memref<256x64xf32, #tpu.memory_space<vmem>> -> memref<1x64xf32, #tpu.memory_space<vmem>>
      %dma_start3A_77 = arith.constant 0 : i32
      %dma_start3A_78 = tpu.memref_slice %arg4[%squeeze3A, %dma_start3A_77] : memref<1000000x64xf32, #tpu.memory_space<hbm>> -> memref<1x64xf32, #tpu.memory_space<hbm>>
      tpu.enqueue_dma source(%dma_start3A_78 : memref<1x64xf32, #tpu.memory_space<hbm>>) target(%dma_start3A_76 : memref<1x64xf32, #tpu.memory_space<vmem>>) target_semaphore(%arg12 : memref<!tpu.dma_semaphore, #tpu.memory_space<semaphore_mem>>)
      %dma_start3A_79 = arith.constant 0 : i32
      %dma_start3A_80 = tpu.memref_slice %arg11[%add3A_71, %dma_start3A_79] : memref<256x64xf32, #tpu.memory_space<vmem>> -> memref<1x64xf32, #tpu.memory_space<vmem>>
      %dma_start3A_81 = arith.constant 0 : i32
      %dma_start3A_82 = tpu.memref_slice %arg5[%squeeze3A_67, %dma_start3A_81] : memref<100000x64xf32, #tpu.memory_space<hbm>> -> memref<1x64xf32, #tpu.memory_space<hbm>>
      %dma_start3A_83 = arith.constant 0 : i32
      %dma_start3A_84 = tpu.memref_slice %arg11[%add3A_71, %dma_start3A_83] : memref<256x64xf32, #tpu.memory_space<vmem>> -> memref<1x64xf32, #tpu.memory_space<vmem>>
      %dma_start3A_85 = arith.constant 0 : i32
      %dma_start3A_86 = tpu.memref_slice %arg5[%squeeze3A_67, %dma_start3A_85] : memref<100000x64xf32, #tpu.memory_space<hbm>> -> memref<1x64xf32, #tpu.memory_space<hbm>>
      tpu.enqueue_dma source(%dma_start3A_86 : memref<1x64xf32, #tpu.memory_space<hbm>>) target(%dma_start3A_84 : memref<1x64xf32, #tpu.memory_space<vmem>>) target_semaphore(%arg13 : memref<!tpu.dma_semaphore, #tpu.memory_space<semaphore_mem>>)
      %slice3A_87 = vector.extract_strided_slice %get3A_56 {offsets = [1], sizes = [1], strides = [1]} : vector<16xi32> to vector<1xi32>
      %squeeze3A_88 = vector.extract %slice3A_87[0] : i32 from vector<1xi32>
      %slice3A_89 = vector.extract_strided_slice %get3A_65 {offsets = [1], sizes = [1], strides = [1]} : vector<16xi32> to vector<1xi32>
      %squeeze3A_90 = vector.extract %slice3A_89[0] : i32 from vector<1xi32>
      %mul3A_91 = arith.constant 16 : i32
      %mul3A_92 = arith.muli %scan3A_47, %mul3A_91 : i32
      %add3A_93 = arith.constant 1 : i32
      %add3A_94 = arith.addi %mul3A_92, %add3A_93 : i32
      %dma_start3A_95 = arith.constant 0 : i32
      %dma_start3A_96 = tpu.memref_slice %arg10[%add3A_94, %dma_start3A_95] : memref<256x64xf32, #tpu.memory_space<vmem>> -> memref<1x64xf32, #tpu.memory_space<vmem>>
      %dma_start3A_97 = arith.constant 0 : i32
      %dma_start3A_98 = tpu.memref_slice %arg4[%squeeze3A_88, %dma_start3A_97] : memref<1000000x64xf32, #tpu.memory_space<hbm>> -> memref<1x64xf32, #tpu.memory_space<hbm>>
      %dma_start3A_99 = arith.constant 0 : i32
      %dma_start3A_100 = tpu.memref_slice %arg10[%add3A_94, %dma_start3A_99] : memref<256x64xf32, #tpu.memory_space<vmem>> -> memref<1x64xf32, #tpu.memory_space<vmem>>
      %dma_start3A_101 = arith.constant 0 : i32
      %dma_start3A_102 = tpu.memref_slice %arg4[%squeeze3A_88, %dma_start3A_101] : memref<1000000x64xf32, #tpu.memory_space<hbm>> -> memref<1x64xf32, #tpu.memory_space<hbm>>
      tpu.enqueue_dma source(%dma_start3A_102 : memref<1x64xf32, #tpu.memory_space<hbm>>) target(%dma_start3A_100 : memref<1x64xf32, #tpu.memory_space<vmem>>) target_semaphore(%arg12 : memref<!tpu.dma_semaphore, #tpu.memory_space<semaphore_mem>>)
      %dma_start3A_103 = arith.constant 0 : i32
      %dma_start3A_104 = tpu.memref_slice %arg11[%add3A_94, %dma_start3A_103] : memref<256x64xf32, #tpu.memory_space<vmem>> -> memref<1x64xf32, #tpu.memory_space<vmem>>
      %dma_start3A_105 = arith.constant 0 : i32
      %dma_start3A_106 = tpu.memref_slice %arg5[%squeeze3A_90, %dma_start3A_105] : memref<100000x64xf32, #tpu.memory_space<hbm>> -> memref<1x64xf32, #tpu.memory_space<hbm>>
      %dma_start3A_107 = arith.constant 0 : i32
      %dma_start3A_108 = tpu.memref_slice %arg11[%add3A_94, %dma_start3A_107] : memref<256x64xf32, #tpu.memory_space<vmem>> -> memref<1x64xf32, #tpu.memory_space<vmem>>
      %dma_start3A_109 = arith.constant 0 : i32
      %dma_start3A_110 = tpu.memref_slice %arg5[%squeeze3A_90, %dma_start3A_109] : memref<100000x64xf32, #tpu.memory_space<hbm>> -> memref<1x64xf32, #tpu.memory_space<hbm>>
      tpu.enqueue_dma source(%dma_start3A_110 : memref<1x64xf32, #tpu.memory_space<hbm>>) target(%dma_start3A_108 : memref<1x64xf32, #tpu.memory_space<vmem>>) target_semaphore(%arg13 : memref<!tpu.dma_semaphore, #tpu.memory_space<semaphore_mem>>)
      %slice3A_111 = vector.extract_strided_slice %get3A_56 {offsets = [2], sizes = [1], strides = [1]} : vector<16xi32> to vector<1xi32>
      %squeeze3A_112 = vector.extract %slice3A_111[0] : i32 from vector<1xi32>
      %slice3A_113 = vector.extract_strided_slice %get3A_65 {offsets = [2], sizes = [1], strides = [1]} : vector<16xi32> to vector<1xi32>
      %squeeze3A_114 = vector.extract %slice3A_113[0] : i32 from vector<1xi32>
      %mul3A_115 = arith.constant 16 : i32
      %mul3A_116 = arith.muli %scan3A_47, %mul3A_115 : i32
      %add3A_117 = arith.constant 2 : i32
      %add3A_118 = arith.addi %mul3A_116, %add3A_117 : i32
      %dma_start3A_119 = arith.constant 0 : i32
      %dma_start3A_120 = tpu.memref_slice %arg10[%add3A_118, %dma_start3A_119] : memref<256x64xf32, #tpu.memory_space<vmem>> -> memref<1x64xf32, #tpu.memory_space<vmem>>
      %dma_start3A_121 = arith.constant 0 : i32
      %dma_start3A_122 = tpu.memref_slice %arg4[%squeeze3A_112, %dma_start3A_121] : memref<1000000x64xf32, #tpu.memory_space<hbm>> -> memref<1x64xf32, #tpu.memory_space<hbm>>
      %dma_start3A_123 = arith.constant 0 : i32
      %dma_start3A_124 = tpu.memref_slice %arg10[%add3A_118, %dma_start3A_123] : memref<256x64xf32, #tpu.memory_space<vmem>> -> memref<1x64xf32, #tpu.memory_space<vmem>>
      %dma_start3A_125 = arith.constant 0 : i32
      %dma_start3A_126 = tpu.memref_slice %arg4[%squeeze3A_112, %dma_start3A_125] : memref<1000000x64xf32, #tpu.memory_space<hbm>> -> memref<1x64xf32, #tpu.memory_space<hbm>>
      tpu.enqueue_dma source(%dma_start3A_126 : memref<1x64xf32, #tpu.memory_space<hbm>>) target(%dma_start3A_124 : memref<1x64xf32, #tpu.memory_space<vmem>>) target_semaphore(%arg12 : memref<!tpu.dma_semaphore, #tpu.memory_space<semaphore_mem>>)
      %dma_start3A_127 = arith.constant 0 : i32
      %dma_start3A_128 = tpu.memref_slice %arg11[%add3A_118, %dma_start3A_127] : memref<256x64xf32, #tpu.memory_space<vmem>> -> memref<1x64xf32, #tpu.memory_space<vmem>>
      %dma_start3A_129 = arith.constant 0 : i32
      %dma_start3A_130 = tpu.memref_slice %arg5[%squeeze3A_114, %dma_start3A_129] : memref<100000x64xf32, #tpu.memory_space<hbm>> -> memref<1x64xf32, #tpu.memory_space<hbm>>
      %dma_start3A_131 = arith.constant 0 : i32
      %dma_start3A_132 = tpu.memref_slice %arg11[%add3A_118, %dma_start3A_131] : memref<256x64xf32, #tpu.memory_space<vmem>> -> memref<1x64xf32, #tpu.memory_space<vmem>>
      %dma_start3A_133 = arith.constant 0 : i32
      %dma_start3A_134 = tpu.memref_slice %arg5[%squeeze3A_114, %dma_start3A_133] : memref<100000x64xf32, #tpu.memory_space<hbm>> -> memref<1x64xf32, #tpu.memory_space<hbm>>
      tpu.enqueue_dma source(%dma_start3A_134 : memref<1x64xf32, #tpu.memory_space<hbm>>) target(%dma_start3A_132 : memref<1x64xf32, #tpu.memory_space<vmem>>) target_semaphore(%arg13 : memref<!tpu.dma_semaphore, #tpu.memory_space<semaphore_mem>>)
      %slice3A_135 = vector.extract_strided_slice %get3A_56 {offsets = [3], sizes = [1], strides = [1]} : vector<16xi32> to vector<1xi32>
      %squeeze3A_136 = vector.extract %slice3A_135[0] : i32 from vector<1xi32>
      %slice3A_137 = vector.extract_strided_slice %get3A_65 {offsets = [3], sizes = [1], strides = [1]} : vector<16xi32> to vector<1xi32>
      %squeeze3A_138 = vector.extract %slice3A_137[0] : i32 from vector<1xi32>
      %mul3A_139 = arith.constant 16 : i32
      %mul3A_140 = arith.muli %scan3A_47, %mul3A_139 : i32
      %add3A_141 = arith.constant 3 : i32
      %add3A_142 = arith.addi %mul3A_140, %add3A_141 : i32
      %dma_start3A_143 = arith.constant 0 : i32
      %dma_start3A_144 = tpu.memref_slice %arg10[%add3A_142, %dma_start3A_143] : memref<256x64xf32, #tpu.memory_space<vmem>> -> memref<1x64xf32, #tpu.memory_space<vmem>>
      %dma_start3A_145 = arith.constant 0 : i32
      %dma_start3A_146 = tpu.memref_slice %arg4[%squeeze3A_136, %dma_start3A_145] : memref<1000000x64xf32, #tpu.memory_space<hbm>> -> memref<1x64xf32, #tpu.memory_space<hbm>>
      %dma_start3A_147 = arith.constant 0 : i32
      %dma_start3A_148 = tpu.memref_slice %arg10[%add3A_142, %dma_start3A_147] : memref<256x64xf32, #tpu.memory_space<vmem>> -> memref<1x64xf32, #tpu.memory_space<vmem>>
      %dma_start3A_149 = arith.constant 0 : i32
      %dma_start3A_150 = tpu.memref_slice %arg4[%squeeze3A_136, %dma_start3A_149] : memref<1000000x64xf32, #tpu.memory_space<hbm>> -> memref<1x64xf32, #tpu.memory_space<hbm>>
      tpu.enqueue_dma source(%dma_start3A_150 : memref<1x64xf32, #tpu.memory_space<hbm>>) target(%dma_start3A_148 : memref<1x64xf32, #tpu.memory_space<vmem>>) target_semaphore(%arg12 : memref<!tpu.dma_semaphore, #tpu.memory_space<semaphore_mem>>)
      %dma_start3A_151 = arith.constant 0 : i32
      %dma_start3A_152 = tpu.memref_slice %arg11[%add3A_142, %dma_start3A_151] : memref<256x64xf32, #tpu.memory_space<vmem>> -> memref<1x64xf32, #tpu.memory_space<vmem>>
      %dma_start3A_153 = arith.constant 0 : i32
      %dma_start3A_154 = tpu.memref_slice %arg5[%squeeze3A_138, %dma_start3A_153] : memref<100000x64xf32, #tpu.memory_space<hbm>> -> memref<1x64xf32, #tpu.memory_space<hbm>>
      %dma_start3A_155 = arith.constant 0 : i32
      %dma_start3A_156 = tpu.memref_slice %arg11[%add3A_142, %dma_start3A_155] : memref<256x64xf32, #tpu.memory_space<vmem>> -> memref<1x64xf32, #tpu.memory_space<vmem>>
      %dma_start3A_157 = arith.constant 0 : i32
      %dma_start3A_158 = tpu.memref_slice %arg5[%squeeze3A_138, %dma_start3A_157] : memref<100000x64xf32, #tpu.memory_space<hbm>> -> memref<1x64xf32, #tpu.memory_space<hbm>>
      tpu.enqueue_dma source(%dma_start3A_158 : memref<1x64xf32, #tpu.memory_space<hbm>>) target(%dma_start3A_156 : memref<1x64xf32, #tpu.memory_space<vmem>>) target_semaphore(%arg13 : memref<!tpu.dma_semaphore, #tpu.memory_space<semaphore_mem>>)
      %slice3A_159 = vector.extract_strided_slice %get3A_56 {offsets = [4], sizes = [1], strides = [1]} : vector<16xi32> to vector<1xi32>
      %squeeze3A_160 = vector.extract %slice3A_159[0] : i32 from vector<1xi32>
      %slice3A_161 = vector.extract_strided_slice %get3A_65 {offsets = [4], sizes = [1], strides = [1]} : vector<16xi32> to vector<1xi32>
      %squeeze3A_162 = vector.extract %slice3A_161[0] : i32 from vector<1xi32>
      %mul3A_163 = arith.constant 16 : i32
      %mul3A_164 = arith.muli %scan3A_47, %mul3A_163 : i32
      %add3A_165 = arith.constant 4 : i32
      %add3A_166 = arith.addi %mul3A_164, %add3A_165 : i32
      %dma_start3A_167 = arith.constant 0 : i32
      %dma_start3A_168 = tpu.memref_slice %arg10[%add3A_166, %dma_start3A_167] : memref<256x64xf32, #tpu.memory_space<vmem>> -> memref<1x64xf32, #tpu.memory_space<vmem>>
      %dma_start3A_169 = arith.constant 0 : i32
      %dma_start3A_170 = tpu.memref_slice %arg4[%squeeze3A_160, %dma_start3A_169] : memref<1000000x64xf32, #tpu.memory_space<hbm>> -> memref<1x64xf32, #tpu.memory_space<hbm>>
      %dma_start3A_171 = arith.constant 0 : i32
      %dma_start3A_172 = tpu.memref_slice %arg10[%add3A_166, %dma_start3A_171] : memref<256x64xf32, #tpu.memory_space<vmem>> -> memref<1x64xf32, #tpu.memory_space<vmem>>
      %dma_start3A_173 = arith.constant 0 : i32
      %dma_start3A_174 = tpu.memref_slice %arg4[%squeeze3A_160, %dma_start3A_173] : memref<1000000x64xf32, #tpu.memory_space<hbm>> -> memref<1x64xf32, #tpu.memory_space<hbm>>
      tpu.enqueue_dma source(%dma_start3A_174 : memref<1x64xf32, #tpu.memory_space<hbm>>) target(%dma_start3A_172 : memref<1x64xf32, #tpu.memory_space<vmem>>) target_semaphore(%arg12 : memref<!tpu.dma_semaphore, #tpu.memory_space<semaphore_mem>>)
      %dma_start3A_175 = arith.constant 0 : i32
      %dma_start3A_176 = tpu.memref_slice %arg11[%add3A_166, %dma_start3A_175] : memref<256x64xf32, #tpu.memory_space<vmem>> -> memref<1x64xf32, #tpu.memory_space<vmem>>
      %dma_start3A_177 = arith.constant 0 : i32
      %dma_start3A_178 = tpu.memref_slice %arg5[%squeeze3A_162, %dma_start3A_177] : memref<100000x64xf32, #tpu.memory_space<hbm>> -> memref<1x64xf32, #tpu.memory_space<hbm>>
      %dma_start3A_179 = arith.constant 0 : i32
      %dma_start3A_180 = tpu.memref_slice %arg11[%add3A_166, %dma_start3A_179] : memref<256x64xf32, #tpu.memory_space<vmem>> -> memref<1x64xf32, #tpu.memory_space<vmem>>
      %dma_start3A_181 = arith.constant 0 : i32
      %dma_start3A_182 = tpu.memref_slice %arg5[%squeeze3A_162, %dma_start3A_181] : memref<100000x64xf32, #tpu.memory_space<hbm>> -> memref<1x64xf32, #tpu.memory_space<hbm>>
      tpu.enqueue_dma source(%dma_start3A_182 : memref<1x64xf32, #tpu.memory_space<hbm>>) target(%dma_start3A_180 : memref<1x64xf32, #tpu.memory_space<vmem>>) target_semaphore(%arg13 : memref<!tpu.dma_semaphore, #tpu.memory_space<semaphore_mem>>)
      %slice3A_183 = vector.extract_strided_slice %get3A_56 {offsets = [5], sizes = [1], strides = [1]} : vector<16xi32> to vector<1xi32>
      %squeeze3A_184 = vector.extract %slice3A_183[0] : i32 from vector<1xi32>
      %slice3A_185 = vector.extract_strided_slice %get3A_65 {offsets = [5], sizes = [1], strides = [1]} : vector<16xi32> to vector<1xi32>
      %squeeze3A_186 = vector.extract %slice3A_185[0] : i32 from vector<1xi32>
      %mul3A_187 = arith.constant 16 : i32
      %mul3A_188 = arith.muli %scan3A_47, %mul3A_187 : i32
      %add3A_189 = arith.constant 5 : i32
      %add3A_190 = arith.addi %mul3A_188, %add3A_189 : i32
      %dma_start3A_191 = arith.constant 0 : i32
      %dma_start3A_192 = tpu.memref_slice %arg10[%add3A_190, %dma_start3A_191] : memref<256x64xf32, #tpu.memory_space<vmem>> -> memref<1x64xf32, #tpu.memory_space<vmem>>
      %dma_start3A_193 = arith.constant 0 : i32
      %dma_start3A_194 = tpu.memref_slice %arg4[%squeeze3A_184, %dma_start3A_193] : memref<1000000x64xf32, #tpu.memory_space<hbm>> -> memref<1x64xf32, #tpu.memory_space<hbm>>
      %dma_start3A_195 = arith.constant 0 : i32
      %dma_start3A_196 = tpu.memref_slice %arg10[%add3A_190, %dma_start3A_195] : memref<256x64xf32, #tpu.memory_space<vmem>> -> memref<1x64xf32, #tpu.memory_space<vmem>>
      %dma_start3A_197 = arith.constant 0 : i32
      %dma_start3A_198 = tpu.memref_slice %arg4[%squeeze3A_184, %dma_start3A_197] : memref<1000000x64xf32, #tpu.memory_space<hbm>> -> memref<1x64xf32, #tpu.memory_space<hbm>>
      tpu.enqueue_dma source(%dma_start3A_198 : memref<1x64xf32, #tpu.memory_space<hbm>>) target(%dma_start3A_196 : memref<1x64xf32, #tpu.memory_space<vmem>>) target_semaphore(%arg12 : memref<!tpu.dma_semaphore, #tpu.memory_space<semaphore_mem>>)
      %dma_start3A_199 = arith.constant 0 : i32
      %dma_start3A_200 = tpu.memref_slice %arg11[%add3A_190, %dma_start3A_199] : memref<256x64xf32, #tpu.memory_space<vmem>> -> memref<1x64xf32, #tpu.memory_space<vmem>>
      %dma_start3A_201 = arith.constant 0 : i32
      %dma_start3A_202 = tpu.memref_slice %arg5[%squeeze3A_186, %dma_start3A_201] : memref<100000x64xf32, #tpu.memory_space<hbm>> -> memref<1x64xf32, #tpu.memory_space<hbm>>
      %dma_start3A_203 = arith.constant 0 : i32
      %dma_start3A_204 = tpu.memref_slice %arg11[%add3A_190, %dma_start3A_203] : memref<256x64xf32, #tpu.memory_space<vmem>> -> memref<1x64xf32, #tpu.memory_space<vmem>>
      %dma_start3A_205 = arith.constant 0 : i32
      %dma_start3A_206 = tpu.memref_slice %arg5[%squeeze3A_186, %dma_start3A_205] : memref<100000x64xf32, #tpu.memory_space<hbm>> -> memref<1x64xf32, #tpu.memory_space<hbm>>
      tpu.enqueue_dma source(%dma_start3A_206 : memref<1x64xf32, #tpu.memory_space<hbm>>) target(%dma_start3A_204 : memref<1x64xf32, #tpu.memory_space<vmem>>) target_semaphore(%arg13 : memref<!tpu.dma_semaphore, #tpu.memory_space<semaphore_mem>>)
      %slice3A_207 = vector.extract_strided_slice %get3A_56 {offsets = [6], sizes = [1], strides = [1]} : vector<16xi32> to vector<1xi32>
      %squeeze3A_208 = vector.extract %slice3A_207[0] : i32 from vector<1xi32>
      %slice3A_209 = vector.extract_strided_slice %get3A_65 {offsets = [6], sizes = [1], strides = [1]} : vector<16xi32> to vector<1xi32>
      %squeeze3A_210 = vector.extract %slice3A_209[0] : i32 from vector<1xi32>
      %mul3A_211 = arith.constant 16 : i32
      %mul3A_212 = arith.muli %scan3A_47, %mul3A_211 : i32
      %add3A_213 = arith.constant 6 : i32
      %add3A_214 = arith.addi %mul3A_212, %add3A_213 : i32
      %dma_start3A_215 = arith.constant 0 : i32
      %dma_start3A_216 = tpu.memref_slice %arg10[%add3A_214, %dma_start3A_215] : memref<256x64xf32, #tpu.memory_space<vmem>> -> memref<1x64xf32, #tpu.memory_space<vmem>>
      %dma_start3A_217 = arith.constant 0 : i32
      %dma_start3A_218 = tpu.memref_slice %arg4[%squeeze3A_208, %dma_start3A_217] : memref<1000000x64xf32, #tpu.memory_space<hbm>> -> memref<1x64xf32, #tpu.memory_space<hbm>>
      %dma_start3A_219 = arith.constant 0 : i32
      %dma_start3A_220 = tpu.memref_slice %arg10[%add3A_214, %dma_start3A_219] : memref<256x64xf32, #tpu.memory_space<vmem>> -> memref<1x64xf32, #tpu.memory_space<vmem>>
      %dma_start3A_221 = arith.constant 0 : i32
      %dma_start3A_222 = tpu.memref_slice %arg4[%squeeze3A_208, %dma_start3A_221] : memref<1000000x64xf32, #tpu.memory_space<hbm>> -> memref<1x64xf32, #tpu.memory_space<hbm>>
      tpu.enqueue_dma source(%dma_start3A_222 : memref<1x64xf32, #tpu.memory_space<hbm>>) target(%dma_start3A_220 : memref<1x64xf32, #tpu.memory_space<vmem>>) target_semaphore(%arg12 : memref<!tpu.dma_semaphore, #tpu.memory_space<semaphore_mem>>)
      %dma_start3A_223 = arith.constant 0 : i32
      %dma_start3A_224 = tpu.memref_slice %arg11[%add3A_214, %dma_start3A_223] : memref<256x64xf32, #tpu.memory_space<vmem>> -> memref<1x64xf32, #tpu.memory_space<vmem>>
      %dma_start3A_225 = arith.constant 0 : i32
      %dma_start3A_226 = tpu.memref_slice %arg5[%squeeze3A_210, %dma_start3A_225] : memref<100000x64xf32, #tpu.memory_space<hbm>> -> memref<1x64xf32, #tpu.memory_space<hbm>>
      %dma_start3A_227 = arith.constant 0 : i32
      %dma_start3A_228 = tpu.memref_slice %arg11[%add3A_214, %dma_start3A_227] : memref<256x64xf32, #tpu.memory_space<vmem>> -> memref<1x64xf32, #tpu.memory_space<vmem>>
      %dma_start3A_229 = arith.constant 0 : i32
      %dma_start3A_230 = tpu.memref_slice %arg5[%squeeze3A_210, %dma_start3A_229] : memref<100000x64xf32, #tpu.memory_space<hbm>> -> memref<1x64xf32, #tpu.memory_space<hbm>>
      tpu.enqueue_dma source(%dma_start3A_230 : memref<1x64xf32, #tpu.memory_space<hbm>>) target(%dma_start3A_228 : memref<1x64xf32, #tpu.memory_space<vmem>>) target_semaphore(%arg13 : memref<!tpu.dma_semaphore, #tpu.memory_space<semaphore_mem>>)
      %slice3A_231 = vector.extract_strided_slice %get3A_56 {offsets = [7], sizes = [1], strides = [1]} : vector<16xi32> to vector<1xi32>
      %squeeze3A_232 = vector.extract %slice3A_231[0] : i32 from vector<1xi32>
      %slice3A_233 = vector.extract_strided_slice %get3A_65 {offsets = [7], sizes = [1], strides = [1]} : vector<16xi32> to vector<1xi32>
      %squeeze3A_234 = vector.extract %slice3A_233[0] : i32 from vector<1xi32>
      %mul3A_235 = arith.constant 16 : i32
      %mul3A_236 = arith.muli %scan3A_47, %mul3A_235 : i32
      %add3A_237 = arith.constant 7 : i32
      %add3A_238 = arith.addi %mul3A_236, %add3A_237 : i32
      %dma_start3A_239 = arith.constant 0 : i32
      %dma_start3A_240 = tpu.memref_slice %arg10[%add3A_238, %dma_start3A_239] : memref<256x64xf32, #tpu.memory_space<vmem>> -> memref<1x64xf32, #tpu.memory_space<vmem>>
      %dma_start3A_241 = arith.constant 0 : i32
      %dma_start3A_242 = tpu.memref_slice %arg4[%squeeze3A_232, %dma_start3A_241] : memref<1000000x64xf32, #tpu.memory_space<hbm>> -> memref<1x64xf32, #tpu.memory_space<hbm>>
      %dma_start3A_243 = arith.constant 0 : i32
      %dma_start3A_244 = tpu.memref_slice %arg10[%add3A_238, %dma_start3A_243] : memref<256x64xf32, #tpu.memory_space<vmem>> -> memref<1x64xf32, #tpu.memory_space<vmem>>
      %dma_start3A_245 = arith.constant 0 : i32
      %dma_start3A_246 = tpu.memref_slice %arg4[%squeeze3A_232, %dma_start3A_245] : memref<1000000x64xf32, #tpu.memory_space<hbm>> -> memref<1x64xf32, #tpu.memory_space<hbm>>
      tpu.enqueue_dma source(%dma_start3A_246 : memref<1x64xf32, #tpu.memory_space<hbm>>) target(%dma_start3A_244 : memref<1x64xf32, #tpu.memory_space<vmem>>) target_semaphore(%arg12 : memref<!tpu.dma_semaphore, #tpu.memory_space<semaphore_mem>>)
      %dma_start3A_247 = arith.constant 0 : i32
      %dma_start3A_248 = tpu.memref_slice %arg11[%add3A_238, %dma_start3A_247] : memref<256x64xf32, #tpu.memory_space<vmem>> -> memref<1x64xf32, #tpu.memory_space<vmem>>
      %dma_start3A_249 = arith.constant 0 : i32
      %dma_start3A_250 = tpu.memref_slice %arg5[%squeeze3A_234, %dma_start3A_249] : memref<100000x64xf32, #tpu.memory_space<hbm>> -> memref<1x64xf32, #tpu.memory_space<hbm>>
      %dma_start3A_251 = arith.constant 0 : i32
      %dma_start3A_252 = tpu.memref_slice %arg11[%add3A_238, %dma_start3A_251] : memref<256x64xf32, #tpu.memory_space<vmem>> -> memref<1x64xf32, #tpu.memory_space<vmem>>
      %dma_start3A_253 = arith.constant 0 : i32
      %dma_start3A_254 = tpu.memref_slice %arg5[%squeeze3A_234, %dma_start3A_253] : memref<100000x64xf32, #tpu.memory_space<hbm>> -> memref<1x64xf32, #tpu.memory_space<hbm>>
      tpu.enqueue_dma source(%dma_start3A_254 : memref<1x64xf32, #tpu.memory_space<hbm>>) target(%dma_start3A_252 : memref<1x64xf32, #tpu.memory_space<vmem>>) target_semaphore(%arg13 : memref<!tpu.dma_semaphore, #tpu.memory_space<semaphore_mem>>)
      %slice3A_255 = vector.extract_strided_slice %get3A_56 {offsets = [8], sizes = [1], strides = [1]} : vector<16xi32> to vector<1xi32>
      %squeeze3A_256 = vector.extract %slice3A_255[0] : i32 from vector<1xi32>
      %slice3A_257 = vector.extract_strided_slice %get3A_65 {offsets = [8], sizes = [1], strides = [1]} : vector<16xi32> to vector<1xi32>
      %squeeze3A_258 = vector.extract %slice3A_257[0] : i32 from vector<1xi32>
      %mul3A_259 = arith.constant 16 : i32
      %mul3A_260 = arith.muli %scan3A_47, %mul3A_259 : i32
      %add3A_261 = arith.constant 8 : i32
      %add3A_262 = arith.addi %mul3A_260, %add3A_261 : i32
      %dma_start3A_263 = arith.constant 0 : i32
      %dma_start3A_264 = tpu.memref_slice %arg10[%add3A_262, %dma_start3A_263] : memref<256x64xf32, #tpu.memory_space<vmem>> -> memref<1x64xf32, #tpu.memory_space<vmem>>
      %dma_start3A_265 = arith.constant 0 : i32
      %dma_start3A_266 = tpu.memref_slice %arg4[%squeeze3A_256, %dma_start3A_265] : memref<1000000x64xf32, #tpu.memory_space<hbm>> -> memref<1x64xf32, #tpu.memory_space<hbm>>
      %dma_start3A_267 = arith.constant 0 : i32
      %dma_start3A_268 = tpu.memref_slice %arg10[%add3A_262, %dma_start3A_267] : memref<256x64xf32, #tpu.memory_space<vmem>> -> memref<1x64xf32, #tpu.memory_space<vmem>>
      %dma_start3A_269 = arith.constant 0 : i32
      %dma_start3A_270 = tpu.memref_slice %arg4[%squeeze3A_256, %dma_start3A_269] : memref<1000000x64xf32, #tpu.memory_space<hbm>> -> memref<1x64xf32, #tpu.memory_space<hbm>>
      tpu.enqueue_dma source(%dma_start3A_270 : memref<1x64xf32, #tpu.memory_space<hbm>>) target(%dma_start3A_268 : memref<1x64xf32, #tpu.memory_space<vmem>>) target_semaphore(%arg12 : memref<!tpu.dma_semaphore, #tpu.memory_space<semaphore_mem>>)
      %dma_start3A_271 = arith.constant 0 : i32
      %dma_start3A_272 = tpu.memref_slice %arg11[%add3A_262, %dma_start3A_271] : memref<256x64xf32, #tpu.memory_space<vmem>> -> memref<1x64xf32, #tpu.memory_space<vmem>>
      %dma_start3A_273 = arith.constant 0 : i32
      %dma_start3A_274 = tpu.memref_slice %arg5[%squeeze3A_258, %dma_start3A_273] : memref<100000x64xf32, #tpu.memory_space<hbm>> -> memref<1x64xf32, #tpu.memory_space<hbm>>
      %dma_start3A_275 = arith.constant 0 : i32
      %dma_start3A_276 = tpu.memref_slice %arg11[%add3A_262, %dma_start3A_275] : memref<256x64xf32, #tpu.memory_space<vmem>> -> memref<1x64xf32, #tpu.memory_space<vmem>>
      %dma_start3A_277 = arith.constant 0 : i32
      %dma_start3A_278 = tpu.memref_slice %arg5[%squeeze3A_258, %dma_start3A_277] : memref<100000x64xf32, #tpu.memory_space<hbm>> -> memref<1x64xf32, #tpu.memory_space<hbm>>
      tpu.enqueue_dma source(%dma_start3A_278 : memref<1x64xf32, #tpu.memory_space<hbm>>) target(%dma_start3A_276 : memref<1x64xf32, #tpu.memory_space<vmem>>) target_semaphore(%arg13 : memref<!tpu.dma_semaphore, #tpu.memory_space<semaphore_mem>>)
      %slice3A_279 = vector.extract_strided_slice %get3A_56 {offsets = [9], sizes = [1], strides = [1]} : vector<16xi32> to vector<1xi32>
      %squeeze3A_280 = vector.extract %slice3A_279[0] : i32 from vector<1xi32>
      %slice3A_281 = vector.extract_strided_slice %get3A_65 {offsets = [9], sizes = [1], strides = [1]} : vector<16xi32> to vector<1xi32>
      %squeeze3A_282 = vector.extract %slice3A_281[0] : i32 from vector<1xi32>
      %mul3A_283 = arith.constant 16 : i32
      %mul3A_284 = arith.muli %scan3A_47, %mul3A_283 : i32
      %add3A_285 = arith.constant 9 : i32
      %add3A_286 = arith.addi %mul3A_284, %add3A_285 : i32
      %dma_start3A_287 = arith.constant 0 : i32
      %dma_start3A_288 = tpu.memref_slice %arg10[%add3A_286, %dma_start3A_287] : memref<256x64xf32, #tpu.memory_space<vmem>> -> memref<1x64xf32, #tpu.memory_space<vmem>>
      %dma_start3A_289 = arith.constant 0 : i32
      %dma_start3A_290 = tpu.memref_slice %arg4[%squeeze3A_280, %dma_start3A_289] : memref<1000000x64xf32, #tpu.memory_space<hbm>> -> memref<1x64xf32, #tpu.memory_space<hbm>>
      %dma_start3A_291 = arith.constant 0 : i32
      %dma_start3A_292 = tpu.memref_slice %arg10[%add3A_286, %dma_start3A_291] : memref<256x64xf32, #tpu.memory_space<vmem>> -> memref<1x64xf32, #tpu.memory_space<vmem>>
      %dma_start3A_293 = arith.constant 0 : i32
      %dma_start3A_294 = tpu.memref_slice %arg4[%squeeze3A_280, %dma_start3A_293] : memref<1000000x64xf32, #tpu.memory_space<hbm>> -> memref<1x64xf32, #tpu.memory_space<hbm>>
      tpu.enqueue_dma source(%dma_start3A_294 : memref<1x64xf32, #tpu.memory_space<hbm>>) target(%dma_start3A_292 : memref<1x64xf32, #tpu.memory_space<vmem>>) target_semaphore(%arg12 : memref<!tpu.dma_semaphore, #tpu.memory_space<semaphore_mem>>)
      %dma_start3A_295 = arith.constant 0 : i32
      %dma_start3A_296 = tpu.memref_slice %arg11[%add3A_286, %dma_start3A_295] : memref<256x64xf32, #tpu.memory_space<vmem>> -> memref<1x64xf32, #tpu.memory_space<vmem>>
      %dma_start3A_297 = arith.constant 0 : i32
      %dma_start3A_298 = tpu.memref_slice %arg5[%squeeze3A_282, %dma_start3A_297] : memref<100000x64xf32, #tpu.memory_space<hbm>> -> memref<1x64xf32, #tpu.memory_space<hbm>>
      %dma_start3A_299 = arith.constant 0 : i32
      %dma_start3A_300 = tpu.memref_slice %arg11[%add3A_286, %dma_start3A_299] : memref<256x64xf32, #tpu.memory_space<vmem>> -> memref<1x64xf32, #tpu.memory_space<vmem>>
      %dma_start3A_301 = arith.constant 0 : i32
      %dma_start3A_302 = tpu.memref_slice %arg5[%squeeze3A_282, %dma_start3A_301] : memref<100000x64xf32, #tpu.memory_space<hbm>> -> memref<1x64xf32, #tpu.memory_space<hbm>>
      tpu.enqueue_dma source(%dma_start3A_302 : memref<1x64xf32, #tpu.memory_space<hbm>>) target(%dma_start3A_300 : memref<1x64xf32, #tpu.memory_space<vmem>>) target_semaphore(%arg13 : memref<!tpu.dma_semaphore, #tpu.memory_space<semaphore_mem>>)
      %slice3A_303 = vector.extract_strided_slice %get3A_56 {offsets = [10], sizes = [1], strides = [1]} : vector<16xi32> to vector<1xi32>
      %squeeze3A_304 = vector.extract %slice3A_303[0] : i32 from vector<1xi32>
      %slice3A_305 = vector.extract_strided_slice %get3A_65 {offsets = [10], sizes = [1], strides = [1]} : vector<16xi32> to vector<1xi32>
      %squeeze3A_306 = vector.extract %slice3A_305[0] : i32 from vector<1xi32>
      %mul3A_307 = arith.constant 16 : i32
      %mul3A_308 = arith.muli %scan3A_47, %mul3A_307 : i32
      %add3A_309 = arith.constant 10 : i32
      %add3A_310 = arith.addi %mul3A_308, %add3A_309 : i32
      %dma_start3A_311 = arith.constant 0 : i32
      %dma_start3A_312 = tpu.memref_slice %arg10[%add3A_310, %dma_start3A_311] : memref<256x64xf32, #tpu.memory_space<vmem>> -> memref<1x64xf32, #tpu.memory_space<vmem>>
      %dma_start3A_313 = arith.constant 0 : i32
      %dma_start3A_314 = tpu.memref_slice %arg4[%squeeze3A_304, %dma_start3A_313] : memref<1000000x64xf32, #tpu.memory_space<hbm>> -> memref<1x64xf32, #tpu.memory_space<hbm>>
      %dma_start3A_315 = arith.constant 0 : i32
      %dma_start3A_316 = tpu.memref_slice %arg10[%add3A_310, %dma_start3A_315] : memref<256x64xf32, #tpu.memory_space<vmem>> -> memref<1x64xf32, #tpu.memory_space<vmem>>
      %dma_start3A_317 = arith.constant 0 : i32
      %dma_start3A_318 = tpu.memref_slice %arg4[%squeeze3A_304, %dma_start3A_317] : memref<1000000x64xf32, #tpu.memory_space<hbm>> -> memref<1x64xf32, #tpu.memory_space<hbm>>
      tpu.enqueue_dma source(%dma_start3A_318 : memref<1x64xf32, #tpu.memory_space<hbm>>) target(%dma_start3A_316 : memref<1x64xf32, #tpu.memory_space<vmem>>) target_semaphore(%arg12 : memref<!tpu.dma_semaphore, #tpu.memory_space<semaphore_mem>>)
      %dma_start3A_319 = arith.constant 0 : i32
      %dma_start3A_320 = tpu.memref_slice %arg11[%add3A_310, %dma_start3A_319] : memref<256x64xf32, #tpu.memory_space<vmem>> -> memref<1x64xf32, #tpu.memory_space<vmem>>
      %dma_start3A_321 = arith.constant 0 : i32
      %dma_start3A_322 = tpu.memref_slice %arg5[%squeeze3A_306, %dma_start3A_321] : memref<100000x64xf32, #tpu.memory_space<hbm>> -> memref<1x64xf32, #tpu.memory_space<hbm>>
      %dma_start3A_323 = arith.constant 0 : i32
      %dma_start3A_324 = tpu.memref_slice %arg11[%add3A_310, %dma_start3A_323] : memref<256x64xf32, #tpu.memory_space<vmem>> -> memref<1x64xf32, #tpu.memory_space<vmem>>
      %dma_start3A_325 = arith.constant 0 : i32
      %dma_start3A_326 = tpu.memref_slice %arg5[%squeeze3A_306, %dma_start3A_325] : memref<100000x64xf32, #tpu.memory_space<hbm>> -> memref<1x64xf32, #tpu.memory_space<hbm>>
      tpu.enqueue_dma source(%dma_start3A_326 : memref<1x64xf32, #tpu.memory_space<hbm>>) target(%dma_start3A_324 : memref<1x64xf32, #tpu.memory_space<vmem>>) target_semaphore(%arg13 : memref<!tpu.dma_semaphore, #tpu.memory_space<semaphore_mem>>)
      %slice3A_327 = vector.extract_strided_slice %get3A_56 {offsets = [11], sizes = [1], strides = [1]} : vector<16xi32> to vector<1xi32>
      %squeeze3A_328 = vector.extract %slice3A_327[0] : i32 from vector<1xi32>
      %slice3A_329 = vector.extract_strided_slice %get3A_65 {offsets = [11], sizes = [1], strides = [1]} : vector<16xi32> to vector<1xi32>
      %squeeze3A_330 = vector.extract %slice3A_329[0] : i32 from vector<1xi32>
      %mul3A_331 = arith.constant 16 : i32
      %mul3A_332 = arith.muli %scan3A_47, %mul3A_331 : i32
      %add3A_333 = arith.constant 11 : i32
      %add3A_334 = arith.addi %mul3A_332, %add3A_333 : i32
      %dma_start3A_335 = arith.constant 0 : i32
      %dma_start3A_336 = tpu.memref_slice %arg10[%add3A_334, %dma_start3A_335] : memref<256x64xf32, #tpu.memory_space<vmem>> -> memref<1x64xf32, #tpu.memory_space<vmem>>
      %dma_start3A_337 = arith.constant 0 : i32
      %dma_start3A_338 = tpu.memref_slice %arg4[%squeeze3A_328, %dma_start3A_337] : memref<1000000x64xf32, #tpu.memory_space<hbm>> -> memref<1x64xf32, #tpu.memory_space<hbm>>
      %dma_start3A_339 = arith.constant 0 : i32
      %dma_start3A_340 = tpu.memref_slice %arg10[%add3A_334, %dma_start3A_339] : memref<256x64xf32, #tpu.memory_space<vmem>> -> memref<1x64xf32, #tpu.memory_space<vmem>>
      %dma_start3A_341 = arith.constant 0 : i32
      %dma_start3A_342 = tpu.memref_slice %arg4[%squeeze3A_328, %dma_start3A_341] : memref<1000000x64xf32, #tpu.memory_space<hbm>> -> memref<1x64xf32, #tpu.memory_space<hbm>>
      tpu.enqueue_dma source(%dma_start3A_342 : memref<1x64xf32, #tpu.memory_space<hbm>>) target(%dma_start3A_340 : memref<1x64xf32, #tpu.memory_space<vmem>>) target_semaphore(%arg12 : memref<!tpu.dma_semaphore, #tpu.memory_space<semaphore_mem>>)
      %dma_start3A_343 = arith.constant 0 : i32
      %dma_start3A_344 = tpu.memref_slice %arg11[%add3A_334, %dma_start3A_343] : memref<256x64xf32, #tpu.memory_space<vmem>> -> memref<1x64xf32, #tpu.memory_space<vmem>>
      %dma_start3A_345 = arith.constant 0 : i32
      %dma_start3A_346 = tpu.memref_slice %arg5[%squeeze3A_330, %dma_start3A_345] : memref<100000x64xf32, #tpu.memory_space<hbm>> -> memref<1x64xf32, #tpu.memory_space<hbm>>
      %dma_start3A_347 = arith.constant 0 : i32
      %dma_start3A_348 = tpu.memref_slice %arg11[%add3A_334, %dma_start3A_347] : memref<256x64xf32, #tpu.memory_space<vmem>> -> memref<1x64xf32, #tpu.memory_space<vmem>>
      %dma_start3A_349 = arith.constant 0 : i32
      %dma_start3A_350 = tpu.memref_slice %arg5[%squeeze3A_330, %dma_start3A_349] : memref<100000x64xf32, #tpu.memory_space<hbm>> -> memref<1x64xf32, #tpu.memory_space<hbm>>
      tpu.enqueue_dma source(%dma_start3A_350 : memref<1x64xf32, #tpu.memory_space<hbm>>) target(%dma_start3A_348 : memref<1x64xf32, #tpu.memory_space<vmem>>) target_semaphore(%arg13 : memref<!tpu.dma_semaphore, #tpu.memory_space<semaphore_mem>>)
      %slice3A_351 = vector.extract_strided_slice %get3A_56 {offsets = [12], sizes = [1], strides = [1]} : vector<16xi32> to vector<1xi32>
      %squeeze3A_352 = vector.extract %slice3A_351[0] : i32 from vector<1xi32>
      %slice3A_353 = vector.extract_strided_slice %get3A_65 {offsets = [12], sizes = [1], strides = [1]} : vector<16xi32> to vector<1xi32>
      %squeeze3A_354 = vector.extract %slice3A_353[0] : i32 from vector<1xi32>
      %mul3A_355 = arith.constant 16 : i32
      %mul3A_356 = arith.muli %scan3A_47, %mul3A_355 : i32
      %add3A_357 = arith.constant 12 : i32
      %add3A_358 = arith.addi %mul3A_356, %add3A_357 : i32
      %dma_start3A_359 = arith.constant 0 : i32
      %dma_start3A_360 = tpu.memref_slice %arg10[%add3A_358, %dma_start3A_359] : memref<256x64xf32, #tpu.memory_space<vmem>> -> memref<1x64xf32, #tpu.memory_space<vmem>>
      %dma_start3A_361 = arith.constant 0 : i32
      %dma_start3A_362 = tpu.memref_slice %arg4[%squeeze3A_352, %dma_start3A_361] : memref<1000000x64xf32, #tpu.memory_space<hbm>> -> memref<1x64xf32, #tpu.memory_space<hbm>>
      %dma_start3A_363 = arith.constant 0 : i32
      %dma_start3A_364 = tpu.memref_slice %arg10[%add3A_358, %dma_start3A_363] : memref<256x64xf32, #tpu.memory_space<vmem>> -> memref<1x64xf32, #tpu.memory_space<vmem>>
      %dma_start3A_365 = arith.constant 0 : i32
      %dma_start3A_366 = tpu.memref_slice %arg4[%squeeze3A_352, %dma_start3A_365] : memref<1000000x64xf32, #tpu.memory_space<hbm>> -> memref<1x64xf32, #tpu.memory_space<hbm>>
      tpu.enqueue_dma source(%dma_start3A_366 : memref<1x64xf32, #tpu.memory_space<hbm>>) target(%dma_start3A_364 : memref<1x64xf32, #tpu.memory_space<vmem>>) target_semaphore(%arg12 : memref<!tpu.dma_semaphore, #tpu.memory_space<semaphore_mem>>)
      %dma_start3A_367 = arith.constant 0 : i32
      %dma_start3A_368 = tpu.memref_slice %arg11[%add3A_358, %dma_start3A_367] : memref<256x64xf32, #tpu.memory_space<vmem>> -> memref<1x64xf32, #tpu.memory_space<vmem>>
      %dma_start3A_369 = arith.constant 0 : i32
      %dma_start3A_370 = tpu.memref_slice %arg5[%squeeze3A_354, %dma_start3A_369] : memref<100000x64xf32, #tpu.memory_space<hbm>> -> memref<1x64xf32, #tpu.memory_space<hbm>>
      %dma_start3A_371 = arith.constant 0 : i32
      %dma_start3A_372 = tpu.memref_slice %arg11[%add3A_358, %dma_start3A_371] : memref<256x64xf32, #tpu.memory_space<vmem>> -> memref<1x64xf32, #tpu.memory_space<vmem>>
      %dma_start3A_373 = arith.constant 0 : i32
      %dma_start3A_374 = tpu.memref_slice %arg5[%squeeze3A_354, %dma_start3A_373] : memref<100000x64xf32, #tpu.memory_space<hbm>> -> memref<1x64xf32, #tpu.memory_space<hbm>>
      tpu.enqueue_dma source(%dma_start3A_374 : memref<1x64xf32, #tpu.memory_space<hbm>>) target(%dma_start3A_372 : memref<1x64xf32, #tpu.memory_space<vmem>>) target_semaphore(%arg13 : memref<!tpu.dma_semaphore, #tpu.memory_space<semaphore_mem>>)
      %slice3A_375 = vector.extract_strided_slice %get3A_56 {offsets = [13], sizes = [1], strides = [1]} : vector<16xi32> to vector<1xi32>
      %squeeze3A_376 = vector.extract %slice3A_375[0] : i32 from vector<1xi32>
      %slice3A_377 = vector.extract_strided_slice %get3A_65 {offsets = [13], sizes = [1], strides = [1]} : vector<16xi32> to vector<1xi32>
      %squeeze3A_378 = vector.extract %slice3A_377[0] : i32 from vector<1xi32>
      %mul3A_379 = arith.constant 16 : i32
      %mul3A_380 = arith.muli %scan3A_47, %mul3A_379 : i32
      %add3A_381 = arith.constant 13 : i32
      %add3A_382 = arith.addi %mul3A_380, %add3A_381 : i32
      %dma_start3A_383 = arith.constant 0 : i32
      %dma_start3A_384 = tpu.memref_slice %arg10[%add3A_382, %dma_start3A_383] : memref<256x64xf32, #tpu.memory_space<vmem>> -> memref<1x64xf32, #tpu.memory_space<vmem>>
      %dma_start3A_385 = arith.constant 0 : i32
      %dma_start3A_386 = tpu.memref_slice %arg4[%squeeze3A_376, %dma_start3A_385] : memref<1000000x64xf32, #tpu.memory_space<hbm>> -> memref<1x64xf32, #tpu.memory_space<hbm>>
      %dma_start3A_387 = arith.constant 0 : i32
      %dma_start3A_388 = tpu.memref_slice %arg10[%add3A_382, %dma_start3A_387] : memref<256x64xf32, #tpu.memory_space<vmem>> -> memref<1x64xf32, #tpu.memory_space<vmem>>
      %dma_start3A_389 = arith.constant 0 : i32
      %dma_start3A_390 = tpu.memref_slice %arg4[%squeeze3A_376, %dma_start3A_389] : memref<1000000x64xf32, #tpu.memory_space<hbm>> -> memref<1x64xf32, #tpu.memory_space<hbm>>
      tpu.enqueue_dma source(%dma_start3A_390 : memref<1x64xf32, #tpu.memory_space<hbm>>) target(%dma_start3A_388 : memref<1x64xf32, #tpu.memory_space<vmem>>) target_semaphore(%arg12 : memref<!tpu.dma_semaphore, #tpu.memory_space<semaphore_mem>>)
      %dma_start3A_391 = arith.constant 0 : i32
      %dma_start3A_392 = tpu.memref_slice %arg11[%add3A_382, %dma_start3A_391] : memref<256x64xf32, #tpu.memory_space<vmem>> -> memref<1x64xf32, #tpu.memory_space<vmem>>
      %dma_start3A_393 = arith.constant 0 : i32
      %dma_start3A_394 = tpu.memref_slice %arg5[%squeeze3A_378, %dma_start3A_393] : memref<100000x64xf32, #tpu.memory_space<hbm>> -> memref<1x64xf32, #tpu.memory_space<hbm>>
      %dma_start3A_395 = arith.constant 0 : i32
      %dma_start3A_396 = tpu.memref_slice %arg11[%add3A_382, %dma_start3A_395] : memref<256x64xf32, #tpu.memory_space<vmem>> -> memref<1x64xf32, #tpu.memory_space<vmem>>
      %dma_start3A_397 = arith.constant 0 : i32
      %dma_start3A_398 = tpu.memref_slice %arg5[%squeeze3A_378, %dma_start3A_397] : memref<100000x64xf32, #tpu.memory_space<hbm>> -> memref<1x64xf32, #tpu.memory_space<hbm>>
      tpu.enqueue_dma source(%dma_start3A_398 : memref<1x64xf32, #tpu.memory_space<hbm>>) target(%dma_start3A_396 : memref<1x64xf32, #tpu.memory_space<vmem>>) target_semaphore(%arg13 : memref<!tpu.dma_semaphore, #tpu.memory_space<semaphore_mem>>)
      %slice3A_399 = vector.extract_strided_slice %get3A_56 {offsets = [14], sizes = [1], strides = [1]} : vector<16xi32> to vector<1xi32>
      %squeeze3A_400 = vector.extract %slice3A_399[0] : i32 from vector<1xi32>
      %slice3A_401 = vector.extract_strided_slice %get3A_65 {offsets = [14], sizes = [1], strides = [1]} : vector<16xi32> to vector<1xi32>
      %squeeze3A_402 = vector.extract %slice3A_401[0] : i32 from vector<1xi32>
      %mul3A_403 = arith.constant 16 : i32
      %mul3A_404 = arith.muli %scan3A_47, %mul3A_403 : i32
      %add3A_405 = arith.constant 14 : i32
      %add3A_406 = arith.addi %mul3A_404, %add3A_405 : i32
      %dma_start3A_407 = arith.constant 0 : i32
      %dma_start3A_408 = tpu.memref_slice %arg10[%add3A_406, %dma_start3A_407] : memref<256x64xf32, #tpu.memory_space<vmem>> -> memref<1x64xf32, #tpu.memory_space<vmem>>
      %dma_start3A_409 = arith.constant 0 : i32
      %dma_start3A_410 = tpu.memref_slice %arg4[%squeeze3A_400, %dma_start3A_409] : memref<1000000x64xf32, #tpu.memory_space<hbm>> -> memref<1x64xf32, #tpu.memory_space<hbm>>
      %dma_start3A_411 = arith.constant 0 : i32
      %dma_start3A_412 = tpu.memref_slice %arg10[%add3A_406, %dma_start3A_411] : memref<256x64xf32, #tpu.memory_space<vmem>> -> memref<1x64xf32, #tpu.memory_space<vmem>>
      %dma_start3A_413 = arith.constant 0 : i32
      %dma_start3A_414 = tpu.memref_slice %arg4[%squeeze3A_400, %dma_start3A_413] : memref<1000000x64xf32, #tpu.memory_space<hbm>> -> memref<1x64xf32, #tpu.memory_space<hbm>>
      tpu.enqueue_dma source(%dma_start3A_414 : memref<1x64xf32, #tpu.memory_space<hbm>>) target(%dma_start3A_412 : memref<1x64xf32, #tpu.memory_space<vmem>>) target_semaphore(%arg12 : memref<!tpu.dma_semaphore, #tpu.memory_space<semaphore_mem>>)
      %dma_start3A_415 = arith.constant 0 : i32
      %dma_start3A_416 = tpu.memref_slice %arg11[%add3A_406, %dma_start3A_415] : memref<256x64xf32, #tpu.memory_space<vmem>> -> memref<1x64xf32, #tpu.memory_space<vmem>>
      %dma_start3A_417 = arith.constant 0 : i32
      %dma_start3A_418 = tpu.memref_slice %arg5[%squeeze3A_402, %dma_start3A_417] : memref<100000x64xf32, #tpu.memory_space<hbm>> -> memref<1x64xf32, #tpu.memory_space<hbm>>
      %dma_start3A_419 = arith.constant 0 : i32
      %dma_start3A_420 = tpu.memref_slice %arg11[%add3A_406, %dma_start3A_419] : memref<256x64xf32, #tpu.memory_space<vmem>> -> memref<1x64xf32, #tpu.memory_space<vmem>>
      %dma_start3A_421 = arith.constant 0 : i32
      %dma_start3A_422 = tpu.memref_slice %arg5[%squeeze3A_402, %dma_start3A_421] : memref<100000x64xf32, #tpu.memory_space<hbm>> -> memref<1x64xf32, #tpu.memory_space<hbm>>
      tpu.enqueue_dma source(%dma_start3A_422 : memref<1x64xf32, #tpu.memory_space<hbm>>) target(%dma_start3A_420 : memref<1x64xf32, #tpu.memory_space<vmem>>) target_semaphore(%arg13 : memref<!tpu.dma_semaphore, #tpu.memory_space<semaphore_mem>>)
      %slice3A_423 = vector.extract_strided_slice %get3A_56 {offsets = [15], sizes = [1], strides = [1]} : vector<16xi32> to vector<1xi32>
      %squeeze3A_424 = vector.extract %slice3A_423[0] : i32 from vector<1xi32>
      %slice3A_425 = vector.extract_strided_slice %get3A_65 {offsets = [15], sizes = [1], strides = [1]} : vector<16xi32> to vector<1xi32>
      %squeeze3A_426 = vector.extract %slice3A_425[0] : i32 from vector<1xi32>
      %mul3A_427 = arith.constant 16 : i32
      %mul3A_428 = arith.muli %scan3A_47, %mul3A_427 : i32
      %add3A_429 = arith.constant 15 : i32
      %add3A_430 = arith.addi %mul3A_428, %add3A_429 : i32
      %dma_start3A_431 = arith.constant 0 : i32
      %dma_start3A_432 = tpu.memref_slice %arg10[%add3A_430, %dma_start3A_431] : memref<256x64xf32, #tpu.memory_space<vmem>> -> memref<1x64xf32, #tpu.memory_space<vmem>>
      %dma_start3A_433 = arith.constant 0 : i32
      %dma_start3A_434 = tpu.memref_slice %arg4[%squeeze3A_424, %dma_start3A_433] : memref<1000000x64xf32, #tpu.memory_space<hbm>> -> memref<1x64xf32, #tpu.memory_space<hbm>>
      %dma_start3A_435 = arith.constant 0 : i32
      %dma_start3A_436 = tpu.memref_slice %arg10[%add3A_430, %dma_start3A_435] : memref<256x64xf32, #tpu.memory_space<vmem>> -> memref<1x64xf32, #tpu.memory_space<vmem>>
      %dma_start3A_437 = arith.constant 0 : i32
      %dma_start3A_438 = tpu.memref_slice %arg4[%squeeze3A_424, %dma_start3A_437] : memref<1000000x64xf32, #tpu.memory_space<hbm>> -> memref<1x64xf32, #tpu.memory_space<hbm>>
      tpu.enqueue_dma source(%dma_start3A_438 : memref<1x64xf32, #tpu.memory_space<hbm>>) target(%dma_start3A_436 : memref<1x64xf32, #tpu.memory_space<vmem>>) target_semaphore(%arg12 : memref<!tpu.dma_semaphore, #tpu.memory_space<semaphore_mem>>)
      %dma_start3A_439 = arith.constant 0 : i32
      %dma_start3A_440 = tpu.memref_slice %arg11[%add3A_430, %dma_start3A_439] : memref<256x64xf32, #tpu.memory_space<vmem>> -> memref<1x64xf32, #tpu.memory_space<vmem>>
      %dma_start3A_441 = arith.constant 0 : i32
      %dma_start3A_442 = tpu.memref_slice %arg5[%squeeze3A_426, %dma_start3A_441] : memref<100000x64xf32, #tpu.memory_space<hbm>> -> memref<1x64xf32, #tpu.memory_space<hbm>>
      %dma_start3A_443 = arith.constant 0 : i32
      %dma_start3A_444 = tpu.memref_slice %arg11[%add3A_430, %dma_start3A_443] : memref<256x64xf32, #tpu.memory_space<vmem>> -> memref<1x64xf32, #tpu.memory_space<vmem>>
      %dma_start3A_445 = arith.constant 0 : i32
      %dma_start3A_446 = tpu.memref_slice %arg5[%squeeze3A_426, %dma_start3A_445] : memref<100000x64xf32, #tpu.memory_space<hbm>> -> memref<1x64xf32, #tpu.memory_space<hbm>>
      tpu.enqueue_dma source(%dma_start3A_446 : memref<1x64xf32, #tpu.memory_space<hbm>>) target(%dma_start3A_444 : memref<1x64xf32, #tpu.memory_space<vmem>>) target_semaphore(%arg13 : memref<!tpu.dma_semaphore, #tpu.memory_space<semaphore_mem>>)
      %scan3A_447 = arith.constant 0 : i32
      scf.yield %scan3A_447 : i32
    }
    %scan3A_30 = arith.constant 16 : i32
    %dma_wait3A_31 = arith.constant 0 : i32
    %dma_wait3A_32 = arith.constant 0 : i32
    %dma_wait3A_33 = tpu.memref_slice %arg4[%dma_wait3A_31, %dma_wait3A_32] : memref<1000000x64xf32, #tpu.memory_space<hbm>> -> memref<256x64xf32, #tpu.memory_space<hbm>>
    %dma_wait3A_34 = arith.constant 0 : i32
    %dma_wait3A_35 = arith.constant 0 : i32
    %dma_wait3A_36 = tpu.memref_slice %arg4[%dma_wait3A_34, %dma_wait3A_35] : memref<1000000x64xf32, #tpu.memory_space<hbm>> -> memref<256x64xf32, #tpu.memory_space<hbm>>
    tpu.wait_dma2 semaphore(%arg12 : memref<!tpu.dma_semaphore, #tpu.memory_space<semaphore_mem>>) src(%dma_wait3A_36 : memref<256x64xf32, #tpu.memory_space<hbm>>) dst(%arg10 : memref<256x64xf32, #tpu.memory_space<vmem>>)
    %dma_wait3A_37 = arith.constant 0 : i32
    %dma_wait3A_38 = arith.constant 0 : i32
    %dma_wait3A_39 = tpu.memref_slice %arg5[%dma_wait3A_37, %dma_wait3A_38] : memref<100000x64xf32, #tpu.memory_space<hbm>> -> memref<256x64xf32, #tpu.memory_space<hbm>>
    %dma_wait3A_40 = arith.constant 0 : i32
    %dma_wait3A_41 = arith.constant 0 : i32
    %dma_wait3A_42 = tpu.memref_slice %arg5[%dma_wait3A_40, %dma_wait3A_41] : memref<100000x64xf32, #tpu.memory_space<hbm>> -> memref<256x64xf32, #tpu.memory_space<hbm>>
    tpu.wait_dma2 semaphore(%arg13 : memref<!tpu.dma_semaphore, #tpu.memory_space<semaphore_mem>>) src(%dma_wait3A_42 : memref<256x64xf32, #tpu.memory_space<hbm>>) dst(%arg11 : memref<256x64xf32, #tpu.memory_space<vmem>>)
    %add3A_43 = arith.constant 256 : i32
    %add3A_44 = arith.addi %mul3A_2, %add3A_43 : i32
    "tpu.region"() ({
      %run_scoped3A = tpu.sem_alloc : memref<!tpu.dma_semaphore, #tpu.memory_space<semaphore_mem>>
      %dma_start3A = arith.constant 0 : i32
      %dma_start3A_47 = tpu.memref_slice %arg6[%add3A_44, %dma_start3A] : memref<16384x64xf32, #tpu.memory_space<hbm>> -> memref<256x64xf32, #tpu.memory_space<hbm>>
      %dma_start3A_48 = arith.constant 0 : i32
      %dma_start3A_49 = tpu.memref_slice %arg6[%add3A_44, %dma_start3A_48] : memref<16384x64xf32, #tpu.memory_space<hbm>> -> memref<256x64xf32, #tpu.memory_space<hbm>>
      tpu.enqueue_dma source(%arg10 : memref<256x64xf32, #tpu.memory_space<vmem>>) target(%dma_start3A_49 : memref<256x64xf32, #tpu.memory_space<hbm>>) target_semaphore(%run_scoped3A : memref<!tpu.dma_semaphore, #tpu.memory_space<semaphore_mem>>)
      %dma_wait3A_50 = arith.constant 0 : i32
      %dma_wait3A_51 = tpu.memref_slice %arg6[%add3A_44, %dma_wait3A_50] : memref<16384x64xf32, #tpu.memory_space<hbm>> -> memref<256x64xf32, #tpu.memory_space<hbm>>
      %dma_wait3A_52 = arith.constant 0 : i32
      %dma_wait3A_53 = tpu.memref_slice %arg6[%add3A_44, %dma_wait3A_52] : memref<16384x64xf32, #tpu.memory_space<hbm>> -> memref<256x64xf32, #tpu.memory_space<hbm>>
      tpu.wait_dma2 semaphore(%run_scoped3A : memref<!tpu.dma_semaphore, #tpu.memory_space<semaphore_mem>>) src(%arg10 : memref<256x64xf32, #tpu.memory_space<vmem>>) dst(%dma_wait3A_53 : memref<256x64xf32, #tpu.memory_space<hbm>>)
      tpu.yield
    }) : () -> ()
    %add3A_45 = arith.constant 256 : i32
    %add3A_46 = arith.addi %mul3A_2, %add3A_45 : i32
    "tpu.region"() ({
      %run_scoped3A = tpu.sem_alloc : memref<!tpu.dma_semaphore, #tpu.memory_space<semaphore_mem>>
      %dma_start3A = arith.constant 0 : i32
      %dma_start3A_47 = tpu.memref_slice %arg7[%add3A_46, %dma_start3A] : memref<16384x64xf32, #tpu.memory_space<hbm>> -> memref<256x64xf32, #tpu.memory_space<hbm>>
      %dma_start3A_48 = arith.constant 0 : i32
      %dma_start3A_49 = tpu.memref_slice %arg7[%add3A_46, %dma_start3A_48] : memref<16384x64xf32, #tpu.memory_space<hbm>> -> memref<256x64xf32, #tpu.memory_space<hbm>>
      tpu.enqueue_dma source(%arg11 : memref<256x64xf32, #tpu.memory_space<vmem>>) target(%dma_start3A_49 : memref<256x64xf32, #tpu.memory_space<hbm>>) target_semaphore(%run_scoped3A : memref<!tpu.dma_semaphore, #tpu.memory_space<semaphore_mem>>)
      %dma_wait3A_50 = arith.constant 0 : i32
      %dma_wait3A_51 = tpu.memref_slice %arg7[%add3A_46, %dma_wait3A_50] : memref<16384x64xf32, #tpu.memory_space<hbm>> -> memref<256x64xf32, #tpu.memory_space<hbm>>
      %dma_wait3A_52 = arith.constant 0 : i32
      %dma_wait3A_53 = tpu.memref_slice %arg7[%add3A_46, %dma_wait3A_52] : memref<16384x64xf32, #tpu.memory_space<hbm>> -> memref<256x64xf32, #tpu.memory_space<hbm>>
      tpu.wait_dma2 semaphore(%run_scoped3A : memref<!tpu.dma_semaphore, #tpu.memory_space<semaphore_mem>>) src(%arg11 : memref<256x64xf32, #tpu.memory_space<vmem>>) dst(%dma_wait3A_53 : memref<256x64xf32, #tpu.memory_space<hbm>>)
      tpu.yield
    }) : () -> ()
    return
  }
}

module attributes {stable_mosaic.version = 14 : i64} {
  func.func @_phase1_body(%arg0: i32, %arg1: memref<1024x64xf32, #tpu.memory_space<vmem>>, %arg2: memref<1024x64xf32, #tpu.memory_space<vmem>>, %arg3: memref<64x256xf32, #tpu.memory_space<vmem>>, %arg4: memref<64x256xf32, #tpu.memory_space<vmem>>, %arg5: memref<1x256xf32, #tpu.memory_space<vmem>>, %arg6: memref<1024x256xf32, #tpu.memory_space<vmem>>, %arg7: memref<1x1x256xf32, #tpu.memory_space<vmem>>, %arg8: memref<1x1x256xf32, #tpu.memory_space<vmem>>) attributes {dimension_semantics = [#tpu.dimension_semantics<arbitrary>], iteration_bounds = array<i64: 16>, scalar_prefetch = 0 : i64, scratch_operands = 0 : i64, tpu.core_type = #tpu.core_type<tc>, window_params = [{transform_indices = @transform_0, window_bounds = array<i64: 1024, 64>}, {transform_indices = @transform_1, window_bounds = array<i64: 1024, 64>}, {pipeline_mode = #tpu.pipeline_mode<synchronous>, transform_indices = @transform_2, window_bounds = array<i64: 64, 256>}, {pipeline_mode = #tpu.pipeline_mode<synchronous>, transform_indices = @transform_3, window_bounds = array<i64: 64, 256>}, {pipeline_mode = #tpu.pipeline_mode<synchronous>, transform_indices = @transform_4, window_bounds = array<i64: 1, 256>}, {transform_indices = @transform_5, window_bounds = array<i64: 1024, 256>}, {transform_indices = @transform_6, window_bounds = array<i64: 1, 1, 256>}, {transform_indices = @transform_7, window_bounds = array<i64: 1, 1, 256>}]} {
    %get3A = arith.constant 0 : index
    %get3A_0 = arith.constant 0 : index
    %get3A_1 = vector.load %arg1[%get3A, %get3A_0] : memref<1024x64xf32, #tpu.memory_space<vmem>>, vector<1024x64xf32>
    %get3A_2 = arith.constant 0 : index
    %get3A_3 = arith.constant 0 : index
    %get3A_4 = vector.load %arg3[%get3A_2, %get3A_3] : memref<64x256xf32, #tpu.memory_space<vmem>>, vector<64x256xf32>
    %dot_general3A = arith.constant dense<0.000000e+00> : vector<1024x256xf32>
    %dot_general3A_5 = tpu.matmul %get3A_1, %get3A_4, %dot_general3A {dimension_numbers = #tpu.dot_dimension_numbers<[1], [0], [0], [1], [0, 0, 1, 1], [], []>, transpose_lhs_hint = false} : vector<1024x64xf32>, vector<64x256xf32>, vector<1024x256xf32> -> vector<1024x256xf32>
    %get3A_6 = arith.constant 0 : index
    %get3A_7 = arith.constant 0 : index
    %get3A_8 = vector.load %arg2[%get3A_6, %get3A_7] : memref<1024x64xf32, #tpu.memory_space<vmem>>, vector<1024x64xf32>
    %get3A_9 = arith.constant 0 : index
    %get3A_10 = arith.constant 0 : index
    %get3A_11 = vector.load %arg4[%get3A_9, %get3A_10] : memref<64x256xf32, #tpu.memory_space<vmem>>, vector<64x256xf32>
    %dot_general3A_12 = arith.constant dense<0.000000e+00> : vector<1024x256xf32>
    %dot_general3A_13 = tpu.matmul %get3A_8, %get3A_11, %dot_general3A_12 {dimension_numbers = #tpu.dot_dimension_numbers<[1], [0], [0], [1], [0, 0, 1, 1], [], []>, transpose_lhs_hint = false} : vector<1024x64xf32>, vector<64x256xf32>, vector<1024x256xf32> -> vector<1024x256xf32>
    %add3A = arith.addf %dot_general3A_5, %dot_general3A_13 : vector<1024x256xf32>
    %get3A_14 = arith.constant 0 : index
    %get3A_15 = arith.constant 0 : index
    %get3A_16 = vector.load %arg5[%get3A_14, %get3A_15] : memref<1x256xf32, #tpu.memory_space<vmem>>, vector<1x256xf32>
    %add3A_17 = vector.broadcast %get3A_16 : vector<1x256xf32> to vector<1024x256xf32>
    %add3A_18 = arith.addf %add3A, %add3A_17 : vector<1024x256xf32>
    %max3A = arith.constant 0.000000e+00 : f32
    %max3A_19 = vector.broadcast %max3A : f32 to vector<1024x256xf32>
    %max3A_20 = arith.maximumf %add3A_18, %max3A_19 : vector<1024x256xf32>
    %swap3A = arith.constant 0 : index
    %swap3A_21 = arith.constant 0 : index
    %swap3A_22 = vector.load %arg6[%swap3A, %swap3A_21] : memref<1024x256xf32, #tpu.memory_space<vmem>>, vector<1024x256xf32>
    tpu.vector_store %arg6[%swap3A, %swap3A_21], %max3A_20 {strides = array<i32>} : memref<1024x256xf32, #tpu.memory_space<vmem>>, vector<1024x256xf32>,
    %reduce_sum3A = arith.constant dense<0.000000e+00> : vector<256xf32>
    %reduce_sum3A_23 = vector.multi_reduction <add>, %max3A_20, %reduce_sum3A [0] : vector<1024x256xf32> to vector<256xf32>
    %broadcast_in_dim3A = vector.shape_cast %reduce_sum3A_23 : vector<256xf32> to vector<1x256xf32>
    %reshape3A = vector.shape_cast %broadcast_in_dim3A : vector<1x256xf32> to vector<1x1x256xf32>
    %swap3A_24 = arith.constant 0 : index
    %swap3A_25 = arith.constant 0 : index
    %swap3A_26 = arith.constant 0 : index
    %swap3A_27 = vector.load %arg7[%swap3A_24, %swap3A_25, %swap3A_26] : memref<1x1x256xf32, #tpu.memory_space<vmem>>, vector<1x1x256xf32>
    tpu.vector_store %arg7[%swap3A_24, %swap3A_25, %swap3A_26], %reshape3A {strides = array<i32>} : memref<1x1x256xf32, #tpu.memory_space<vmem>>, vector<1x1x256xf32>,
    %mul3A = arith.mulf %max3A_20, %max3A_20 : vector<1024x256xf32>
    %reduce_sum3A_28 = arith.constant dense<0.000000e+00> : vector<256xf32>
    %reduce_sum3A_29 = vector.multi_reduction <add>, %mul3A, %reduce_sum3A_28 [0] : vector<1024x256xf32> to vector<256xf32>
    %broadcast_in_dim3A_30 = vector.shape_cast %reduce_sum3A_29 : vector<256xf32> to vector<1x256xf32>
    %reshape3A_31 = vector.shape_cast %broadcast_in_dim3A_30 : vector<1x256xf32> to vector<1x1x256xf32>
    %swap3A_32 = arith.constant 0 : index
    %swap3A_33 = arith.constant 0 : index
    %swap3A_34 = arith.constant 0 : index
    %swap3A_35 = vector.load %arg8[%swap3A_32, %swap3A_33, %swap3A_34] : memref<1x1x256xf32, #tpu.memory_space<vmem>>, vector<1x1x256xf32>
    tpu.vector_store %arg8[%swap3A_32, %swap3A_33, %swap3A_34], %reshape3A_31 {strides = array<i32>} : memref<1x1x256xf32, #tpu.memory_space<vmem>>, vector<1x1x256xf32>,
    return
  }
  func.func @transform_0(%arg0: i32) -> (i32, i32) {
    %c0_i32 = arith.constant 0 : i32
    %c0_i32_0 = arith.constant 0 : i32
    return %arg0, %c0_i32 : i32, i32
  }
  func.func @transform_1(%arg0: i32) -> (i32, i32) {
    %c0_i32 = arith.constant 0 : i32
    %c0_i32_0 = arith.constant 0 : i32
    return %arg0, %c0_i32 : i32, i32
  }
  func.func @transform_2(%arg0: i32) -> (i32, i32) {
    %c0_i32 = arith.constant 0 : i32
    %c0_i32_0 = arith.constant 0 : i32
    %c0_i32_1 = arith.constant 0 : i32
    return %c0_i32, %c0_i32_0 : i32, i32
  }
  func.func @transform_3(%arg0: i32) -> (i32, i32) {
    %c0_i32 = arith.constant 0 : i32
    %c0_i32_0 = arith.constant 0 : i32
    %c0_i32_1 = arith.constant 0 : i32
    return %c0_i32, %c0_i32_0 : i32, i32
  }
  func.func @transform_4(%arg0: i32) -> (i32, i32) {
    %c0_i32 = arith.constant 0 : i32
    %c0_i32_0 = arith.constant 0 : i32
    %c0_i32_1 = arith.constant 0 : i32
    return %c0_i32, %c0_i32_0 : i32, i32
  }
  func.func @transform_5(%arg0: i32) -> (i32, i32) {
    %c0_i32 = arith.constant 0 : i32
    %c0_i32_0 = arith.constant 0 : i32
    return %arg0, %c0_i32 : i32, i32
  }
  func.func @transform_6(%arg0: i32) -> (i32, i32, i32) {
    %c0_i32 = arith.constant 0 : i32
    %c0_i32_0 = arith.constant 0 : i32
    %c0_i32_1 = arith.constant 0 : i32
    return %arg0, %c0_i32, %c0_i32_0 : i32, i32, i32
  }
  func.func @transform_7(%arg0: i32) -> (i32, i32, i32) {
    %c0_i32 = arith.constant 0 : i32
    %c0_i32_0 = arith.constant 0 : i32
    %c0_i32_1 = arith.constant 0 : i32
    return %arg0, %c0_i32, %c0_i32_0 : i32, i32, i32
  }
}

module attributes {stable_mosaic.version = 14 : i64} {
  func.func @_phase2_body(%arg0: i32, %arg1: memref<1024x256xf32, #tpu.memory_space<vmem>>, %arg2: memref<1x256xf32, #tpu.memory_space<vmem>>, %arg3: memref<1x256xf32, #tpu.memory_space<vmem>>, %arg4: memref<256x128xf32, #tpu.memory_space<vmem>>, %arg5: memref<1x128xf32, #tpu.memory_space<vmem>>, %arg6: memref<1024x128xf32, #tpu.memory_space<vmem>>, %arg7: memref<1x1x128xf32, #tpu.memory_space<vmem>>, %arg8: memref<1x1x128xf32, #tpu.memory_space<vmem>>) attributes {dimension_semantics = [#tpu.dimension_semantics<arbitrary>], iteration_bounds = array<i64: 16>, scalar_prefetch = 0 : i64, scratch_operands = 0 : i64, tpu.core_type = #tpu.core_type<tc>, window_params = [{transform_indices = @transform_0, window_bounds = array<i64: 1024, 256>}, {pipeline_mode = #tpu.pipeline_mode<synchronous>, transform_indices = @transform_1, window_bounds = array<i64: 1, 256>}, {pipeline_mode = #tpu.pipeline_mode<synchronous>, transform_indices = @transform_2, window_bounds = array<i64: 1, 256>}, {pipeline_mode = #tpu.pipeline_mode<synchronous>, transform_indices = @transform_3, window_bounds = array<i64: 256, 128>}, {pipeline_mode = #tpu.pipeline_mode<synchronous>, transform_indices = @transform_4, window_bounds = array<i64: 1, 128>}, {transform_indices = @transform_5, window_bounds = array<i64: 1024, 128>}, {transform_indices = @transform_6, window_bounds = array<i64: 1, 1, 128>}, {transform_indices = @transform_7, window_bounds = array<i64: 1, 1, 128>}]} {
    %get3A = arith.constant 0 : index
    %get3A_0 = arith.constant 0 : index
    %get3A_1 = vector.load %arg1[%get3A, %get3A_0] : memref<1024x256xf32, #tpu.memory_space<vmem>>, vector<1024x256xf32>
    %get3A_2 = arith.constant 0 : index
    %get3A_3 = arith.constant 0 : index
    %get3A_4 = vector.load %arg2[%get3A_2, %get3A_3] : memref<1x256xf32, #tpu.memory_space<vmem>>, vector<1x256xf32>
    %mul3A = vector.broadcast %get3A_4 : vector<1x256xf32> to vector<1024x256xf32>
    %mul3A_5 = arith.mulf %get3A_1, %mul3A : vector<1024x256xf32>
    %get3A_6 = arith.constant 0 : index
    %get3A_7 = arith.constant 0 : index
    %get3A_8 = vector.load %arg3[%get3A_6, %get3A_7] : memref<1x256xf32, #tpu.memory_space<vmem>>, vector<1x256xf32>
    %add3A = vector.broadcast %get3A_8 : vector<1x256xf32> to vector<1024x256xf32>
    %add3A_9 = arith.addf %mul3A_5, %add3A : vector<1024x256xf32>
    %get3A_10 = arith.constant 0 : index
    %get3A_11 = arith.constant 0 : index
    %get3A_12 = vector.load %arg4[%get3A_10, %get3A_11] : memref<256x128xf32, #tpu.memory_space<vmem>>, vector<256x128xf32>
    %dot_general3A = arith.constant dense<0.000000e+00> : vector<1024x128xf32>
    %dot_general3A_13 = tpu.matmul %add3A_9, %get3A_12, %dot_general3A {dimension_numbers = #tpu.dot_dimension_numbers<[1], [0], [0], [1], [0, 0, 1, 1], [], []>, transpose_lhs_hint = false} : vector<1024x256xf32>, vector<256x128xf32>, vector<1024x128xf32> -> vector<1024x128xf32>
    %get3A_14 = arith.constant 0 : index
    %get3A_15 = arith.constant 0 : index
    %get3A_16 = vector.load %arg5[%get3A_14, %get3A_15] : memref<1x128xf32, #tpu.memory_space<vmem>>, vector<1x128xf32>
    %add3A_17 = vector.broadcast %get3A_16 : vector<1x128xf32> to vector<1024x128xf32>
    %add3A_18 = arith.addf %dot_general3A_13, %add3A_17 : vector<1024x128xf32>
    %max3A = arith.constant 0.000000e+00 : f32
    %max3A_19 = vector.broadcast %max3A : f32 to vector<1024x128xf32>
    %max3A_20 = arith.maximumf %add3A_18, %max3A_19 : vector<1024x128xf32>
    %swap3A = arith.constant 0 : index
    %swap3A_21 = arith.constant 0 : index
    %swap3A_22 = vector.load %arg6[%swap3A, %swap3A_21] : memref<1024x128xf32, #tpu.memory_space<vmem>>, vector<1024x128xf32>
    tpu.vector_store %arg6[%swap3A, %swap3A_21], %max3A_20 {strides = array<i32>} : memref<1024x128xf32, #tpu.memory_space<vmem>>, vector<1024x128xf32>,
    %reduce_sum3A = arith.constant dense<0.000000e+00> : vector<128xf32>
    %reduce_sum3A_23 = vector.multi_reduction <add>, %max3A_20, %reduce_sum3A [0] : vector<1024x128xf32> to vector<128xf32>
    %broadcast_in_dim3A = vector.shape_cast %reduce_sum3A_23 : vector<128xf32> to vector<1x128xf32>
    %reshape3A = vector.shape_cast %broadcast_in_dim3A : vector<1x128xf32> to vector<1x1x128xf32>
    %swap3A_24 = arith.constant 0 : index
    %swap3A_25 = arith.constant 0 : index
    %swap3A_26 = arith.constant 0 : index
    %swap3A_27 = vector.load %arg7[%swap3A_24, %swap3A_25, %swap3A_26] : memref<1x1x128xf32, #tpu.memory_space<vmem>>, vector<1x1x128xf32>
    tpu.vector_store %arg7[%swap3A_24, %swap3A_25, %swap3A_26], %reshape3A {strides = array<i32>} : memref<1x1x128xf32, #tpu.memory_space<vmem>>, vector<1x1x128xf32>,
    %mul3A_28 = arith.mulf %max3A_20, %max3A_20 : vector<1024x128xf32>
    %reduce_sum3A_29 = arith.constant dense<0.000000e+00> : vector<128xf32>
    %reduce_sum3A_30 = vector.multi_reduction <add>, %mul3A_28, %reduce_sum3A_29 [0] : vector<1024x128xf32> to vector<128xf32>
    %broadcast_in_dim3A_31 = vector.shape_cast %reduce_sum3A_30 : vector<128xf32> to vector<1x128xf32>
    %reshape3A_32 = vector.shape_cast %broadcast_in_dim3A_31 : vector<1x128xf32> to vector<1x1x128xf32>
    %swap3A_33 = arith.constant 0 : index
    %swap3A_34 = arith.constant 0 : index
    %swap3A_35 = arith.constant 0 : index
    %swap3A_36 = vector.load %arg8[%swap3A_33, %swap3A_34, %swap3A_35] : memref<1x1x128xf32, #tpu.memory_space<vmem>>, vector<1x1x128xf32>
    tpu.vector_store %arg8[%swap3A_33, %swap3A_34, %swap3A_35], %reshape3A_32 {strides = array<i32>} : memref<1x1x128xf32, #tpu.memory_space<vmem>>, vector<1x1x128xf32>,
    return
  }
  func.func @transform_0(%arg0: i32) -> (i32, i32) {
    %c0_i32 = arith.constant 0 : i32
    %c0_i32_0 = arith.constant 0 : i32
    return %arg0, %c0_i32 : i32, i32
  }
  func.func @transform_1(%arg0: i32) -> (i32, i32) {
    %c0_i32 = arith.constant 0 : i32
    %c0_i32_0 = arith.constant 0 : i32
    %c0_i32_1 = arith.constant 0 : i32
    return %c0_i32, %c0_i32_0 : i32, i32
  }
  func.func @transform_2(%arg0: i32) -> (i32, i32) {
    %c0_i32 = arith.constant 0 : i32
    %c0_i32_0 = arith.constant 0 : i32
    %c0_i32_1 = arith.constant 0 : i32
    return %c0_i32, %c0_i32_0 : i32, i32
  }
  func.func @transform_3(%arg0: i32) -> (i32, i32) {
    %c0_i32 = arith.constant 0 : i32
    %c0_i32_0 = arith.constant 0 : i32
    %c0_i32_1 = arith.constant 0 : i32
    return %c0_i32, %c0_i32_0 : i32, i32
  }
  func.func @transform_4(%arg0: i32) -> (i32, i32) {
    %c0_i32 = arith.constant 0 : i32
    %c0_i32_0 = arith.constant 0 : i32
    %c0_i32_1 = arith.constant 0 : i32
    return %c0_i32, %c0_i32_0 : i32, i32
  }
  func.func @transform_5(%arg0: i32) -> (i32, i32) {
    %c0_i32 = arith.constant 0 : i32
    %c0_i32_0 = arith.constant 0 : i32
    return %arg0, %c0_i32 : i32, i32
  }
  func.func @transform_6(%arg0: i32) -> (i32, i32, i32) {
    %c0_i32 = arith.constant 0 : i32
    %c0_i32_0 = arith.constant 0 : i32
    %c0_i32_1 = arith.constant 0 : i32
    return %arg0, %c0_i32, %c0_i32_0 : i32, i32, i32
  }
  func.func @transform_7(%arg0: i32) -> (i32, i32, i32) {
    %c0_i32 = arith.constant 0 : i32
    %c0_i32_0 = arith.constant 0 : i32
    %c0_i32_1 = arith.constant 0 : i32
    return %arg0, %c0_i32, %c0_i32_0 : i32, i32, i32
  }
}

module attributes {stable_mosaic.version = 14 : i64} {
  func.func @_phase3_body(%arg0: i32, %arg1: memref<1024x128xf32, #tpu.memory_space<vmem>>, %arg2: memref<1x128xf32, #tpu.memory_space<vmem>>, %arg3: memref<1x128xf32, #tpu.memory_space<vmem>>, %arg4: memref<128x64xf32, #tpu.memory_space<vmem>>, %arg5: memref<1x64xf32, #tpu.memory_space<vmem>>, %arg6: memref<1x64xf32, #tpu.memory_space<vmem>>, %arg7: memref<1024x64xf32, #tpu.memory_space<vmem>>, %arg8: memref<1024x64xf32, #tpu.memory_space<vmem>>, %arg9: memref<1024x1xf32, #tpu.memory_space<vmem>>, %arg10: memref<1024x1xf32, #tpu.memory_space<vmem>>, %arg11: memref<1x1xf32, #tpu.memory_space<vmem>>, %arg12: memref<1024x1xf32, #tpu.memory_space<vmem>>) attributes {dimension_semantics = [#tpu.dimension_semantics<arbitrary>], iteration_bounds = array<i64: 16>, scalar_prefetch = 0 : i64, scratch_operands = 0 : i64, tpu.core_type = #tpu.core_type<tc>, window_params = [{transform_indices = @transform_0, window_bounds = array<i64: 1024, 128>}, {pipeline_mode = #tpu.pipeline_mode<synchronous>, transform_indices = @transform_1, window_bounds = array<i64: 1, 128>}, {pipeline_mode = #tpu.pipeline_mode<synchronous>, transform_indices = @transform_2, window_bounds = array<i64: 1, 128>}, {pipeline_mode = #tpu.pipeline_mode<synchronous>, transform_indices = @transform_3, window_bounds = array<i64: 128, 64>}, {pipeline_mode = #tpu.pipeline_mode<synchronous>, transform_indices = @transform_4, window_bounds = array<i64: 1, 64>}, {pipeline_mode = #tpu.pipeline_mode<synchronous>, transform_indices = @transform_5, window_bounds = array<i64: 1, 64>}, {transform_indices = @transform_6, window_bounds = array<i64: 1024, 64>}, {transform_indices = @transform_7, window_bounds = array<i64: 1024, 64>}, {transform_indices = @transform_8, window_bounds = array<i64: 1024, 1>}, {transform_indices = @transform_9, window_bounds = array<i64: 1024, 1>}, {pipeline_mode = #tpu.pipeline_mode<synchronous>, transform_indices = @transform_10, window_bounds = array<i64: 1, 1>}, {transform_indices = @transform_11, window_bounds = array<i64: 1024, 1>}]} {
    %get3A = arith.constant 0 : index
    %get3A_0 = arith.constant 0 : index
    %get3A_1 = vector.load %arg1[%get3A, %get3A_0] : memref<1024x128xf32, #tpu.memory_space<vmem>>, vector<1024x128xf32>
    %get3A_2 = arith.constant 0 : index
    %get3A_3 = arith.constant 0 : index
    %get3A_4 = vector.load %arg2[%get3A_2, %get3A_3] : memref<1x128xf32, #tpu.memory_space<vmem>>, vector<1x128xf32>
    %mul3A = vector.broadcast %get3A_4 : vector<1x128xf32> to vector<1024x128xf32>
    %mul3A_5 = arith.mulf %get3A_1, %mul3A : vector<1024x128xf32>
    %get3A_6 = arith.constant 0 : index
    %get3A_7 = arith.constant 0 : index
    %get3A_8 = vector.load %arg3[%get3A_6, %get3A_7] : memref<1x128xf32, #tpu.memory_space<vmem>>, vector<1x128xf32>
    %add3A = vector.broadcast %get3A_8 : vector<1x128xf32> to vector<1024x128xf32>
    %add3A_9 = arith.addf %mul3A_5, %add3A : vector<1024x128xf32>
    %get3A_10 = arith.constant 0 : index
    %get3A_11 = arith.constant 0 : index
    %get3A_12 = vector.load %arg4[%get3A_10, %get3A_11] : memref<128x64xf32, #tpu.memory_space<vmem>>, vector<128x64xf32>
    %dot_general3A = arith.constant dense<0.000000e+00> : vector<1024x64xf32>
    %dot_general3A_13 = tpu.matmul %add3A_9, %get3A_12, %dot_general3A {dimension_numbers = #tpu.dot_dimension_numbers<[1], [0], [0], [1], [0, 0, 1, 1], [], []>, transpose_lhs_hint = false} : vector<1024x128xf32>, vector<128x64xf32>, vector<1024x64xf32> -> vector<1024x64xf32>
    %get3A_14 = arith.constant 0 : index
    %get3A_15 = arith.constant 0 : index
    %get3A_16 = vector.load %arg5[%get3A_14, %get3A_15] : memref<1x64xf32, #tpu.memory_space<vmem>>, vector<1x64xf32>
    %add3A_17 = vector.broadcast %get3A_16 : vector<1x64xf32> to vector<1024x64xf32>
    %add3A_18 = arith.addf %dot_general3A_13, %add3A_17 : vector<1024x64xf32>
    %max3A = arith.constant 0.000000e+00 : f32
    %max3A_19 = vector.broadcast %max3A : f32 to vector<1024x64xf32>
    %max3A_20 = arith.maximumf %add3A_18, %max3A_19 : vector<1024x64xf32>
    %get3A_21 = arith.constant 0 : index
    %get3A_22 = arith.constant 0 : index
    %get3A_23 = vector.load %arg6[%get3A_21, %get3A_22] : memref<1x64xf32, #tpu.memory_space<vmem>>, vector<1x64xf32>
    %mul3A_24 = vector.broadcast %get3A_23 : vector<1x64xf32> to vector<1024x64xf32>
    %mul3A_25 = arith.mulf %max3A_20, %mul3A_24 : vector<1024x64xf32>
    %reduce_sum3A = arith.constant dense<0.000000e+00> : vector<1024xf32>
    %reduce_sum3A_26 = vector.multi_reduction <add>, %mul3A_25, %reduce_sum3A [1] : vector<1024x64xf32> to vector<1024xf32>
    %broadcast_in_dim3A = vector.shape_cast %reduce_sum3A_26 : vector<1024xf32> to vector<1024x1xf32>
    %get3A_27 = arith.constant 0 : index
    %get3A_28 = arith.constant 0 : index
    %get3A_29 = vector.load %arg7[%get3A_27, %get3A_28] : memref<1024x64xf32, #tpu.memory_space<vmem>>, vector<1024x64xf32>
    %get3A_30 = arith.constant 0 : index
    %get3A_31 = arith.constant 0 : index
    %get3A_32 = vector.load %arg8[%get3A_30, %get3A_31] : memref<1024x64xf32, #tpu.memory_space<vmem>>, vector<1024x64xf32>
    %mul3A_33 = arith.mulf %get3A_29, %get3A_32 : vector<1024x64xf32>
    %reduce_sum3A_34 = arith.constant dense<0.000000e+00> : vector<1024xf32>
    %reduce_sum3A_35 = vector.multi_reduction <add>, %mul3A_33, %reduce_sum3A_34 [1] : vector<1024x64xf32> to vector<1024xf32>
    %broadcast_in_dim3A_36 = vector.shape_cast %reduce_sum3A_35 : vector<1024xf32> to vector<1024x1xf32>
    %get3A_37 = arith.constant 0 : index
    %get3A_38 = arith.constant 0 : index
    %get3A_39 = vector.load %arg9[%get3A_37, %get3A_38] : memref<1024x1xf32, #tpu.memory_space<vmem>>, vector<1024x1xf32>
    %add3A_40 = arith.addf %broadcast_in_dim3A_36, %get3A_39 : vector<1024x1xf32>
    %get3A_41 = arith.constant 0 : index
    %get3A_42 = arith.constant 0 : index
    %get3A_43 = vector.load %arg10[%get3A_41, %get3A_42] : memref<1024x1xf32, #tpu.memory_space<vmem>>, vector<1024x1xf32>
    %add3A_44 = arith.addf %add3A_40, %get3A_43 : vector<1024x1xf32>
    %mul3A_45 = arith.constant 3.000000e-01 : f32
    %mul3A_46 = vector.broadcast %mul3A_45 : f32 to vector<1024x1xf32>
    %mul3A_47 = arith.mulf %mul3A_46, %add3A_44 : vector<1024x1xf32>
    %add3A_48 = arith.addf %broadcast_in_dim3A, %mul3A_47 : vector<1024x1xf32>
    %get3A_49 = arith.constant 0 : index
    %get3A_50 = arith.constant 0 : index
    %get3A_51 = vector.load %arg11[%get3A_49, %get3A_50] : memref<1x1xf32, #tpu.memory_space<vmem>>, vector<1x1xf32>
    %get3A_52 = vector.extract %get3A_51[0, 0] : f32 from vector<1x1xf32>
    %add3A_53 = vector.broadcast %get3A_52 : f32 to vector<1024x1xf32>
    %add3A_54 = arith.addf %add3A_48, %add3A_53 : vector<1024x1xf32>
    %logistic3A = arith.negf %add3A_54 : vector<1024x1xf32>
    %logistic3A_55 = math.exp %logistic3A : vector<1024x1xf32>
    %logistic3A_56 = arith.constant 1.000000e+00 : f32
    %logistic3A_57 = vector.broadcast %logistic3A_56 : f32 to vector<1024x1xf32>
    %logistic3A_58 = arith.addf %logistic3A_57, %logistic3A_55 : vector<1024x1xf32>
    %logistic3A_59 = arith.divf %logistic3A_57, %logistic3A_58 : vector<1024x1xf32>
    %swap3A = arith.constant 0 : index
    %swap3A_60 = arith.constant 0 : index
    %swap3A_61 = vector.load %arg12[%swap3A, %swap3A_60] : memref<1024x1xf32, #tpu.memory_space<vmem>>, vector<1024x1xf32>
    tpu.vector_store %arg12[%swap3A, %swap3A_60], %logistic3A_59 {strides = array<i32>} : memref<1024x1xf32, #tpu.memory_space<vmem>>, vector<1024x1xf32>,
    return
  }
  func.func @transform_0(%arg0: i32) -> (i32, i32) {
    %c0_i32 = arith.constant 0 : i32
    %c0_i32_0 = arith.constant 0 : i32
    return %arg0, %c0_i32 : i32, i32
  }
  func.func @transform_1(%arg0: i32) -> (i32, i32) {
    %c0_i32 = arith.constant 0 : i32
    %c0_i32_0 = arith.constant 0 : i32
    %c0_i32_1 = arith.constant 0 : i32
    return %c0_i32, %c0_i32_0 : i32, i32
  }
  func.func @transform_2(%arg0: i32) -> (i32, i32) {
    %c0_i32 = arith.constant 0 : i32
    %c0_i32_0 = arith.constant 0 : i32
    %c0_i32_1 = arith.constant 0 : i32
    return %c0_i32, %c0_i32_0 : i32, i32
  }
  func.func @transform_3(%arg0: i32) -> (i32, i32) {
    %c0_i32 = arith.constant 0 : i32
    %c0_i32_0 = arith.constant 0 : i32
    %c0_i32_1 = arith.constant 0 : i32
    return %c0_i32, %c0_i32_0 : i32, i32
  }
  func.func @transform_4(%arg0: i32) -> (i32, i32) {
    %c0_i32 = arith.constant 0 : i32
    %c0_i32_0 = arith.constant 0 : i32
    %c0_i32_1 = arith.constant 0 : i32
    return %c0_i32, %c0_i32_0 : i32, i32
  }
  func.func @transform_5(%arg0: i32) -> (i32, i32) {
    %c0_i32 = arith.constant 0 : i32
    %c0_i32_0 = arith.constant 0 : i32
    %c0_i32_1 = arith.constant 0 : i32
    return %c0_i32, %c0_i32_0 : i32, i32
  }
  func.func @transform_6(%arg0: i32) -> (i32, i32) {
    %c0_i32 = arith.constant 0 : i32
    %c0_i32_0 = arith.constant 0 : i32
    return %arg0, %c0_i32 : i32, i32
  }
  func.func @transform_7(%arg0: i32) -> (i32, i32) {
    %c0_i32 = arith.constant 0 : i32
    %c0_i32_0 = arith.constant 0 : i32
    return %arg0, %c0_i32 : i32, i32
  }
  func.func @transform_8(%arg0: i32) -> (i32, i32) {
    %c0_i32 = arith.constant 0 : i32
    %c0_i32_0 = arith.constant 0 : i32
    return %arg0, %c0_i32 : i32, i32
  }
  func.func @transform_9(%arg0: i32) -> (i32, i32) {
    %c0_i32 = arith.constant 0 : i32
    %c0_i32_0 = arith.constant 0 : i32
    return %arg0, %c0_i32 : i32, i32
  }
  func.func @transform_10(%arg0: i32) -> (i32, i32) {
    %c0_i32 = arith.constant 0 : i32
    %c0_i32_0 = arith.constant 0 : i32
    %c0_i32_1 = arith.constant 0 : i32
    return %c0_i32, %c0_i32_0 : i32, i32
  }
  func.func @transform_11(%arg0: i32) -> (i32, i32) {
    %c0_i32 = arith.constant 0 : i32
    %c0_i32_0 = arith.constant 0 : i32
    return %arg0, %c0_i32 : i32, i32
  }
}

</mosaic_0001>

<sc_bundles>
// kernel: kernel.10.cloned.1.call-start
scs
__scs_entry_jumppad:
0x0: {  	(pc) =	sbr.rel $0x88, $3  }
0x1: {  	(tag) =	ssettag $0x0;
	lr =	simm.s32 $0x1  }
0x2: {  	[smem:$0x3F8E] =	sst lr;
	_ =	strace $0xD0000000  }
0x3: {  	_ = 	snop  }
0x4: {  	_ = 	snop  }
0x5: {  	_ = 	snop  }
0x6: {  	_ = 	snop  }
0x7: {  	_ = 	snop  }
__scs_overlays_trampoline_lowered:
0x8: {  	[smem:$0x3F9D] =	sst s0  }
0x9: {  	[smem:$0x3F9E] =	sst s1  }
0xa: {  	[smem:$0x3F9F] =	sst s2  }
0xb: {  	[smem:$0x3FA0] =	sst s3  }
0xc: {  	[smem:$0x3FA1] =	sst s4  }
0xd: {  	[smem:$0x3FA2] =	sst s5  }
0xe: {  	[smem:$0x3FA3] =	sst s6  }
0xf: {  	[smem:$0x3FA4] =	sst s7  }
0x10: {  	[smem:$0x3FA5] =	sst s8  }
0x11: {  	[smem:$0x3FA6] =	sst s9;
	s0 =	simm.s32 @!p0 $0x0  }
0x12: {  	s1 =	sld [smem:$0x3F8C];
	s0 =	simm.s32 @p0 $0x1  }
0x13: {  	[smem:$0x3FA7] =	sst s0;
	s0 =	simm.s32 @!p1 $0x0  }
0x14: {  	s2 =	sld [smem:$0x3F8B];
	s0 =	simm.s32 @p1 $0x1  }
0x15: {  	[smem:$0x3FA8] =	sst s0;
	s0 =	simm.s32 @!p2 $0x0  }
0x16: {  	s3 =	sld [smem:$0x3FDB];
	s0 =	simm.s32 @p2 $0x1  }
0x17: {  	s4 =	simm.s32 $0x1BF5;
	[smem:$0x3FAA] =	sst s0  }
0x18: {  	s0 =	sld [smem:$0x3F8D];
	_ =	swait.ge [sflag:s4], $0x0  }
0x19: {  	s7 =	sld [smem:$0x3F8E]  }
0x1a: {  	s8 =	sadd.s32 $0xFFFFE003, lr  }
0x1b: {  	s9 =	sadd.s32 $0xFFFFFEF7, lr;
	s5 =	simm.s32 $0xFFFFFFFF;
	p2 =	slt.u32 s8, $0xFFFFF086  }
0x1c: {  	p1 =	slt.u32 s9, $0xF7A;
	s5 =	simm.s32 @!p2 $0x0  }
0x1d: {  	s5 =	simm.s32 @p1 $0x1;
	p0 =	seq.s32 s7, s2  }
0x1e: {  	s7 =	smul.u32 @!p0 $0xF7A, s2;
	p2 =	seq.s32 @!p0 s5, $0x0  }
0x1f: {  	s9 =	smul.u32 $0xF7A, s1;
	s8 =	simm.s32 @!p0 $0x1BF5;
	p2 =	por !p2, p0  }
0x20: {  	[sflag:s8] =	ssyncset.s32 @!p0 $0xFFFFF086;
	s6 =	sadd.s32 @!p0 s3, s7;
	s7 =	simm.s32 @!p0 $0x108  }
0x21: {  	s3 =	sadd.s32 s3, s9;
	s6 =	sadd.s32 @!p0 $0x88, s6;
	s7 =	simm.s32 @p2 $0x1082  }
0x22: {  	[simem:s7], [sflag:s8] =	dma.local @!p0 [hbm:s6], $0xF7A  }
0x23: {  	s9 =	sor.u32 $0xD0000000, s2;
	s6 =	simm.s32 $0x108;
	_ =	swait.ge @!p0 [sflag:s8], $0x0  }
0x24: {  	s3 =	sadd.s32 $0x88, s3;
	s6 =	simm.s32 @!p1 $0x1082;
	[sflag:s4] =	ssyncset.s32 $0xFFFFF086  }
0x25: {  	[simem:s6], [sflag:s4] =	dma.local [hbm:s3], $0xF7A  }
0x26: {  	[smem:$0x3F8E] =	sst s1;
	(tag) =	ssettag s2;
	_ =	strace s9  }
0x27: {  	s1 =	sld [smem:$0x3F9E]  }
0x28: {  	s2 =	sld [smem:$0x3F9F]  }
0x29: {  	s4 =	sld [smem:$0x3FA1]  }
0x2a: {  	p0 =	seq.s32 s5, $0x0;
	s5 =	sld [smem:$0x3FA2]  }
0x2b: {  	s6 =	sld [smem:$0x3FA3]  }
0x2c: {  	s7 =	sld [smem:$0x3FA4]  }
0x2d: {  	s3 =	simm.s32 $0x108;
	s8 =	sld [smem:$0x3FA5]  }
0x2e: {  	s3 =	simm.s32 @!p0 $0x1082;
	s9 =	sld [smem:$0x3FA6]  }
0x2f: {  	lr =	sadd.s32 s0, s3;
	s0 =	sld [smem:$0x3F9D]  }
0x30: {  	s3 =	sld [smem:$0x3FA0]  }
0x31: {  	[smem:$0x3FA9] =	sst s10  }
0x32: {  	s10 =	sld [smem:$0x3FA7];
	_ =	sdelay $0x3  }
0x33: {  	p0 =	seq.s32 s10, $0x1;
	s10 =	sld [smem:$0x3FA9];
	_ =	sdelay $0x3  }
0x34: {  	[smem:$0x3FA9] =	sst s10  }
0x35: {  	s10 =	sld [smem:$0x3FA8];
	_ =	sdelay $0x3  }
0x36: {  	p1 =	seq.s32 s10, $0x1;
	s10 =	sld [smem:$0x3FA9];
	_ =	sdelay $0x3  }
0x37: {  	[smem:$0x3FA9] =	sst s10  }
0x38: {  	s10 =	sld [smem:$0x3FAA]  }
0x39: {  	_ = 	snop;
	(pc) =	sbr.ind lr, $3  }
0x3a: {  	_ = 	snop  }
0x3b: {  	_ = 	snop  }
0x3c: {  	p2 =	seq.s32 s10, $0x1;
	s10 =	sld [smem:$0x3FA9]  }
0x3d: {  	_ =	shalt  }
0x3e: {  	_ =	shalt  }
0x3f: {  	_ =	shalt  }
0x40: {  	_ =	shalt  }
0x41: {  	_ =	shalt  }
0x42: {  	_ =	shalt  }
0x43: {  	_ =	shalt  }
0x44: {  	_ =	shalt  }
0x45: {  	_ =	shalt  }
0x46: {  	_ =	shalt  }
0x47: {  	_ =	shalt  }
0x48: {  	_ =	shalt  }
0x49: {  	_ =	shalt  }
0x4a: {  	_ =	shalt  }
0x4b: {  	_ =	shalt  }
0x4c: {  	_ =	shalt  }
0x4d: {  	_ =	shalt  }
0x4e: {  	_ =	shalt  }
0x4f: {  	_ =	shalt  }
0x50: {  	_ =	shalt  }
0x51: {  	_ =	shalt  }
0x52: {  	_ =	shalt  }
0x53: {  	_ =	shalt  }
0x54: {  	_ =	shalt  }
0x55: {  	_ =	shalt  }
0x56: {  	_ =	shalt  }
0x57: {  	_ =	shalt  }
0x58: {  	_ =	shalt  }
0x59: {  	_ =	shalt  }
0x5a: {  	_ =	shalt  }
0x5b: {  	_ =	shalt  }
0x5c: {  	_ =	shalt  }
0x5d: {  	_ =	shalt  }
0x5e: {  	_ =	shalt  }
0x5f: {  	_ =	shalt  }
0x60: {  	_ =	shalt  }
0x61: {  	_ =	shalt  }
0x62: {  	_ =	shalt  }
0x63: {  	_ =	shalt  }
0x64: {  	_ =	shalt  }
0x65: {  	_ =	shalt  }
0x66: {  	_ =	shalt  }
0x67: {  	_ =	shalt  }
0x68: {  	_ =	shalt  }
0x69: {  	_ =	shalt  }
0x6a: {  	_ =	shalt  }
0x6b: {  	_ =	shalt  }
0x6c: {  	_ =	shalt  }
0x6d: {  	_ =	shalt  }
0x6e: {  	_ =	shalt  }
0x6f: {  	_ =	shalt  }
0x70: {  	_ =	shalt  }
0x71: {  	_ =	shalt  }
0x72: {  	_ =	shalt  }
0x73: {  	_ =	shalt  }
0x74: {  	_ =	shalt  }
0x75: {  	_ =	shalt  }
0x76: {  	_ =	shalt  }
0x77: {  	_ =	shalt  }
0x78: {  	_ =	shalt  }
0x79: {  	_ =	shalt  }
0x7a: {  	_ =	shalt  }
0x7b: {  	_ =	shalt  }
0x7c: {  	_ =	shalt  }
0x7d: {  	_ =	shalt  }
0x7e: {  	_ =	shalt  }
0x7f: {  	_ =	shalt  }
0x80: {  	_ =	shalt  }
0x81: {  	_ =	shalt  }
0x82: {  	_ =	shalt  }
0x83: {  	_ =	shalt  }
0x84: {  	_ =	shalt  }
0x85: {  	_ =	shalt  }
0x86: {  	_ =	shalt  }
0x87: {  	_ =	shalt  }
.Lfunc_end0:
.L_simem_size_0:
called_computation.1_lowered:
.L_overlay_start_0:
0x88: {  	s2 =	sld [smem:$0x3FD9]  }
0x89: {  	s3 =	sld [smem:$0x3FFE];
	_ =	sdelay $0x1  }
0x8a: {  	s1 =	srdreg.scid  }
0x8b: {  	s0 =	sand.u32 $0x1, s1  }
0x8c: {  	s17 =	sshll.u32 s0, $0xA;
	s2 =	sadd.s32 s3, s2  }
0x8d: {  	s2 =	sadd.s32 s2, s17  }
0x8e: {  	[smem:$0x3FB5] =	sst s2  }
0x8f: {  	_ = 	snop  }
0x90: {  	s4 =	sld [smem:$0x3FC9]  }
0x91: {  	s5 =	sld [smem:$0x3FC8]  }
0x92: {  	s18 =	sld [smem:$0x3FD0];
	(tm) =	ssettm $0x1  }
0x93: {  	s19 =	sld [smem:$0x3FFB];
	_ =	sdelay $0x3  }
0x94: {  	_ =	strace s19  }
0x95: {  	s2 =	sld [smem:$0x3FFC];
	_ =	sdelay $0x3  }
0x96: {  	_ =	strace s2  }
0x97: {  	s2 =	sld [smem:$0x3FFD];
	_ =	sdelay $0x3  }
0x98: {  	_ =	strace s2  }
0x99: {  	_ =	strace $0x8FFFFFFF  }
0x9a: {  	s20 =	sld [smem:$0x3FDB];
	_ =	sdelay $0x1  }
0x9b: {  	s6 =	simm.s32 $_scs_section_size  }
0x9c: {  	s7 =	simm.s32 $_size__tile_overlayer_lowered;
	s8 =	simm.s32 $_tile_overlayer_lowered  }
0x9d: {  	s9 =	simm.s32 $0x1BFF;
	s21 =	sshll.u32 s8, $0x1;
	s6 =	sadd.s32 s6, s20  }
0x9e: {  	s22 =	simm.s32 $0x0;
	s7 =	sshll.u32 s7, $0x1;
	s8 =	sadd.s32 s21, s6  }
0x9f: {  	[timem:s22], [sflag:s9] =	dma.local [hbm:s8], s7  }
0xa0: {  	_ =	swait.ge [sflag:s9], s7  }
0xa1: {  	s7 =	ssub.s32 $0x0, s7;
	[sflag:s9] =	ssyncset.done $0x0  }
0xa2: {  	[sflag:s9] =	ssyncadd.s32 s7;
	_ =	sdelay $0x1  }
0xa3: {  	s23 =	simm.s32 $0x1B8B  }
0xa4: {  	_ =	swait.ge [sflag:s23], $0x1  }
0xa5: {  	[sflag:s23] =	ssyncset.done $0x0  }
0xa6: {  	[sflag:s23] =	ssyncadd.s32 $0xFFFFFFFF  }
0xa7: {  	s7 =	sld [smem:$0x0]  }
0xa8: {  	s8 =	sand.u32 $0xFFFFFFFE, s1  }
0xa9: {  	p0 =	sne.s32 s1, s8  }
0xaa: {  	s8 =	sshll.u32 @p0 s8, $0xE  }
0xab: {  	s8 =	sadd.s32 @p0 $0x11B8D, s8;
	s9 =	sshll.u32 @p0 s7, $0x11  }
0xac: {  	s8 =	sor.u32 @p0 s9, s8  }
0xad: {  	[sflag:s8] =	ssyncadd.remote.s32 @p0 $0x1;
	_ =	sdelay $0x1  }
0xae: {  	s8 =	simm.s32 @p0 $0x1B8D  }
0xaf: {  	_ =	swait.eq @p0 [sflag:s8], $0x1  }
0xb0: {  	[sflag:s8] =	ssyncadd.s32 @p0 $0xFFFFFFFF  }
0xb1: {  	s9 =	sshll.u32 @!p0 s1, $0xE  }
0xb2: {  	s9 =	sor.u32 @!p0 $0x4000, s9;
	s8 =	simm.s32 @!p0 $0x1B8D  }
0xb3: {  	s7 =	sshll.u32 @!p0 s7, $0x11;
	s9 =	sadd.s32 @!p0 $0x11B8D, s9;
	_ =	swait.eq @!p0 [sflag:s8], $0x1  }
0xb4: {  	s7 =	sor.u32 @!p0 s7, s9;
	[sflag:s8] =	ssyncadd.s32 @!p0 $0xFFFFFFFF  }
0xb5: {  	s25 =	simm.s32 $0x1B8E;
	s24 =	sld [smem:$0x3FFE];
	[sflag:s7] =	ssyncadd.remote.s32 @!p0 $0x1  }
0xb6: {  	s26 =	simm.s32 $execute0_lowered;
	[smem:$0x3FD2] =	sst s25  }
0xb7: {  	s8 =	sshll.u32 s26, $0x1;
	_ =	strace $0x80000049;
	[dreg:$0x1] =	wrdreg $0xFFFFFFFF  }
0xb8: {  	s28 =	simm.s32 $_size_execute0_lowered;
	s6 =	sadd.s32 s6, s8;
	[dreg:$0x0] =	wrdreg $0x0  }
0xb9: {  	s8 =	sshll.u32 s28, $0x1;
	[dreg:$0x2] =	wrdreg s6  }
0xba: {  	[dreg:$0x3] =	wrdreg s8  }
0xbb: {  	[dreg:$0x4] =	wrdreg $0xC0  }
0xbc: {  	_ =	task [dreg:s22], $0x5FFFF  }
0xbd: {  	[dreg:$0x1] =	wrdreg $0xFFFFFFFF  }
0xbe: {  	[dreg:$0x0] =	wrdreg $0x60  }
0xbf: {  	[dreg:$0x2] =	wrdreg s4  }
0xc0: {  	[dreg:$0x3] =	wrdreg s5  }
0xc1: {  	[dreg:$0x4] =	wrdreg s24  }
0xc2: {  	[dreg:$0x5] =	wrdreg s18  }
0xc3: {  	[dreg:$0x6] =	wrdreg $0xA  }
0xc4: {  	_ =	task.clear_ibuf [dreg:s22], $0x7FFFF;
	_ =	strace $0x90000049  }
0xc5: {  	s29 =	simm.s32 $0xA;
	_ =	strace $0x8000004B  }
0xc6: {  	_ =	swait.ge [sflag:s29], $0x1  }
0xc7: {  	[sflag:s29] =	ssyncadd.s32 $0xFFFFFFFF  }
0xc8: {  	_ =	strace $0x9000004B  }
0xc9: {  	_ =	sfence  }
0xca: {  	s30 =	sld [smem:$0x0];
	_ =	sdelay $0x2  }
0xcb: {  	s31 =	sshll.u32 s1, $0xD;
	s1 =	sshrl.u32 s1, $0x2  }
0xcc: {  	s4 =	sand.u32 $0x4000, s31;
	s1 =	sadd.s32 s1, s30  }
0xcd: {  	s0 =	sor.u32 s4, s0;
	s1 =	sshll.u32 s1, $0x11  }
0xce: {  	s0 =	sor.u32 s1, s0  }
0xcf: {  	s0 =	sadd.s32 $0x8F2B, s0  }
0xd0: {  	[sflag:s0] =	ssyncadd.remote.s32 $0x1  }
0xd1: {  	_ =	sfence.sel $0xFFFF  }
0xd2: {  	[dreg:$0x0] =	wrdreg $0xFFFFFFFF;
	(pc) =	sbr.abs _section_cstart, $3  }
0xd3: {  	[dreg:$0x1] =	wrdreg $0xFFFFFFFF  }
0xd4: {  	_ =	task.clear_ibuf [dreg:s22], $0x2FFFF;
	_ =	strace $0x9FFFFFFF  }
0xd5: {  	(tm) =	ssettm $0x7FFFFFFF  }
tec
execute0_lowered:
.L_overlay_start_1:
0x0: {  	(tag) =	ssettag $0x1  }
0x1: {  	s3 =	rddreg [dreg:$0x0]  }
0x2: {  	s5 =	rddreg [dreg:$0x1]  }
0x3: {  	s13 =	rddreg [dreg:$0x2]  }
0x4: {  	s12 =	rddreg [dreg:$0x3];
	s2 =	srdreg.scid  }
0x5: {  	s0 =	rddreg [dreg:$0x4];
	s1 =	stileid.u32;
	s14 =	sand.u32 $0x1, s2  }
0x6: {  	s2 =	simm.s32 $0x0;
	s4 =	sshll.u32 s1, $0x7;
	s6 =	sshll.u32 s14, $0x6  }
0x7: {  	[smem:$0x7FF] =	sst s2;
	s15 =	sor.u32 s6, s4  }
0x8: {  	_ =	strace $0x8000004A;
	s4 =	sadd.s32 s3, s15;
	s3 =	simm.s32 $0x2  }
0x9: {  	[tilespmem:s2], [sflag:$0x2] =	stream.linear.gather [hbm4b:s4+s2], $0x200, $0x38;
	[tilespmem:$0x800] =	vst v63  }
0xa: {  	_ =	swait.ge [sflag:s3], $0x200  }
0xb: {  	[sflag:s3] =	ssyncset.done $0x0  }
0xc: {  	s6 =	simm.s32 $0x200;
	s5 =	sadd.s32 s5, s15;
	[sflag:s3] =	ssyncadd.s32 $0xFFFFFE00  }
0xd: {  	[tilespmem:s6], [sflag:$0x2] =	stream.linear.gather [hbm4b:s5+s2], $0x200, $0x38;
	[tilespmem:$0x800] =	vst v63  }
0xe: {  	_ =	swait.ge [sflag:s3], $0x200  }
0xf: {  	[sflag:s3] =	ssyncset.done $0x0  }
0x10: {  	s8 =	simm.s32 $0x400;
	s7 =	sadd.s32 $0x114A600, s13;
	[sflag:s3] =	ssyncadd.s32 $0xFFFFFE00  }
0x11: {  	[tilespmem:s8], [sflag:$0x1] =	stream.indirect.gather [hbm4b:s7+s6], $0x1, s2, s6, $0xb8;
	[tilespmem:$0x800] =	vst v63  }
0x12: {  	s10 =	simm.s32 $0x600;
	s11 =	simm.s32 $0x1;
	s9 =	sadd.s32 $0x1169000, s13  }
0x13: {  	[tilespmem:s10], [sflag:$0x1] =	stream.indirect.gather [hbm4b:s9+s6], $0x1, s6, s6, $0xb8;
	[tilespmem:$0x800] =	vst v63  }
0x14: {  	_ =	swait.ge [sflag:s11], $0x200  }
0x15: {  	[sflag:s11] =	ssyncset.done $0x0  }
0x16: {  	s14 =	ssub.s32 $0x2, s14;
	[sflag:s11] =	ssyncadd.s32 $0xFFFFFE00  }
0x17: {  	s16 =	sshrl.u32 s14, $0x1;
	_ =	swait.ge [sflag:s11], $0x200  }
0x18: {  	s14 =	ssub.s32 s14, s16;
	[sflag:s11] =	ssyncset.done $0x0  }
0x19: {  	s12 =	sadd.s32 s12, s15;
	s14 =	smax.u32 s14, $0x1;
	[sflag:s11] =	ssyncadd.s32 $0xFFFFFE00  }
0x1a: {  	[hbm4b:s12+s2] =	stream.linear.scatter [tilespmem:s8], [sflag:$0x2], $0x200, $0x38;
	[tilespmem:$0x800] =	vst v63  }
0x1b: {  	p0 =	sne.s32 s14, $0x1;
	_ =	swait.ge [sflag:s3], $0x200  }
.Ltmp0:
0x1c: {  	s13 =	sadd.s32 s15, s13;
	[sflag:s3] =	ssyncset.done $0x0;
	(pc) =	sbr.rel @!p0 .LBB2_2-.Ltmp0, $4  }
0x1d: {  	s13 =	sadd.s32 $0x116C200, s13;
	[sflag:s3] =	ssyncadd.s32 $0xFFFFFE00  }
0x1e: {  	[hbm4b:s13+s2] =	stream.linear.scatter [tilespmem:s10], [sflag:$0x2], $0x200, $0x38;
	[tilespmem:$0x800] =	vst v63  }
0x1f: {  	_ =	swait.ge [sflag:s3], $0x200  }
0x20: {  	s14 =	sadd.s32 $0xFFFFFFFF, s14;
	[sflag:s3] =	ssyncset.done $0x0  }
.LBB2_1:
0x21: {  	p0 =	sne.s32 s14, $0x1;
	s14 =	sadd.s32 $0xFFFFFFFF, s14;
	[sflag:s3] =	ssyncadd.s32 $0xFFFFFE00  }
0x22: {  	[tilespmem:s2], [sflag:$0x2] =	stream.linear.gather [hbm4b:s4+s2], $0x200, $0x38;
	[tilespmem:$0x800] =	vst v63  }
0x23: {  	_ =	swait.ge [sflag:s3], $0x200  }
0x24: {  	[sflag:s3] =	ssyncset.done $0x0  }
0x25: {  	[sflag:s3] =	ssyncadd.s32 $0xFFFFFE00  }
0x26: {  	[tilespmem:s6], [sflag:$0x2] =	stream.linear.gather [hbm4b:s5+s2], $0x200, $0x38;
	[tilespmem:$0x800] =	vst v63  }
0x27: {  	_ =	swait.ge [sflag:s3], $0x200  }
0x28: {  	[sflag:s3] =	ssyncset.done $0x0  }
0x29: {  	[sflag:s3] =	ssyncadd.s32 $0xFFFFFE00  }
0x2a: {  	[tilespmem:s8], [sflag:$0x1] =	stream.indirect.gather [hbm4b:s7+s6], $0x1, s2, s6, $0xb8;
	[tilespmem:$0x800] =	vst v63  }
0x2b: {  	_ = 	snop  }
0x2c: {  	[tilespmem:s10], [sflag:$0x1] =	stream.indirect.gather [hbm4b:s9+s6], $0x1, s6, s6, $0xb8;
	[tilespmem:$0x800] =	vst v63  }
0x2d: {  	_ =	swait.ge [sflag:s11], $0x200  }
0x2e: {  	[sflag:s11] =	ssyncset.done $0x0  }
0x2f: {  	[sflag:s11] =	ssyncadd.s32 $0xFFFFFE00  }
0x30: {  	_ =	swait.ge [sflag:s11], $0x200  }
0x31: {  	[sflag:s11] =	ssyncset.done $0x0  }
0x32: {  	[sflag:s11] =	ssyncadd.s32 $0xFFFFFE00  }
0x33: {  	[hbm4b:s12+s2] =	stream.linear.scatter [tilespmem:s8], [sflag:$0x2], $0x200, $0x38;
	[tilespmem:$0x800] =	vst v63  }
0x34: {  	_ =	swait.ge [sflag:s3], $0x200  }
.Ltmp1:
0x35: {  	[sflag:s3] =	ssyncset.done $0x0;
	(pc) =	sbr.rel @p0 .LBB2_1-.Ltmp1, $4  }
0x36: {  	[sflag:s3] =	ssyncadd.s32 $0xFFFFFE00  }
0x37: {  	[hbm4b:s13+s2] =	stream.linear.scatter [tilespmem:s10], [sflag:$0x2], $0x200, $0x38;
	[tilespmem:$0x800] =	vst v63  }
0x38: {  	_ =	swait.ge [sflag:s3], $0x200  }
0x39: {  	[sflag:s3] =	ssyncset.done $0x0  }
.LBB2_2:
0x3a: {  	[sflag:s3] =	ssyncadd.s32 $0xFFFFFE00  }
0x3b: {  	_ =	sfence.sel $0x180000  }
0x3c: {  	[bflag:$0x0] =	sbarrier.arrive $0xFFFF  }
0x3d: {  	p0 =	sne.s32 s1, $0x0;
	_ =	strace $0x9000004A  }
0x3e: {  	s0 =	sadd.s32 @!p0 $0x100000, s0;
	[bflag:$0x2] =	sbarrier.arrive $0xFFFF  }
0x3f: {  	[sflag:s0] =	ssyncadd.tile.s32 @!p0 $0x1;
	_ =	shalt  }
.Lfunc_end2:
_tile_overlayer_lowered:
.L_overlay_start_2:
0x40: {  	(tag) =	ssettag $0x2  }
0x41: {  	s0 =	rddreg [dreg:$0x0];
	s2 =	stileid.u32  }
0x42: {  	s1 =	rddreg [dreg:$0x1];
	p0 =	sne.s32 s2, $0x0  }
0x43: {  	s3 =	rddreg [dreg:$0x2];
	[bflag:$0x3] =	sbarrier.arrive $0xFFFF;
	s2 =	simm.s32 @!p0 $0x1C02  }
0x44: {  	[timem:s3], [sflag:s2] =	dma.local @!p0 [hbm:s0], s1  }
0x45: {  	s0 =	simm.s32 @!p0 $0x2  }
0x46: {  	_ =	swait.ge @!p0 [sflag:s0], s1  }
0x47: {  	s1 =	ssub.s32 @!p0 $0x0, s1;
	[sflag:s0] =	ssyncset.done @!p0 $0x0  }
0x48: {  	[sflag:s0] =	ssyncadd.s32 @!p0 s1  }
0x49: {  	[bflag:$0x3] =	sbarrier.arrive $0xFFFF  }
0x4a: {  	_ =	shalt  }

// kernel: kernel.7.cloned.1.call-start
scs
__scs_entry_jumppad:
0x0: {  	(pc) =	sbr.rel $0x88, $3  }
0x1: {  	(tag) =	ssettag $0x0;
	lr =	simm.s32 $0x1  }
0x2: {  	[smem:$0x3F8E] =	sst lr;
	_ =	strace $0xD0000000  }
0x3: {  	_ = 	snop  }
0x4: {  	_ = 	snop  }
0x5: {  	_ = 	snop  }
0x6: {  	_ = 	snop  }
0x7: {  	_ = 	snop  }
__scs_overlays_trampoline_lowered:
0x8: {  	[smem:$0x3F9D] =	sst s0  }
0x9: {  	[smem:$0x3F9E] =	sst s1  }
0xa: {  	[smem:$0x3F9F] =	sst s2  }
0xb: {  	[smem:$0x3FA0] =	sst s3  }
0xc: {  	[smem:$0x3FA1] =	sst s4  }
0xd: {  	[smem:$0x3FA2] =	sst s5  }
0xe: {  	[smem:$0x3FA3] =	sst s6  }
0xf: {  	[smem:$0x3FA4] =	sst s7  }
0x10: {  	[smem:$0x3FA5] =	sst s8  }
0x11: {  	[smem:$0x3FA6] =	sst s9;
	s0 =	simm.s32 @!p0 $0x0  }
0x12: {  	s1 =	sld [smem:$0x3F8C];
	s0 =	simm.s32 @p0 $0x1  }
0x13: {  	[smem:$0x3FA7] =	sst s0;
	s0 =	simm.s32 @!p1 $0x0  }
0x14: {  	s2 =	sld [smem:$0x3F8B];
	s0 =	simm.s32 @p1 $0x1  }
0x15: {  	[smem:$0x3FA8] =	sst s0;
	s0 =	simm.s32 @!p2 $0x0  }
0x16: {  	s3 =	sld [smem:$0x3FDB];
	s0 =	simm.s32 @p2 $0x1  }
0x17: {  	s4 =	simm.s32 $0x1BF5;
	[smem:$0x3FAA] =	sst s0  }
0x18: {  	s0 =	sld [smem:$0x3F8D];
	_ =	swait.ge [sflag:s4], $0x0  }
0x19: {  	s7 =	sld [smem:$0x3F8E]  }
0x1a: {  	s8 =	sadd.s32 $0xFFFFE003, lr  }
0x1b: {  	s9 =	sadd.s32 $0xFFFFFEF7, lr;
	s5 =	simm.s32 $0xFFFFFFFF;
	p2 =	slt.u32 s8, $0xFFFFF086  }
0x1c: {  	p1 =	slt.u32 s9, $0xF7A;
	s5 =	simm.s32 @!p2 $0x0  }
0x1d: {  	s5 =	simm.s32 @p1 $0x1;
	p0 =	seq.s32 s7, s2  }
0x1e: {  	s7 =	smul.u32 @!p0 $0xF7A, s2;
	p2 =	seq.s32 @!p0 s5, $0x0  }
0x1f: {  	s9 =	smul.u32 $0xF7A, s1;
	s8 =	simm.s32 @!p0 $0x1BF5;
	p2 =	por !p2, p0  }
0x20: {  	[sflag:s8] =	ssyncset.s32 @!p0 $0xFFFFF086;
	s6 =	sadd.s32 @!p0 s3, s7;
	s7 =	simm.s32 @!p0 $0x108  }
0x21: {  	s3 =	sadd.s32 s3, s9;
	s6 =	sadd.s32 @!p0 $0x88, s6;
	s7 =	simm.s32 @p2 $0x1082  }
0x22: {  	[simem:s7], [sflag:s8] =	dma.local @!p0 [hbm:s6], $0xF7A  }
0x23: {  	s9 =	sor.u32 $0xD0000000, s2;
	s6 =	simm.s32 $0x108;
	_ =	swait.ge @!p0 [sflag:s8], $0x0  }
0x24: {  	s3 =	sadd.s32 $0x88, s3;
	s6 =	simm.s32 @!p1 $0x1082;
	[sflag:s4] =	ssyncset.s32 $0xFFFFF086  }
0x25: {  	[simem:s6], [sflag:s4] =	dma.local [hbm:s3], $0xF7A  }
0x26: {  	[smem:$0x3F8E] =	sst s1;
	(tag) =	ssettag s2;
	_ =	strace s9  }
0x27: {  	s1 =	sld [smem:$0x3F9E]  }
0x28: {  	s2 =	sld [smem:$0x3F9F]  }
0x29: {  	s4 =	sld [smem:$0x3FA1]  }
0x2a: {  	p0 =	seq.s32 s5, $0x0;
	s5 =	sld [smem:$0x3FA2]  }
0x2b: {  	s6 =	sld [smem:$0x3FA3]  }
0x2c: {  	s7 =	sld [smem:$0x3FA4]  }
0x2d: {  	s3 =	simm.s32 $0x108;
	s8 =	sld [smem:$0x3FA5]  }
0x2e: {  	s3 =	simm.s32 @!p0 $0x1082;
	s9 =	sld [smem:$0x3FA6]  }
0x2f: {  	lr =	sadd.s32 s0, s3;
	s0 =	sld [smem:$0x3F9D]  }
0x30: {  	s3 =	sld [smem:$0x3FA0]  }
0x31: {  	[smem:$0x3FA9] =	sst s10  }
0x32: {  	s10 =	sld [smem:$0x3FA7];
	_ =	sdelay $0x3  }
0x33: {  	p0 =	seq.s32 s10, $0x1;
	s10 =	sld [smem:$0x3FA9];
	_ =	sdelay $0x3  }
0x34: {  	[smem:$0x3FA9] =	sst s10  }
0x35: {  	s10 =	sld [smem:$0x3FA8];
	_ =	sdelay $0x3  }
0x36: {  	p1 =	seq.s32 s10, $0x1;
	s10 =	sld [smem:$0x3FA9];
	_ =	sdelay $0x3  }
0x37: {  	[smem:$0x3FA9] =	sst s10  }
0x38: {  	s10 =	sld [smem:$0x3FAA]  }
0x39: {  	_ = 	snop;
	(pc) =	sbr.ind lr, $3  }
0x3a: {  	_ = 	snop  }
0x3b: {  	_ = 	snop  }
0x3c: {  	p2 =	seq.s32 s10, $0x1;
	s10 =	sld [smem:$0x3FA9]  }
0x3d: {  	_ =	shalt  }
0x3e: {  	_ =	shalt  }
0x3f: {  	_ =	shalt  }
0x40: {  	_ =	shalt  }
0x41: {  	_ =	shalt  }
0x42: {  	_ =	shalt  }
0x43: {  	_ =	shalt  }
0x44: {  	_ =	shalt  }
0x45: {  	_ =	shalt  }
0x46: {  	_ =	shalt  }
0x47: {  	_ =	shalt  }
0x48: {  	_ =	shalt  }
0x49: {  	_ =	shalt  }
0x4a: {  	_ =	shalt  }
0x4b: {  	_ =	shalt  }
0x4c: {  	_ =	shalt  }
0x4d: {  	_ =	shalt  }
0x4e: {  	_ =	shalt  }
0x4f: {  	_ =	shalt  }
0x50: {  	_ =	shalt  }
0x51: {  	_ =	shalt  }
0x52: {  	_ =	shalt  }
0x53: {  	_ =	shalt  }
0x54: {  	_ =	shalt  }
0x55: {  	_ =	shalt  }
0x56: {  	_ =	shalt  }
0x57: {  	_ =	shalt  }
0x58: {  	_ =	shalt  }
0x59: {  	_ =	shalt  }
0x5a: {  	_ =	shalt  }
0x5b: {  	_ =	shalt  }
0x5c: {  	_ =	shalt  }
0x5d: {  	_ =	shalt  }
0x5e: {  	_ =	shalt  }
0x5f: {  	_ =	shalt  }
0x60: {  	_ =	shalt  }
0x61: {  	_ =	shalt  }
0x62: {  	_ =	shalt  }
0x63: {  	_ =	shalt  }
0x64: {  	_ =	shalt  }
0x65: {  	_ =	shalt  }
0x66: {  	_ =	shalt  }
0x67: {  	_ =	shalt  }
0x68: {  	_ =	shalt  }
0x69: {  	_ =	shalt  }
0x6a: {  	_ =	shalt  }
0x6b: {  	_ =	shalt  }
0x6c: {  	_ =	shalt  }
0x6d: {  	_ =	shalt  }
0x6e: {  	_ =	shalt  }
0x6f: {  	_ =	shalt  }
0x70: {  	_ =	shalt  }
0x71: {  	_ =	shalt  }
0x72: {  	_ =	shalt  }
0x73: {  	_ =	shalt  }
0x74: {  	_ =	shalt  }
0x75: {  	_ =	shalt  }
0x76: {  	_ =	shalt  }
0x77: {  	_ =	shalt  }
0x78: {  	_ =	shalt  }
0x79: {  	_ =	shalt  }
0x7a: {  	_ =	shalt  }
0x7b: {  	_ =	shalt  }
0x7c: {  	_ =	shalt  }
0x7d: {  	_ =	shalt  }
0x7e: {  	_ =	shalt  }
0x7f: {  	_ =	shalt  }
0x80: {  	_ =	shalt  }
0x81: {  	_ =	shalt  }
0x82: {  	_ =	shalt  }
0x83: {  	_ =	shalt  }
0x84: {  	_ =	shalt  }
0x85: {  	_ =	shalt  }
0x86: {  	_ =	shalt  }
0x87: {  	_ =	shalt  }
.Lfunc_end0:
.L_simem_size_0:
called_computation_lowered:
.L_overlay_start_0:
0x88: {  	s2 =	sld [smem:$0x3FD9]  }
0x89: {  	s3 =	sld [smem:$0x3FFE];
	_ =	sdelay $0x1  }
0x8a: {  	s1 =	srdreg.scid  }
0x8b: {  	s0 =	sand.u32 $0x1, s1  }
0x8c: {  	s17 =	sshll.u32 s0, $0xA;
	s2 =	sadd.s32 s3, s2  }
0x8d: {  	s2 =	sadd.s32 s2, s17  }
0x8e: {  	[smem:$0x3FB5] =	sst s2  }
0x8f: {  	_ = 	snop  }
0x90: {  	s2 =	sld [smem:$0x3FC9]  }
0x91: {  	s18 =	sld [smem:$0x3FC8];
	(tm) =	ssettm $0x1  }
0x92: {  	s4 =	sld [smem:$0x3FFB];
	_ =	sdelay $0x3  }
0x93: {  	_ =	strace s4  }
0x94: {  	s4 =	sld [smem:$0x3FFC];
	_ =	sdelay $0x3  }
0x95: {  	_ =	strace s4  }
0x96: {  	s4 =	sld [smem:$0x3FFD];
	_ =	sdelay $0x3  }
0x97: {  	_ =	strace s4  }
0x98: {  	_ =	strace $0x8FFFFFFF  }
0x99: {  	s19 =	sld [smem:$0x3FDB];
	_ =	sdelay $0x1  }
0x9a: {  	s5 =	simm.s32 $_scs_section_size  }
0x9b: {  	s6 =	simm.s32 $_size__tile_overlayer_lowered;
	s7 =	simm.s32 $_tile_overlayer_lowered  }
0x9c: {  	s22 =	simm.s32 $0x1BFF;
	s21 =	sshll.u32 s7, $0x1;
	s4 =	sadd.s32 s5, s19  }
0x9d: {  	s8 =	simm.s32 $0x0;
	s20 =	sshll.u32 s6, $0x1;
	s6 =	sadd.s32 s21, s4  }
0x9e: {  	[timem:s8], [sflag:s22] =	dma.local [hbm:s6], s20  }
0x9f: {  	_ =	swait.ge [sflag:s22], s20  }
0xa0: {  	s5 =	ssub.s32 $0x0, s20;
	[sflag:s22] =	ssyncset.done $0x0  }
0xa1: {  	[sflag:s22] =	ssyncadd.s32 s5;
	_ =	sdelay $0x1  }
0xa2: {  	s23 =	simm.s32 $0x1B8B  }
0xa3: {  	_ =	swait.ge [sflag:s23], $0x1  }
0xa4: {  	[sflag:s23] =	ssyncset.done $0x0  }
0xa5: {  	s25 =	simm.s32 $0x1B8E;
	s24 =	sld [smem:$0x3FFE];
	[sflag:s23] =	ssyncadd.s32 $0xFFFFFFFF  }
0xa6: {  	s26 =	simm.s32 $execute0_lowered;
	[smem:$0x3FD2] =	sst s25  }
0xa7: {  	s6 =	sshll.u32 s26, $0x1;
	_ =	strace $0x80000046;
	[dreg:$0x1] =	wrdreg $0xFFFFFFFF  }
0xa8: {  	s28 =	simm.s32 $_size_execute0_lowered;
	s4 =	sadd.s32 s4, s6;
	[dreg:$0x0] =	wrdreg $0x0  }
0xa9: {  	s6 =	sshll.u32 s28, $0x1;
	[dreg:$0x2] =	wrdreg s4  }
0xaa: {  	[dreg:$0x3] =	wrdreg s6  }
0xab: {  	[dreg:$0x4] =	wrdreg $0xC0  }
0xac: {  	_ =	task [dreg:s8], $0x5FFFF  }
0xad: {  	[dreg:$0x1] =	wrdreg $0xFFFFFFFF  }
0xae: {  	[dreg:$0x0] =	wrdreg $0x60  }
0xaf: {  	[dreg:$0x2] =	wrdreg s2  }
0xb0: {  	[dreg:$0x3] =	wrdreg s18  }
0xb1: {  	[dreg:$0x4] =	wrdreg s24  }
0xb2: {  	[dreg:$0x5] =	wrdreg $0x9  }
0xb3: {  	_ =	task.clear_ibuf [dreg:s8], $0x6FFFF;
	_ =	strace $0x90000046  }
0xb4: {  	s29 =	simm.s32 $0x9;
	_ =	strace $0x80000048  }
0xb5: {  	_ =	swait.ge [sflag:s29], $0x1  }
0xb6: {  	[sflag:s29] =	ssyncadd.s32 $0xFFFFFFFF  }
0xb7: {  	_ =	strace $0x90000048  }
0xb8: {  	_ =	sfence  }
0xb9: {  	s30 =	sld [smem:$0x0];
	_ =	sdelay $0x2  }
0xba: {  	s31 =	sshll.u32 s1, $0xD;
	s1 =	sshrl.u32 s1, $0x2  }
0xbb: {  	s3 =	sand.u32 $0x4000, s31;
	s1 =	sadd.s32 s1, s30  }
0xbc: {  	s0 =	sor.u32 s3, s0;
	s1 =	sshll.u32 s1, $0x11  }
0xbd: {  	s0 =	sor.u32 s1, s0  }
0xbe: {  	s0 =	sadd.s32 $0x8F2B, s0  }
0xbf: {  	[sflag:s0] =	ssyncadd.remote.s32 $0x1  }
0xc0: {  	_ =	sfence.sel $0xFFFF  }
0xc1: {  	[dreg:$0x0] =	wrdreg $0xFFFFFFFF;
	(pc) =	sbr.abs _section_cstart, $3  }
0xc2: {  	[dreg:$0x1] =	wrdreg $0xFFFFFFFF  }
0xc3: {  	_ =	task.clear_ibuf [dreg:s8], $0x2FFFF;
	_ =	strace $0x9FFFFFFF  }
0xc4: {  	(tm) =	ssettm $0x7FFFFFFF  }
0xc5: {  	_ =	shalt  }
tec
execute0_lowered:
.L_overlay_start_1:
0x0: {  	(tag) =	ssettag $0x1  }
0x1: {  	s0 =	rddreg [dreg:$0x0]  }
0x2: {  	s2 =	rddreg [dreg:$0x1]  }
0x3: {  	s5 =	rddreg [dreg:$0x2];
	s6 =	srdreg.scid  }
0x4: {  	s1 =	simm.s32 $0x0;
	s8 =	stileid.u32;
	s6 =	sand.u32 $0x1, s6  }
0x5: {  	s8 =	sshll.u32 s8, $0xA;
	s7 =	ssub.s32 $0x2, s6;
	s6 =	sshll.u32 s6, $0x9  }
0x6: {  	[smem:$0x7FF] =	sst s1;
	s3 =	sadd.s32 $0x1800, s5;
	s6 =	sor.u32 s6, s8  }
0x7: {  	s4 =	sadd.s32 $0xF43C00, s5;
	s9 =	sadd.s32 $0x10CA600, s5;
	s8 =	sshrl.u32 s6, $0x3  }
0x8: {  	s5 =	sadd.s32 $0x110A600, s5;
	_ =	strace $0x80000047;
	s0 =	sadd.s32 s0, s8  }
0x9: {  	s26 =	sshll.u32 s6, $0x4;
	s25 =	sadd.s32 s2, s8;
	[dreg:$0x16] =	wrdreg s0  }
0xa: {  	s10 =	sshrl.u32 s7, $0x1;
	s28 =	sadd.s32 s9, s26;
	[dreg:$0x17] =	wrdreg s25  }
0xb: {  	s7 =	ssub.s32 s7, s10;
	s29 =	sadd.s32 s5, s26;
	[dreg:$0x18] =	wrdreg s28  }
0xc: {  	s31 =	smax.u32 s7, $0x1;
	[dreg:$0x19] =	wrdreg s29;
	s0 =	sor.u32 $0x1000, s26  }
0xd: {  	[dreg:$0x1c] =	wrdreg s31;
	s30 =	sadd.s32 s9, s0  }
0xe: {  	s0 =	sadd.s32 s5, s0;
	[dreg:$0x1a] =	wrdreg s30  }
0xf: {  	s2 =	simm.s32 $0x0;
	s5 =	simm.s32 $0x3;
	[dreg:$0x1b] =	wrdreg s0  }
.LBB2_1:
0x10: {  	[dreg:$0x1d] =	wrdreg s2  }
0x11: {  	s0 =	rddreg [dreg:$0x16]  }
0x12: {  	[tilespmem:s1], [sflag:$0x3] =	stream.linear.gather [hbm4b:s0+s1], $0x200, $0x38;
	[tilespmem:$0x10400] =	vst v63  }
0x13: {  	_ =	swait.ge [sflag:s5], $0x200  }
0x14: {  	[sflag:s5] =	ssyncset.done $0x0  }
0x15: {  	s12 =	simm.s32 $0x200;
	s13 =	rddreg [dreg:$0x17];
	[sflag:s5] =	ssyncadd.s32 $0xFFFFFE00  }
0x16: {  	[tilespmem:s12], [sflag:$0x3] =	stream.linear.gather [hbm4b:s13+s1], $0x200, $0x38;
	[tilespmem:$0x10400] =	vst v63  }
0x17: {  	_ =	swait.ge [sflag:s5], $0x200  }
0x18: {  	[sflag:s5] =	ssyncset.done $0x0  }
0x19: {  	[sflag:s5] =	ssyncadd.s32 $0xFFFFFE00  }
0x1a: {  	v0 =	vld [tilespmem:s1+$0x0]  }
0x1b: {  	v2 =	vld [tilespmem:s12+$0x0];
	_ =	sdelay $0x3  }
0x1c: {  	v1 =	vshll.u32 v0, $0x4  }
0x1d: {  	v63 =	vshll.u32 v2, $0x4;
	(v2sf) =	vpush v1, $0x0  }
0x1e: {  	(v2sf) =	vpush v63, $0x0;
	_ =	sdelay $0x2  }
0x1f: {  	(v2sf) =	vpush v1, $0x1  }
0x20: {  	(v2sf) =	vpush v63, $0x1;
	_ =	sdelay $0x1  }
0x21: {  	(v2sf) =	vpush v1, $0x2;
	_ =	sdelay $0x1  }
0x22: {  	(v2sf) =	vpush v63, $0x2;
	_ =	sdelay $0x1  }
0x23: {  	s19 =	simm.s32 $0x2000;
	(v2sf) =	vpush v1, $0x3  }
0x24: {  	s18 =	simm.s32 $0x0;
	s6 =	simm.s32 $0x8400;
	s2 =	simm.s32 $0x880  }
0x25: {  	s7 =	simm.s32 $0x400;
	s9 =	simm.s32 $0x600;
	s10 =	simm.s32 $0x580  }
0x26: {  	s16 =	simm.s32 $0x480;
	s21 =	simm.s32 $0x8480;
	s23 =	simm.s32 $0x500  }
0x27: {  	s26 =	simm.s32 $0x8500;
	s28 =	simm.s32 $0xA00;
	s8 =	spop (v2sf);
	(v2sf) =	vpush v63, $0x3  }
0x28: {  	s0 =	simm.s32 $0x8900;
	s8 =	sand.u32 $0x1FFFFFF0, s8;
	s11 =	spop (v2sf)  }
0x29: {  	s5 =	simm.s32 $0x680;
	(v2sf) =	vpush v1, $0x4;
	s8 =	sadd.s32 s3, s8;
	s14 =	sand.u32 $0x1FFFFFF0, s11  }
0x2a: {  	(v2sf) =	vpush v63, $0x4;
	[tilespmem:s7], [sflag:$0x1] =	stream.linear.gather [hbm4b:s8+s1], $0x80, $0x38;
	[tilespmem:$0x10400] =	vst v63  }
0x2b: {  	s15 =	spop (v2sf);
	s7 =	simm.s32 $0x8580;
	s8 =	sadd.s32 s4, s14  }
0x2c: {  	s11 =	sand.u32 $0x1FFFFFF0, s15;
	s12 =	spop (v2sf);
	s14 =	simm.s32 $0x8600  }
0x2d: {  	(v2sf) =	vpush v1, $0x5;
	[tilespmem:s6], [sflag:$0x2] =	stream.linear.gather [hbm4b:s8+s1], $0x80, $0x38;
	[tilespmem:$0x10400] =	vst v63  }
0x2e: {  	s17 =	sadd.s32 s3, s11;
	s20 =	sand.u32 $0x1FFFFFF0, s12;
	s22 =	spop (v2sf);
	(v2sf) =	vpush v63, $0x5  }
0x2f: {  	[tilespmem:s16], [sflag:$0x1] =	stream.linear.gather [hbm4b:s17+s1], $0x80, $0x38;
	[tilespmem:$0x10400] =	vst v63  }
0x30: {  	s11 =	sadd.s32 s4, s20;
	(v2sf) =	vpush v1, $0x6;
	s8 =	sand.u32 $0x1FFFFFF0, s22;
	s24 =	spop (v2sf)  }
0x31: {  	[tilespmem:s21], [sflag:$0x2] =	stream.linear.gather [hbm4b:s11+s1], $0x80, $0x38;
	[tilespmem:$0x10400] =	vst v63  }
0x32: {  	s8 =	sadd.s32 s3, s8;
	s25 =	spop (v2sf);
	s11 =	sand.u32 $0x1FFFFFF0, s24  }
0x33: {  	[tilespmem:s23], [sflag:$0x1] =	stream.linear.gather [hbm4b:s8+s1], $0x80, $0x38;
	[tilespmem:$0x10400] =	vst v63  }
0x34: {  	s12 =	simm.s32 $0x8A00;
	(v2sf) =	vpush v63, $0x6;
	s30 =	sand.u32 $0x1FFFFFF0, s25;
	s29 =	sadd.s32 s4, s11  }
0x35: {  	[tilespmem:s26], [sflag:$0x2] =	stream.linear.gather [hbm4b:s29+s1], $0x80, $0x38;
	[tilespmem:$0x10400] =	vst v63  }
0x36: {  	s13 =	sadd.s32 s3, s30;
	s21 =	simm.s32 $0x8680;
	s31 =	spop (v2sf)  }
0x37: {  	[tilespmem:s10], [sflag:$0x1] =	stream.linear.gather [hbm4b:s13+s1], $0x80, $0x38;
	[tilespmem:$0x10400] =	vst v63  }
0x38: {  	s23 =	simm.s32 $0x700;
	(v2sf) =	vpush v1, $0x7;
	s6 =	sand.u32 $0x1FFFFFF0, s31;
	s15 =	spop (v2sf)  }
0x39: {  	s6 =	sadd.s32 s4, s6;
	s10 =	sand.u32 $0x1FFFFFF0, s15;
	s16 =	spop (v2sf)  }
0x3a: {  	(v2sf) =	vpush v63, $0x7;
	[tilespmem:s7], [sflag:$0x2] =	stream.linear.gather [hbm4b:s6+s1], $0x80, $0x38;
	[tilespmem:$0x10400] =	vst v63  }
0x3b: {  	s13 =	simm.s32 $0xA80;
	(v2sf) =	vpush v1, $0x8;
	s17 =	sadd.s32 s3, s10;
	s20 =	sand.u32 $0x1FFFFFF0, s16  }
0x3c: {  	s22 =	spop (v2sf);
	s10 =	simm.s32 $0x8A80;
	s7 =	sadd.s32 s4, s20  }
0x3d: {  	(v2sf) =	vpush v63, $0x8;
	s24 =	sand.u32 $0x1FFFFFF0, s22;
	s25 =	spop (v2sf);
	s22 =	simm.s32 $0x8780  }
0x3e: {  	[tilespmem:s9], [sflag:$0x1] =	stream.linear.gather [hbm4b:s17+s1], $0x80, $0x38;
	[tilespmem:$0x10400] =	vst v63  }
0x3f: {  	(v2sf) =	vpush v1, $0x9;
	s8 =	sadd.s32 s3, s24;
	s9 =	sand.u32 $0x1FFFFFF0, s25;
	s26 =	spop (v2sf)  }
0x40: {  	[tilespmem:s14], [sflag:$0x2] =	stream.linear.gather [hbm4b:s7+s1], $0x80, $0x38;
	[tilespmem:$0x10400] =	vst v63  }
0x41: {  	(v2sf) =	vpush v63, $0x9;
	s17 =	simm.s32 $0x780;
	s24 =	simm.s32 $0x800;
	s29 =	sadd.s32 s4, s9  }
0x42: {  	[tilespmem:s5], [sflag:$0x1] =	stream.linear.gather [hbm4b:s8+s1], $0x80, $0x38;
	[tilespmem:$0x10400] =	vst v63  }
0x43: {  	s30 =	sand.u32 $0x1FFFFFF0, s26;
	s31 =	spop (v2sf);
	(v2sf) =	vpush v1, $0xA;
	s9 =	simm.s32 $0x8880  }
0x44: {  	[tilespmem:s21], [sflag:$0x2] =	stream.linear.gather [hbm4b:s29+s1], $0x80, $0x38;
	[tilespmem:$0x10400] =	vst v63  }
0x45: {  	s11 =	sadd.s32 s3, s30;
	s14 =	simm.s32 $0x8700;
	(v2sf) =	vpush v63, $0xA;
	s6 =	sand.u32 $0x1FFFFFF0, s31  }
0x46: {  	[tilespmem:s23], [sflag:$0x1] =	stream.linear.gather [hbm4b:s11+s1], $0x80, $0x38;
	[tilespmem:$0x10400] =	vst v63  }
0x47: {  	s6 =	sadd.s32 s4, s6;
	s29 =	simm.s32 $0x8800;
	s15 =	spop (v2sf);
	(v2sf) =	vpush v1, $0xB  }
0x48: {  	[tilespmem:s14], [sflag:$0x2] =	stream.linear.gather [hbm4b:s6+s1], $0x80, $0x38;
	[tilespmem:$0x10400] =	vst v63  }
0x49: {  	s14 =	simm.s32 $0x900;
	s8 =	sand.u32 $0x1FFFFFF0, s15;
	s16 =	spop (v2sf)  }
0x4a: {  	s20 =	sadd.s32 s3, s8;
	s21 =	sand.u32 $0x1FFFFFF0, s16;
	s23 =	spop (v2sf)  }
0x4b: {  	(v2sf) =	vpush v63, $0xB;
	[tilespmem:s17], [sflag:$0x1] =	stream.linear.gather [hbm4b:s20+s1], $0x80, $0x38;
	[tilespmem:$0x10400] =	vst v63  }
0x4c: {  	s8 =	sadd.s32 s4, s21;
	s7 =	sand.u32 $0x1FFFFFF0, s23;
	s25 =	spop (v2sf)  }
0x4d: {  	[tilespmem:s22], [sflag:$0x2] =	stream.linear.gather [hbm4b:s8+s1], $0x80, $0x38;
	[tilespmem:$0x10400] =	vst v63  }
0x4e: {  	(v2sf) =	vpush v1, $0xC;
	s7 =	sadd.s32 s3, s7;
	s26 =	spop (v2sf);
	s8 =	sand.u32 $0x1FFFFFF0, s25  }
0x4f: {  	(v2sf) =	vpush v63, $0xC;
	[tilespmem:s24], [sflag:$0x1] =	stream.linear.gather [hbm4b:s7+s1], $0x80, $0x38;
	[tilespmem:$0x10400] =	vst v63  }
0x50: {  	s31 =	sand.u32 $0x1FFFFFF0, s26;
	s11 =	spop (v2sf);
	s30 =	sadd.s32 s4, s8  }
0x51: {  	[tilespmem:s29], [sflag:$0x2] =	stream.linear.gather [hbm4b:s30+s1], $0x80, $0x38;
	[tilespmem:$0x10400] =	vst v63  }
0x52: {  	s8 =	sadd.s32 s3, s31;
	s15 =	spop (v2sf);
	s7 =	sand.u32 $0x1FFFFFF0, s11  }
0x53: {  	[tilespmem:s2], [sflag:$0x1] =	stream.linear.gather [hbm4b:s8+s1], $0x80, $0x38;
	[tilespmem:$0x10400] =	vst v63  }
0x54: {  	s16 =	spop (v2sf);
	s7 =	sadd.s32 s4, s7;
	s8 =	sand.u32 $0x1FFFFFF0, s15  }
0x55: {  	[tilespmem:s9], [sflag:$0x2] =	stream.linear.gather [hbm4b:s7+s1], $0x80, $0x38;
	[tilespmem:$0x10400] =	vst v63  }
0x56: {  	s20 =	sand.u32 $0x1FFFFFF0, s16;
	s17 =	sadd.s32 s3, s8;
	s21 =	spop (v2sf)  }
0x57: {  	[tilespmem:s14], [sflag:$0x1] =	stream.linear.gather [hbm4b:s17+s1], $0x80, $0x38;
	[tilespmem:$0x10400] =	vst v63  }
0x58: {  	s5 =	simm.s32 $0x8980;
	s22 =	sadd.s32 s4, s20;
	s23 =	sand.u32 $0x1FFFFFF0, s21  }
0x59: {  	[tilespmem:s0], [sflag:$0x2] =	stream.linear.gather [hbm4b:s22+s1], $0x80, $0x38;
	[tilespmem:$0x10400] =	vst v63  }
0x5a: {  	s25 =	simm.s32 $0x980;
	(v2sf) =	vpush v1, $0xD;
	s24 =	spop (v2sf);
	s26 =	sadd.s32 s3, s23  }
0x5b: {  	(v2sf) =	vpush v63, $0xD;
	s29 =	sand.u32 $0x1FFFFFF0, s24;
	s23 =	simm.s32 $0x10;
	s24 =	simm.s32 $0x210  }
0x5c: {  	(v2sf) =	vpush v1, $0xE;
	[tilespmem:s25], [sflag:$0x1] =	stream.linear.gather [hbm4b:s26+s1], $0x80, $0x38;
	[tilespmem:$0x10400] =	vst v63  }
0x5d: {  	s30 =	sadd.s32 s4, s29;
	(v2sf) =	vpush v63, $0xE;
	s31 =	spop (v2sf);
	s26 =	simm.s32 $0xB00  }
0x5e: {  	(v2sf) =	vpush v1, $0xF;
	s25 =	simm.s32 $0x8B00;
	s0 =	sand.u32 $0x1FFFFFF0, s31;
	s2 =	spop (v2sf)  }
0x5f: {  	(v2sf) =	vpush v63, $0xF;
	[tilespmem:s5], [sflag:$0x2] =	stream.linear.gather [hbm4b:s30+s1], $0x80, $0x38;
	[tilespmem:$0x10400] =	vst v63  }
.LBB2_2:
0x60: {  	_ =	sdelay $0x4  }
0x61: {  	s0 =	sadd.s32 s3, s0;
	s2 =	sand.u32 $0x1FFFFFF0, s2  }
0x62: {  	[tilespmem:s28], [sflag:$0x1] =	stream.linear.gather [hbm4b:s0+s1], $0x80, $0x38;
	[tilespmem:$0x10400] =	vst v63  }
0x63: {  	s29 =	sadd.s32 s4, s2  }
0x64: {  	[tilespmem:s12], [sflag:$0x2] =	stream.linear.gather [hbm4b:s29+s1], $0x80, $0x38;
	[tilespmem:$0x10400] =	vst v63  }
0x65: {  	s5 =	spop (v2sf)  }
0x66: {  	s30 =	sand.u32 $0x1FFFFFF0, s5;
	s31 =	spop (v2sf)  }
0x67: {  	s2 =	sadd.s32 s3, s30;
	s5 =	sand.u32 $0x1FFFFFF0, s31;
	s6 =	spop (v2sf)  }
0x68: {  	[tilespmem:s13], [sflag:$0x1] =	stream.linear.gather [hbm4b:s2+s1], $0x80, $0x38;
	[tilespmem:$0x10400] =	vst v63  }
0x69: {  	s7 =	sadd.s32 s4, s5;
	s8 =	sand.u32 $0x1FFFFFF0, s6;
	s9 =	spop (v2sf)  }
0x6a: {  	[tilespmem:s10], [sflag:$0x2] =	stream.linear.gather [hbm4b:s7+s1], $0x80, $0x38;
	[tilespmem:$0x10400] =	vst v63  }
0x6b: {  	s11 =	sand.u32 $0x1FFFFFF0, s9;
	s12 =	spop (v2sf);
	s10 =	sadd.s32 s3, s8  }
0x6c: {  	[tilespmem:s26], [sflag:$0x1] =	stream.linear.gather [hbm4b:s10+s1], $0x80, $0x38;
	[tilespmem:$0x10400] =	vst v63  }
0x6d: {  	s13 =	sadd.s32 s4, s11;
	s14 =	sand.u32 $0x1FFFFFF0, s12;
	s15 =	spop (v2sf)  }
0x6e: {  	[tilespmem:s25], [sflag:$0x2] =	stream.linear.gather [hbm4b:s13+s1], $0x80, $0x38;
	[tilespmem:$0x10400] =	vst v63  }
0x6f: {  	s16 =	sadd.s32 $0xB80, s18;
	s2 =	sadd.s32 s3, s14;
	s5 =	sand.u32 $0x1FFFFFF0, s15  }
0x70: {  	[tilespmem:s16], [sflag:$0x1] =	stream.linear.gather [hbm4b:s2+s1], $0x80, $0x38;
	[tilespmem:$0x10400] =	vst v63  }
0x71: {  	s17 =	sadd.s32 $0x8B80, s18;
	s18 =	sadd.s32 s4, s5  }
0x72: {  	[tilespmem:s17], [sflag:$0x2] =	stream.linear.gather [hbm4b:s18+s1], $0x80, $0x38;
	[tilespmem:$0x10400] =	vst v63  }
0x73: {  	v0 =	vld [tilespmem:s23+$0x0]  }
0x74: {  	v2 =	vld [tilespmem:s24+$0x0];
	_ =	sdelay $0x3  }
0x75: {  	v1 =	vshll.u32 v0, $0x4  }
0x76: {  	s20 =	smov.u32 s19;
	v63 =	vshll.u32 v2, $0x4;
	(v2sf) =	vpush v1, $0x0  }
0x77: {  	s18 =	sshra.s32 s20, $0x2;
	(v2sf) =	vpush v63, $0x0  }
0x78: {  	p0 =	sne.s32 s19, $0x1E000;
	s19 =	sadd.s32 $0x2000, s19;
	s30 =	sadd.s32 $0x8400, s18;
	(v2sf) =	vpush v1, $0x1  }
0x79: {  	s6 =	sadd.s32 $0x680, s18;
	s0 =	sadd.s32 $0x880, s18;
	s29 =	sadd.s32 $0x400, s18  }
0x7a: {  	s13 =	sadd.s32 $0x600, s18;
	s21 =	sadd.s32 $0x8900, s18;
	s12 =	sadd.s32 $0x580, s18;
	(v2sf) =	vpush v63, $0x1  }
0x7b: {  	s17 =	sadd.s32 $0x8580, s18;
	s22 =	sadd.s32 $0x8A00, s18;
	s20 =	sadd.s32 $0x500, s18  }
0x7c: {  	s14 =	sadd.s32 $0x8600, s18;
	s5 =	sadd.s32 $0xA80, s18;
	s31 =	sadd.s32 $0x8480, s18;
	(v2sf) =	vpush v1, $0x2  }
0x7d: {  	s11 =	sadd.s32 $0x8680, s18;
	s10 =	sadd.s32 $0x700, s18;
	[dreg:$0x8] =	wrdreg s0  }
0x7e: {  	s25 =	sadd.s32 $0x8980, s18;
	s26 =	sadd.s32 $0x8A80, s18;
	[dreg:$0x4] =	wrdreg s21;
	(v2sf) =	vpush v63, $0x2  }
0x7f: {  	s9 =	sadd.s32 $0x8700, s18;
	s7 =	sadd.s32 $0x8880, s18;
	[dreg:$0x12] =	wrdreg s22  }
0x80: {  	s8 =	sadd.s32 $0x900, s18;
	s15 =	sadd.s32 $0x8800, s18;
	[dreg:$0x6] =	wrdreg s25;
	(v2sf) =	vpush v1, $0x3  }
0x81: {  	s28 =	sadd.s32 $0xA00, s18;
	s16 =	sadd.s32 $0x800, s18;
	[dreg:$0x14] =	wrdreg s26  }
0x82: {  	s23 =	sadd.s32 $0x10, s23;
	s24 =	sadd.s32 $0x10, s24;
	[dreg:$0xc] =	wrdreg s7;
	(v2sf) =	vpush v63, $0x3  }
0x83: {  	s2 =	sadd.s32 $0x980, s18;
	s0 =	sadd.s32 $0x8500, s18;
	[dreg:$0xa] =	wrdreg s8  }
0x84: {  	s8 =	sadd.s32 $0x780, s18;
	[dreg:$0xe] =	wrdreg s15;
	s15 =	sadd.s32 $0x480, s18;
	(v2sf) =	vpush v1, $0x4  }
0x85: {  	s7 =	sadd.s32 $0x8780, s18;
	[dreg:$0x10] =	wrdreg s16;
	s21 =	spop (v2sf)  }
0x86: {  	s26 =	sadd.s32 $0xB00, s18;
	s21 =	sand.u32 $0x1FFFFFF0, s21;
	s22 =	spop (v2sf);
	(v2sf) =	vpush v63, $0x4  }
0x87: {  	s21 =	sadd.s32 s3, s21;
	s22 =	sand.u32 $0x1FFFFFF0, s22;
	s16 =	spop (v2sf)  }
0x88: {  	(v2sf) =	vpush v1, $0x5;
	[tilespmem:s29], [sflag:$0x1] =	stream.linear.gather [hbm4b:s21+s1], $0x80, $0x38;
	[tilespmem:$0x10400] =	vst v63  }
0x89: {  	s22 =	sadd.s32 s4, s22;
	s16 =	sand.u32 $0x1FFFFFF0, s16;
	s29 =	spop (v2sf);
	(v2sf) =	vpush v63, $0x5  }
0x8a: {  	[tilespmem:s30], [sflag:$0x2] =	stream.linear.gather [hbm4b:s22+s1], $0x80, $0x38;
	[tilespmem:$0x10400] =	vst v63  }
0x8b: {  	s16 =	sadd.s32 s3, s16;
	s29 =	sand.u32 $0x1FFFFFF0, s29;
	s30 =	spop (v2sf);
	(v2sf) =	vpush v1, $0x6  }
0x8c: {  	[tilespmem:s15], [sflag:$0x1] =	stream.linear.gather [hbm4b:s16+s1], $0x80, $0x38;
	[tilespmem:$0x10400] =	vst v63  }
0x8d: {  	s21 =	sand.u32 $0x1FFFFFF0, s30;
	s22 =	spop (v2sf);
	(v2sf) =	vpush v63, $0x6;
	s16 =	sadd.s32 s4, s29  }
0x8e: {  	[tilespmem:s31], [sflag:$0x2] =	stream.linear.gather [hbm4b:s16+s1], $0x80, $0x38;
	[tilespmem:$0x10400] =	vst v63  }
0x8f: {  	s29 =	sadd.s32 s3, s21;
	s30 =	sand.u32 $0x1FFFFFF0, s22;
	s31 =	spop (v2sf)  }
0x90: {  	(v2sf) =	vpush v1, $0x7;
	[tilespmem:s20], [sflag:$0x1] =	stream.linear.gather [hbm4b:s29+s1], $0x80, $0x38;
	[tilespmem:$0x10400] =	vst v63  }
0x91: {  	s21 =	sand.u32 $0x1FFFFFF0, s31;
	s22 =	spop (v2sf);
	s20 =	sadd.s32 s4, s30  }
0x92: {  	(v2sf) =	vpush v63, $0x7;
	[tilespmem:s0], [sflag:$0x2] =	stream.linear.gather [hbm4b:s20+s1], $0x80, $0x38;
	[tilespmem:$0x10400] =	vst v63  }
0x93: {  	s29 =	sadd.s32 s3, s21;
	s30 =	sand.u32 $0x1FFFFFF0, s22;
	s31 =	spop (v2sf)  }
0x94: {  	[tilespmem:s12], [sflag:$0x1] =	stream.linear.gather [hbm4b:s29+s1], $0x80, $0x38;
	[tilespmem:$0x10400] =	vst v63  }
0x95: {  	s21 =	sand.u32 $0x1FFFFFF0, s31;
	s20 =	sadd.s32 s4, s30;
	s22 =	spop (v2sf)  }
0x96: {  	(v2sf) =	vpush v1, $0x8;
	[tilespmem:s17], [sflag:$0x2] =	stream.linear.gather [hbm4b:s20+s1], $0x80, $0x38;
	[tilespmem:$0x10400] =	vst v63  }
0x97: {  	s25 =	sadd.s32 $0x8B00, s18;
	s29 =	sadd.s32 s3, s21;
	s31 =	spop (v2sf)  }
0x98: {  	s12 =	rddreg [dreg:$0x12];
	(v2sf) =	vpush v63, $0x8;
	s30 =	sand.u32 $0x1FFFFFF0, s22;
	s20 =	spop (v2sf)  }
0x99: {  	(v2sf) =	vpush v1, $0x9;
	[tilespmem:s13], [sflag:$0x1] =	stream.linear.gather [hbm4b:s29+s1], $0x80, $0x38;
	[tilespmem:$0x10400] =	vst v63  }
0x9a: {  	s16 =	sadd.s32 s4, s30;
	s17 =	sand.u32 $0x1FFFFFF0, s31;
	s29 =	spop (v2sf)  }
0x9b: {  	(v2sf) =	vpush v63, $0x9;
	[tilespmem:s14], [sflag:$0x2] =	stream.linear.gather [hbm4b:s16+s1], $0x80, $0x38;
	[tilespmem:$0x10400] =	vst v63  }
0x9c: {  	s22 =	sand.u32 $0x1FFFFFF0, s20;
	s13 =	smov.u32 s5;
	s5 =	spop (v2sf)  }
0x9d: {  	s21 =	sadd.s32 s3, s17;
	s30 =	sadd.s32 s4, s22;
	s14 =	sand.u32 $0x1FFFFFF0, s5  }
0x9e: {  	[tilespmem:s6], [sflag:$0x1] =	stream.linear.gather [hbm4b:s21+s1], $0x80, $0x38;
	[tilespmem:$0x10400] =	vst v63  }
0x9f: {  	(v2sf) =	vpush v1, $0xA;
	s31 =	sand.u32 $0x1FFFFFF0, s29;
	s16 =	sadd.s32 s4, s14;
	s15 =	spop (v2sf)  }
0xa0: {  	[tilespmem:s11], [sflag:$0x2] =	stream.linear.gather [hbm4b:s30+s1], $0x80, $0x38;
	[tilespmem:$0x10400] =	vst v63  }
0xa1: {  	(v2sf) =	vpush v63, $0xA;
	s11 =	sadd.s32 s3, s31;
	s17 =	sand.u32 $0x1FFFFFF0, s15;
	s20 =	spop (v2sf)  }
0xa2: {  	[tilespmem:s10], [sflag:$0x1] =	stream.linear.gather [hbm4b:s11+s1], $0x80, $0x38;
	[tilespmem:$0x10400] =	vst v63  }
0xa3: {  	s21 =	sadd.s32 s3, s17;
	s22 =	sand.u32 $0x1FFFFFF0, s20;
	s10 =	rddreg [dreg:$0x14]  }
0xa4: {  	[tilespmem:s9], [sflag:$0x2] =	stream.linear.gather [hbm4b:s16+s1], $0x80, $0x38;
	[tilespmem:$0x10400] =	vst v63  }
0xa5: {  	(v2sf) =	vpush v1, $0xB;
	s29 =	spop (v2sf);
	s30 =	sadd.s32 s4, s22;
	s22 =	rddreg [dreg:$0x8]  }
0xa6: {  	[tilespmem:s8], [sflag:$0x1] =	stream.linear.gather [hbm4b:s21+s1], $0x80, $0x38;
	[tilespmem:$0x10400] =	vst v63  }
0xa7: {  	(v2sf) =	vpush v63, $0xB;
	s31 =	sand.u32 $0x1FFFFFF0, s29;
	s9 =	rddreg [dreg:$0x10];
	s5 =	spop (v2sf)  }
0xa8: {  	(v2sf) =	vpush v1, $0xC;
	s6 =	sadd.s32 s3, s31;
	s16 =	rddreg [dreg:$0xe];
	s8 =	spop (v2sf)  }
0xa9: {  	[tilespmem:s7], [sflag:$0x2] =	stream.linear.gather [hbm4b:s30+s1], $0x80, $0x38;
	[tilespmem:$0x10400] =	vst v63  }
0xaa: {  	(v2sf) =	vpush v63, $0xC;
	s7 =	sand.u32 $0x1FFFFFF0, s5;
	s14 =	sand.u32 $0x1FFFFFF0, s8;
	s15 =	spop (v2sf)  }
0xab: {  	[tilespmem:s9], [sflag:$0x1] =	stream.linear.gather [hbm4b:s6+s1], $0x80, $0x38;
	[tilespmem:$0x10400] =	vst v63  }
0xac: {  	s8 =	rddreg [dreg:$0xc];
	s11 =	sadd.s32 s4, s7;
	s17 =	sadd.s32 s3, s14  }
0xad: {  	[tilespmem:s16], [sflag:$0x2] =	stream.linear.gather [hbm4b:s11+s1], $0x80, $0x38;
	[tilespmem:$0x10400] =	vst v63  }
0xae: {  	s20 =	sand.u32 $0x1FFFFFF0, s15;
	s15 =	rddreg [dreg:$0xa];
	s21 =	spop (v2sf)  }
0xaf: {  	[tilespmem:s22], [sflag:$0x1] =	stream.linear.gather [hbm4b:s17+s1], $0x80, $0x38;
	[tilespmem:$0x10400] =	vst v63  }
0xb0: {  	s29 =	sadd.s32 s4, s20;
	s30 =	sand.u32 $0x1FFFFFF0, s21;
	s31 =	spop (v2sf)  }
0xb1: {  	[tilespmem:s8], [sflag:$0x2] =	stream.linear.gather [hbm4b:s29+s1], $0x80, $0x38;
	[tilespmem:$0x10400] =	vst v63  }
0xb2: {  	s21 =	rddreg [dreg:$0x4];
	s9 =	sadd.s32 s3, s30;
	s11 =	sand.u32 $0x1FFFFFF0, s31  }
0xb3: {  	[tilespmem:s15], [sflag:$0x1] =	stream.linear.gather [hbm4b:s9+s1], $0x80, $0x38;
	[tilespmem:$0x10400] =	vst v63  }
0xb4: {  	s31 =	rddreg [dreg:$0x6];
	s16 =	sadd.s32 s4, s11;
	s14 =	spop (v2sf)  }
0xb5: {  	(v2sf) =	vpush v1, $0xD;
	[tilespmem:s21], [sflag:$0x2] =	stream.linear.gather [hbm4b:s16+s1], $0x80, $0x38;
	[tilespmem:$0x10400] =	vst v63  }
.Ltmp0:
0xb6: {  	(v2sf) =	vpush v63, $0xD;
	s17 =	sand.u32 $0x1FFFFFF0, s14;
	s20 =	spop (v2sf);
	(pc) =	sbr.rel @p0 .LBB2_2-.Ltmp0, $4  }
0xb7: {  	(v2sf) =	vpush v1, $0xE;
	s22 =	sadd.s32 s3, s17;
	s29 =	sand.u32 $0x1FFFFFF0, s20;
	s30 =	spop (v2sf)  }
0xb8: {  	(v2sf) =	vpush v63, $0xE;
	[tilespmem:s2], [sflag:$0x1] =	stream.linear.gather [hbm4b:s22+s1], $0x80, $0x38;
	[tilespmem:$0x10400] =	vst v63  }
0xb9: {  	(v2sf) =	vpush v1, $0xF;
	s5 =	sadd.s32 s4, s29;
	s0 =	sand.u32 $0x1FFFFFF0, s30;
	s2 =	spop (v2sf)  }
0xba: {  	(v2sf) =	vpush v63, $0xF;
	[tilespmem:s31], [sflag:$0x2] =	stream.linear.gather [hbm4b:s5+s1], $0x80, $0x38;
	[tilespmem:$0x10400] =	vst v63  }
0xbb: {  	_ =	sdelay $0x4  }
0xbc: {  	s0 =	sadd.s32 s3, s0;
	s2 =	sand.u32 $0x1FFFFFF0, s2  }
0xbd: {  	[tilespmem:s28], [sflag:$0x1] =	stream.linear.gather [hbm4b:s0+s1], $0x80, $0x38;
	[tilespmem:$0x10400] =	vst v63  }
0xbe: {  	s6 =	sadd.s32 s4, s2  }
0xbf: {  	[tilespmem:s12], [sflag:$0x2] =	stream.linear.gather [hbm4b:s6+s1], $0x80, $0x38;
	[tilespmem:$0x10400] =	vst v63  }
0xc0: {  	s5 =	spop (v2sf)  }
0xc1: {  	s7 =	sand.u32 $0x1FFFFFF0, s5;
	s8 =	spop (v2sf)  }
0xc2: {  	s9 =	sadd.s32 s3, s7;
	s11 =	sand.u32 $0x1FFFFFF0, s8;
	s12 =	spop (v2sf)  }
0xc3: {  	[tilespmem:s13], [sflag:$0x1] =	stream.linear.gather [hbm4b:s9+s1], $0x80, $0x38;
	[tilespmem:$0x10400] =	vst v63  }
0xc4: {  	s14 =	sadd.s32 s4, s11;
	s15 =	sand.u32 $0x1FFFFFF0, s12;
	s16 =	spop (v2sf)  }
0xc5: {  	[tilespmem:s10], [sflag:$0x2] =	stream.linear.gather [hbm4b:s14+s1], $0x80, $0x38;
	[tilespmem:$0x10400] =	vst v63  }
0xc6: {  	s17 =	sadd.s32 s3, s15;
	s19 =	sand.u32 $0x1FFFFFF0, s16;
	s20 =	spop (v2sf)  }
0xc7: {  	[tilespmem:s26], [sflag:$0x1] =	stream.linear.gather [hbm4b:s17+s1], $0x80, $0x38;
	[tilespmem:$0x10400] =	vst v63  }
0xc8: {  	s21 =	sadd.s32 s4, s19;
	s22 =	sand.u32 $0x1FFFFFF0, s20;
	s23 =	spop (v2sf)  }
0xc9: {  	[tilespmem:s25], [sflag:$0x2] =	stream.linear.gather [hbm4b:s21+s1], $0x80, $0x38;
	[tilespmem:$0x10400] =	vst v63  }
0xca: {  	s24 =	sadd.s32 $0xB80, s18;
	s2 =	sadd.s32 s3, s22;
	s5 =	sand.u32 $0x1FFFFFF0, s23  }
0xcb: {  	[tilespmem:s24], [sflag:$0x1] =	stream.linear.gather [hbm4b:s2+s1], $0x80, $0x38;
	[tilespmem:$0x10400] =	vst v63  }
0xcc: {  	s29 =	simm.s32 $0x1;
	s26 =	sadd.s32 s4, s5;
	s25 =	sadd.s32 $0x8B80, s18  }
0xcd: {  	[tilespmem:s25], [sflag:$0x2] =	stream.linear.gather [hbm4b:s26+s1], $0x80, $0x38;
	[tilespmem:$0x10400] =	vst v63  }
0xce: {  	_ =	swait.ge [sflag:s29], $0x8000  }
0xcf: {  	[sflag:s29] =	ssyncset.done $0x0  }
0xd0: {  	s30 =	simm.s32 $0x2;
	[sflag:s29] =	ssyncadd.s32 $0xFFFF8000  }
0xd1: {  	_ =	swait.ge [sflag:s30], $0x8000  }
0xd2: {  	s31 =	simm.s32 $0x0;
	s7 =	simm.s32 $0x400;
	[sflag:s30] =	ssyncset.done $0x0  }
0xd3: {  	s8 =	simm.s32 $0x3;
	s6 =	rddreg [dreg:$0x18];
	[sflag:s30] =	ssyncadd.s32 $0xFFFF8000  }
0xd4: {  	[hbm4b:s6+s31] =	stream.linear.scatter [tilespmem:s7], [sflag:$0x3], $0x8000, $0x38;
	[tilespmem:$0x10400] =	vst v63  }
0xd5: {  	_ =	swait.ge [sflag:s8], $0x8000  }
0xd6: {  	[sflag:s8] =	ssyncset.done $0x0  }
0xd7: {  	s6 =	simm.s32 $0x8400;
	s9 =	rddreg [dreg:$0x19];
	[sflag:s8] =	ssyncadd.s32 $0xFFFF8000  }
0xd8: {  	[hbm4b:s9+s31] =	stream.linear.scatter [tilespmem:s6], [sflag:$0x3], $0x8000, $0x38;
	[tilespmem:$0x10400] =	vst v63  }
0xd9: {  	_ =	swait.ge [sflag:s8], $0x8000  }
0xda: {  	[sflag:s8] =	ssyncset.done $0x0  }
0xdb: {  	s10 =	simm.s32 $0x100;
	[sflag:s8] =	ssyncadd.s32 $0xFFFF8000  }
0xdc: {  	s11 =	simm.s32 $0x300;
	v0 =	vld [tilespmem:s10+$0x0]  }
0xdd: {  	v2 =	vld [tilespmem:s11+$0x0];
	_ =	sdelay $0x3  }
0xde: {  	v1 =	vshll.u32 v0, $0x4  }
0xdf: {  	v63 =	vshll.u32 v2, $0x4;
	(v2sf) =	vpush v1, $0x0  }
0xe0: {  	(v2sf) =	vpush v63, $0x0;
	_ =	sdelay $0x2  }
0xe1: {  	(v2sf) =	vpush v1, $0x1  }
0xe2: {  	(v2sf) =	vpush v63, $0x1;
	_ =	sdelay $0x1  }
0xe3: {  	(v2sf) =	vpush v1, $0x2;
	_ =	sdelay $0x1  }
0xe4: {  	(v2sf) =	vpush v63, $0x2;
	_ =	sdelay $0x1  }
0xe5: {  	s0 =	simm.s32 $0x8900;
	(v2sf) =	vpush v1, $0x3  }
0xe6: {  	s28 =	simm.s32 $0xA00;
	s12 =	simm.s32 $0x8400;
	s16 =	simm.s32 $0x480  }
0xe7: {  	s19 =	simm.s32 $0x2000;
	s23 =	simm.s32 $0x500;
	s5 =	simm.s32 $0x680;
	(v2sf) =	vpush v63, $0x3  }
0xe8: {  	s18 =	simm.s32 $0x0;
	s21 =	simm.s32 $0x8480;
	s2 =	simm.s32 $0x880  }
0xe9: {  	s26 =	simm.s32 $0x8500;
	s7 =	simm.s32 $0x400;
	s8 =	spop (v2sf)  }
0xea: {  	s9 =	simm.s32 $0x600;
	s8 =	sand.u32 $0x1FFFFFF0, s8;
	s11 =	spop (v2sf)  }
0xeb: {  	s10 =	simm.s32 $0x580;
	(v2sf) =	vpush v1, $0x4;
	s8 =	sadd.s32 s3, s8;
	s13 =	sand.u32 $0x1FFFFFF0, s11  }
0xec: {  	(v2sf) =	vpush v63, $0x4;
	[tilespmem:s7], [sflag:$0x1] =	stream.linear.gather [hbm4b:s8+s1], $0x80, $0x38;
	[tilespmem:$0x10400] =	vst v63  }
0xed: {  	s14 =	spop (v2sf);
	s7 =	simm.s32 $0x8580;
	s8 =	sadd.s32 s4, s13  }
0xee: {  	s11 =	sand.u32 $0x1FFFFFF0, s14;
	s15 =	spop (v2sf);
	s14 =	simm.s32 $0x8600  }
0xef: {  	(v2sf) =	vpush v1, $0x5;
	[tilespmem:s12], [sflag:$0x2] =	stream.linear.gather [hbm4b:s8+s1], $0x80, $0x38;
	[tilespmem:$0x10400] =	vst v63  }
0xf0: {  	s17 =	sadd.s32 s3, s11;
	s20 =	sand.u32 $0x1FFFFFF0, s15;
	s22 =	spop (v2sf)  }
0xf1: {  	(v2sf) =	vpush v63, $0x5;
	[tilespmem:s16], [sflag:$0x1] =	stream.linear.gather [hbm4b:s17+s1], $0x80, $0x38;
	[tilespmem:$0x10400] =	vst v63  }
0xf2: {  	s11 =	sadd.s32 s4, s20;
	s8 =	sand.u32 $0x1FFFFFF0, s22;
	s24 =	spop (v2sf)  }
0xf3: {  	[tilespmem:s21], [sflag:$0x2] =	stream.linear.gather [hbm4b:s11+s1], $0x80, $0x38;
	[tilespmem:$0x10400] =	vst v63  }
0xf4: {  	(v2sf) =	vpush v1, $0x6;
	s8 =	sadd.s32 s3, s8;
	s25 =	spop (v2sf);
	s11 =	sand.u32 $0x1FFFFFF0, s24  }
0xf5: {  	(v2sf) =	vpush v63, $0x6;
	[tilespmem:s23], [sflag:$0x1] =	stream.linear.gather [hbm4b:s8+s1], $0x80, $0x38;
	[tilespmem:$0x10400] =	vst v63  }
0xf6: {  	s30 =	sand.u32 $0x1FFFFFF0, s25;
	s31 =	spop (v2sf);
	s29 =	sadd.s32 s4, s11  }
0xf7: {  	(v2sf) =	vpush v1, $0x7;
	[tilespmem:s26], [sflag:$0x2] =	stream.linear.gather [hbm4b:s29+s1], $0x80, $0x38;
	[tilespmem:$0x10400] =	vst v63  }
0xf8: {  	s12 =	simm.s32 $0x8A00;
	s13 =	sadd.s32 s3, s30;
	s6 =	sand.u32 $0x1FFFFFF0, s31  }
0xf9: {  	[tilespmem:s10], [sflag:$0x1] =	stream.linear.gather [hbm4b:s13+s1], $0x80, $0x38;
	[tilespmem:$0x10400] =	vst v63  }
0xfa: {  	s6 =	sadd.s32 s4, s6;
	s21 =	simm.s32 $0x8680;
	s15 =	spop (v2sf)  }
0xfb: {  	(v2sf) =	vpush v63, $0x7;
	s23 =	simm.s32 $0x700;
	s10 =	sand.u32 $0x1FFFFFF0, s15;
	s16 =	spop (v2sf)  }
0xfc: {  	[tilespmem:s7], [sflag:$0x2] =	stream.linear.gather [hbm4b:s6+s1], $0x80, $0x38;
	[tilespmem:$0x10400] =	vst v63  }
0xfd: {  	s13 =	simm.s32 $0xA80;
	(v2sf) =	vpush v1, $0x8;
	s17 =	sadd.s32 s3, s10;
	s20 =	sand.u32 $0x1FFFFFF0, s16  }
0xfe: {  	s10 =	simm.s32 $0x8A80;
	s22 =	spop (v2sf);
	s7 =	sadd.s32 s4, s20  }
0xff: {  	(v2sf) =	vpush v63, $0x8;
	[tilespmem:s9], [sflag:$0x1] =	stream.linear.gather [hbm4b:s17+s1], $0x80, $0x38;
	[tilespmem:$0x10400] =	vst v63  }
0x100: {  	s24 =	sand.u32 $0x1FFFFFF0, s22;
	s25 =	spop (v2sf);
	s17 =	simm.s32 $0x780  }
0x101: {  	(v2sf) =	vpush v1, $0x9;
	s22 =	simm.s32 $0x8780;
	s8 =	sadd.s32 s3, s24;
	s9 =	sand.u32 $0x1FFFFFF0, s25  }
0x102: {  	(v2sf) =	vpush v63, $0x9;
	[tilespmem:s14], [sflag:$0x2] =	stream.linear.gather [hbm4b:s7+s1], $0x80, $0x38;
	[tilespmem:$0x10400] =	vst v63  }
0x103: {  	s26 =	spop (v2sf);
	s24 =	simm.s32 $0x800;
	s29 =	sadd.s32 s4, s9  }
0x104: {  	(v2sf) =	vpush v1, $0xA;
	s30 =	sand.u32 $0x1FFFFFF0, s26;
	s31 =	spop (v2sf);
	s14 =	simm.s32 $0x8700  }
0x105: {  	[tilespmem:s5], [sflag:$0x1] =	stream.linear.gather [hbm4b:s8+s1], $0x80, $0x38;
	[tilespmem:$0x10400] =	vst v63  }
0x106: {  	(v2sf) =	vpush v63, $0xA;
	s9 =	simm.s32 $0x8880;
	s11 =	sadd.s32 s3, s30;
	s15 =	spop (v2sf)  }
0x107: {  	[tilespmem:s21], [sflag:$0x2] =	stream.linear.gather [hbm4b:s29+s1], $0x80, $0x38;
	[tilespmem:$0x10400] =	vst v63  }
0x108: {  	s6 =	sand.u32 $0x1FFFFFF0, s31;
	(v2sf) =	vpush v1, $0xB;
	s5 =	simm.s32 $0x8980;
	s8 =	sand.u32 $0x1FFFFFF0, s15  }
0x109: {  	[tilespmem:s23], [sflag:$0x1] =	stream.linear.gather [hbm4b:s11+s1], $0x80, $0x38;
	[tilespmem:$0x10400] =	vst v63  }
0x10a: {  	s6 =	sadd.s32 s4, s6;
	s16 =	spop (v2sf);
	s20 =	sadd.s32 s3, s8  }
0x10b: {  	[tilespmem:s14], [sflag:$0x2] =	stream.linear.gather [hbm4b:s6+s1], $0x80, $0x38;
	[tilespmem:$0x10400] =	vst v63  }
0x10c: {  	(v2sf) =	vpush v63, $0xB;
	s21 =	sand.u32 $0x1FFFFFF0, s16;
	s29 =	simm.s32 $0x8800;
	s23 =	spop (v2sf)  }
0x10d: {  	[tilespmem:s17], [sflag:$0x1] =	stream.linear.gather [hbm4b:s20+s1], $0x80, $0x38;
	[tilespmem:$0x10400] =	vst v63  }
0x10e: {  	s8 =	sadd.s32 s4, s21;
	s7 =	sand.u32 $0x1FFFFFF0, s23;
	s25 =	spop (v2sf)  }
0x10f: {  	[tilespmem:s22], [sflag:$0x2] =	stream.linear.gather [hbm4b:s8+s1], $0x80, $0x38;
	[tilespmem:$0x10400] =	vst v63  }
0x110: {  	s14 =	simm.s32 $0x900;
	(v2sf) =	vpush v1, $0xC;
	s7 =	sadd.s32 s3, s7;
	s26 =	spop (v2sf)  }
0x111: {  	s8 =	sand.u32 $0x1FFFFFF0, s25;
	(v2sf) =	vpush v63, $0xC;
	s25 =	simm.s32 $0x980;
	s11 =	spop (v2sf)  }
0x112: {  	[tilespmem:s24], [sflag:$0x1] =	stream.linear.gather [hbm4b:s7+s1], $0x80, $0x38;
	[tilespmem:$0x10400] =	vst v63  }
0x113: {  	s30 =	sadd.s32 s4, s8;
	s31 =	sand.u32 $0x1FFFFFF0, s26;
	s15 =	spop (v2sf)  }
0x114: {  	[tilespmem:s29], [sflag:$0x2] =	stream.linear.gather [hbm4b:s30+s1], $0x80, $0x38;
	[tilespmem:$0x10400] =	vst v63  }
0x115: {  	s8 =	sadd.s32 s3, s31;
	s7 =	sand.u32 $0x1FFFFFF0, s11;
	s16 =	spop (v2sf)  }
0x116: {  	[tilespmem:s2], [sflag:$0x1] =	stream.linear.gather [hbm4b:s8+s1], $0x80, $0x38;
	[tilespmem:$0x10400] =	vst v63  }
0x117: {  	s7 =	sadd.s32 s4, s7;
	s21 =	spop (v2sf);
	s8 =	sand.u32 $0x1FFFFFF0, s15  }
0x118: {  	[tilespmem:s9], [sflag:$0x2] =	stream.linear.gather [hbm4b:s7+s1], $0x80, $0x38;
	[tilespmem:$0x10400] =	vst v63  }
0x119: {  	s20 =	sand.u32 $0x1FFFFFF0, s16;
	s23 =	sand.u32 $0x1FFFFFF0, s21;
	s17 =	sadd.s32 s3, s8  }
0x11a: {  	[tilespmem:s14], [sflag:$0x1] =	stream.linear.gather [hbm4b:s17+s1], $0x80, $0x38;
	[tilespmem:$0x10400] =	vst v63  }
0x11b: {  	s22 =	sadd.s32 s4, s20;
	s24 =	spop (v2sf);
	s26 =	sadd.s32 s3, s23  }
0x11c: {  	(v2sf) =	vpush v1, $0xD;
	[tilespmem:s0], [sflag:$0x2] =	stream.linear.gather [hbm4b:s22+s1], $0x80, $0x38;
	[tilespmem:$0x10400] =	vst v63  }
0x11d: {  	(v2sf) =	vpush v63, $0xD;
	s29 =	sand.u32 $0x1FFFFFF0, s24;
	s23 =	simm.s32 $0x110;
	s24 =	simm.s32 $0x310  }
0x11e: {  	(v2sf) =	vpush v1, $0xE;
	[tilespmem:s25], [sflag:$0x1] =	stream.linear.gather [hbm4b:s26+s1], $0x80, $0x38;
	[tilespmem:$0x10400] =	vst v63  }
0x11f: {  	s30 =	sadd.s32 s4, s29;
	(v2sf) =	vpush v63, $0xE;
	s31 =	spop (v2sf);
	s26 =	simm.s32 $0xB00  }
0x120: {  	(v2sf) =	vpush v1, $0xF;
	s25 =	simm.s32 $0x8B00;
	s0 =	sand.u32 $0x1FFFFFF0, s31;
	s2 =	spop (v2sf)  }
0x121: {  	(v2sf) =	vpush v63, $0xF;
	[tilespmem:s5], [sflag:$0x2] =	stream.linear.gather [hbm4b:s30+s1], $0x80, $0x38;
	[tilespmem:$0x10400] =	vst v63  }
.LBB2_4:
0x122: {  	_ =	sdelay $0x4  }
0x123: {  	s0 =	sadd.s32 s3, s0;
	s2 =	sand.u32 $0x1FFFFFF0, s2  }
0x124: {  	[tilespmem:s28], [sflag:$0x1] =	stream.linear.gather [hbm4b:s0+s1], $0x80, $0x38;
	[tilespmem:$0x10400] =	vst v63  }
0x125: {  	s29 =	sadd.s32 s4, s2  }
0x126: {  	[tilespmem:s12], [sflag:$0x2] =	stream.linear.gather [hbm4b:s29+s1], $0x80, $0x38;
	[tilespmem:$0x10400] =	vst v63  }
0x127: {  	s5 =	spop (v2sf)  }
0x128: {  	s30 =	sand.u32 $0x1FFFFFF0, s5;
	s31 =	spop (v2sf)  }
0x129: {  	s2 =	sadd.s32 s3, s30;
	s5 =	sand.u32 $0x1FFFFFF0, s31;
	s6 =	spop (v2sf)  }
0x12a: {  	[tilespmem:s13], [sflag:$0x1] =	stream.linear.gather [hbm4b:s2+s1], $0x80, $0x38;
	[tilespmem:$0x10400] =	vst v63  }
0x12b: {  	s7 =	sadd.s32 s4, s5;
	s8 =	sand.u32 $0x1FFFFFF0, s6;
	s9 =	spop (v2sf)  }
0x12c: {  	[tilespmem:s10], [sflag:$0x2] =	stream.linear.gather [hbm4b:s7+s1], $0x80, $0x38;
	[tilespmem:$0x10400] =	vst v63  }
0x12d: {  	s11 =	sand.u32 $0x1FFFFFF0, s9;
	s12 =	spop (v2sf);
	s10 =	sadd.s32 s3, s8  }
0x12e: {  	[tilespmem:s26], [sflag:$0x1] =	stream.linear.gather [hbm4b:s10+s1], $0x80, $0x38;
	[tilespmem:$0x10400] =	vst v63  }
0x12f: {  	s13 =	sadd.s32 s4, s11;
	s14 =	sand.u32 $0x1FFFFFF0, s12;
	s15 =	spop (v2sf)  }
0x130: {  	[tilespmem:s25], [sflag:$0x2] =	stream.linear.gather [hbm4b:s13+s1], $0x80, $0x38;
	[tilespmem:$0x10400] =	vst v63  }
0x131: {  	s16 =	sadd.s32 $0xB80, s18;
	s2 =	sadd.s32 s3, s14;
	s5 =	sand.u32 $0x1FFFFFF0, s15  }
0x132: {  	[tilespmem:s16], [sflag:$0x1] =	stream.linear.gather [hbm4b:s2+s1], $0x80, $0x38;
	[tilespmem:$0x10400] =	vst v63  }
0x133: {  	s17 =	sadd.s32 $0x8B80, s18;
	s18 =	sadd.s32 s4, s5  }
0x134: {  	[tilespmem:s17], [sflag:$0x2] =	stream.linear.gather [hbm4b:s18+s1], $0x80, $0x38;
	[tilespmem:$0x10400] =	vst v63  }
0x135: {  	v0 =	vld [tilespmem:s23+$0x0]  }
0x136: {  	v2 =	vld [tilespmem:s24+$0x0];
	_ =	sdelay $0x3  }
0x137: {  	v1 =	vshll.u32 v0, $0x4  }
0x138: {  	s20 =	smov.u32 s19;
	v63 =	vshll.u32 v2, $0x4;
	(v2sf) =	vpush v1, $0x0  }
0x139: {  	s18 =	sshra.s32 s20, $0x2;
	(v2sf) =	vpush v63, $0x0  }
0x13a: {  	p0 =	sne.s32 s19, $0x1E000;
	s19 =	sadd.s32 $0x2000, s19;
	s30 =	sadd.s32 $0x8400, s18;
	(v2sf) =	vpush v1, $0x1  }
0x13b: {  	s6 =	sadd.s32 $0x680, s18;
	s0 =	sadd.s32 $0x880, s18;
	s29 =	sadd.s32 $0x400, s18  }
0x13c: {  	s13 =	sadd.s32 $0x600, s18;
	s21 =	sadd.s32 $0x8900, s18;
	s12 =	sadd.s32 $0x580, s18;
	(v2sf) =	vpush v63, $0x1  }
0x13d: {  	s17 =	sadd.s32 $0x8580, s18;
	s22 =	sadd.s32 $0x8A00, s18;
	s20 =	sadd.s32 $0x500, s18  }
0x13e: {  	s14 =	sadd.s32 $0x8600, s18;
	s5 =	sadd.s32 $0xA80, s18;
	s31 =	sadd.s32 $0x8480, s18;
	(v2sf) =	vpush v1, $0x2  }
0x13f: {  	s11 =	sadd.s32 $0x8680, s18;
	s10 =	sadd.s32 $0x700, s18;
	[dreg:$0x9] =	wrdreg s0  }
0x140: {  	s25 =	sadd.s32 $0x8980, s18;
	s26 =	sadd.s32 $0x8A80, s18;
	[dreg:$0x5] =	wrdreg s21;
	(v2sf) =	vpush v63, $0x2  }
0x141: {  	s9 =	sadd.s32 $0x8700, s18;
	s7 =	sadd.s32 $0x8880, s18;
	[dreg:$0x13] =	wrdreg s22  }
0x142: {  	s8 =	sadd.s32 $0x900, s18;
	s15 =	sadd.s32 $0x8800, s18;
	[dreg:$0x7] =	wrdreg s25;
	(v2sf) =	vpush v1, $0x3  }
0x143: {  	s28 =	sadd.s32 $0xA00, s18;
	s16 =	sadd.s32 $0x800, s18;
	[dreg:$0x15] =	wrdreg s26  }
0x144: {  	s23 =	sadd.s32 $0x10, s23;
	s24 =	sadd.s32 $0x10, s24;
	[dreg:$0xd] =	wrdreg s7;
	(v2sf) =	vpush v63, $0x3  }
0x145: {  	s2 =	sadd.s32 $0x980, s18;
	s0 =	sadd.s32 $0x8500, s18;
	[dreg:$0xb] =	wrdreg s8  }
0x146: {  	s8 =	sadd.s32 $0x780, s18;
	[dreg:$0xf] =	wrdreg s15;
	s15 =	sadd.s32 $0x480, s18;
	(v2sf) =	vpush v1, $0x4  }
0x147: {  	s7 =	sadd.s32 $0x8780, s18;
	[dreg:$0x11] =	wrdreg s16;
	s21 =	spop (v2sf)  }
0x148: {  	s26 =	sadd.s32 $0xB00, s18;
	s21 =	sand.u32 $0x1FFFFFF0, s21;
	s22 =	spop (v2sf);
	(v2sf) =	vpush v63, $0x4  }
0x149: {  	s21 =	sadd.s32 s3, s21;
	s22 =	sand.u32 $0x1FFFFFF0, s22;
	s16 =	spop (v2sf)  }
0x14a: {  	(v2sf) =	vpush v1, $0x5;
	[tilespmem:s29], [sflag:$0x1] =	stream.linear.gather [hbm4b:s21+s1], $0x80, $0x38;
	[tilespmem:$0x10400] =	vst v63  }
0x14b: {  	s22 =	sadd.s32 s4, s22;
	s16 =	sand.u32 $0x1FFFFFF0, s16;
	s29 =	spop (v2sf);
	(v2sf) =	vpush v63, $0x5  }
0x14c: {  	[tilespmem:s30], [sflag:$0x2] =	stream.linear.gather [hbm4b:s22+s1], $0x80, $0x38;
	[tilespmem:$0x10400] =	vst v63  }
0x14d: {  	s16 =	sadd.s32 s3, s16;
	s29 =	sand.u32 $0x1FFFFFF0, s29;
	s30 =	spop (v2sf);
	(v2sf) =	vpush v1, $0x6  }
0x14e: {  	[tilespmem:s15], [sflag:$0x1] =	stream.linear.gather [hbm4b:s16+s1], $0x80, $0x38;
	[tilespmem:$0x10400] =	vst v63  }
0x14f: {  	s21 =	sand.u32 $0x1FFFFFF0, s30;
	s22 =	spop (v2sf);
	(v2sf) =	vpush v63, $0x6;
	s16 =	sadd.s32 s4, s29  }
0x150: {  	[tilespmem:s31], [sflag:$0x2] =	stream.linear.gather [hbm4b:s16+s1], $0x80, $0x38;
	[tilespmem:$0x10400] =	vst v63  }
0x151: {  	s29 =	sadd.s32 s3, s21;
	s30 =	sand.u32 $0x1FFFFFF0, s22;
	s31 =	spop (v2sf)  }
0x152: {  	(v2sf) =	vpush v1, $0x7;
	[tilespmem:s20], [sflag:$0x1] =	stream.linear.gather [hbm4b:s29+s1], $0x80, $0x38;
	[tilespmem:$0x10400] =	vst v63  }
0x153: {  	s21 =	sand.u32 $0x1FFFFFF0, s31;
	s22 =	spop (v2sf);
	s20 =	sadd.s32 s4, s30  }
0x154: {  	(v2sf) =	vpush v63, $0x7;
	[tilespmem:s0], [sflag:$0x2] =	stream.linear.gather [hbm4b:s20+s1], $0x80, $0x38;
	[tilespmem:$0x10400] =	vst v63  }
0x155: {  	s29 =	sadd.s32 s3, s21;
	s30 =	sand.u32 $0x1FFFFFF0, s22;
	s31 =	spop (v2sf)  }
0x156: {  	[tilespmem:s12], [sflag:$0x1] =	stream.linear.gather [hbm4b:s29+s1], $0x80, $0x38;
	[tilespmem:$0x10400] =	vst v63  }
0x157: {  	s21 =	sand.u32 $0x1FFFFFF0, s31;
	s20 =	sadd.s32 s4, s30;
	s22 =	spop (v2sf)  }
0x158: {  	(v2sf) =	vpush v1, $0x8;
	[tilespmem:s17], [sflag:$0x2] =	stream.linear.gather [hbm4b:s20+s1], $0x80, $0x38;
	[tilespmem:$0x10400] =	vst v63  }
0x159: {  	s25 =	sadd.s32 $0x8B00, s18;
	s29 =	sadd.s32 s3, s21;
	s31 =	spop (v2sf)  }
0x15a: {  	s12 =	rddreg [dreg:$0x13];
	(v2sf) =	vpush v63, $0x8;
	s30 =	sand.u32 $0x1FFFFFF0, s22;
	s20 =	spop (v2sf)  }
0x15b: {  	(v2sf) =	vpush v1, $0x9;
	[tilespmem:s13], [sflag:$0x1] =	stream.linear.gather [hbm4b:s29+s1], $0x80, $0x38;
	[tilespmem:$0x10400] =	vst v63  }
0x15c: {  	s16 =	sadd.s32 s4, s30;
	s17 =	sand.u32 $0x1FFFFFF0, s31;
	s29 =	spop (v2sf)  }
0x15d: {  	(v2sf) =	vpush v63, $0x9;
	[tilespmem:s14], [sflag:$0x2] =	stream.linear.gather [hbm4b:s16+s1], $0x80, $0x38;
	[tilespmem:$0x10400] =	vst v63  }
0x15e: {  	s22 =	sand.u32 $0x1FFFFFF0, s20;
	s13 =	smov.u32 s5;
	s5 =	spop (v2sf)  }
0x15f: {  	s21 =	sadd.s32 s3, s17;
	s30 =	sadd.s32 s4, s22;
	s14 =	sand.u32 $0x1FFFFFF0, s5  }
0x160: {  	[tilespmem:s6], [sflag:$0x1] =	stream.linear.gather [hbm4b:s21+s1], $0x80, $0x38;
	[tilespmem:$0x10400] =	vst v63  }
0x161: {  	(v2sf) =	vpush v1, $0xA;
	s31 =	sand.u32 $0x1FFFFFF0, s29;
	s16 =	sadd.s32 s4, s14;
	s15 =	spop (v2sf)  }
0x162: {  	[tilespmem:s11], [sflag:$0x2] =	stream.linear.gather [hbm4b:s30+s1], $0x80, $0x38;
	[tilespmem:$0x10400] =	vst v63  }
0x163: {  	(v2sf) =	vpush v63, $0xA;
	s11 =	sadd.s32 s3, s31;
	s17 =	sand.u32 $0x1FFFFFF0, s15;
	s20 =	spop (v2sf)  }
0x164: {  	[tilespmem:s10], [sflag:$0x1] =	stream.linear.gather [hbm4b:s11+s1], $0x80, $0x38;
	[tilespmem:$0x10400] =	vst v63  }
0x165: {  	s21 =	sadd.s32 s3, s17;
	s22 =	sand.u32 $0x1FFFFFF0, s20;
	s10 =	rddreg [dreg:$0x15]  }
0x166: {  	[tilespmem:s9], [sflag:$0x2] =	stream.linear.gather [hbm4b:s16+s1], $0x80, $0x38;
	[tilespmem:$0x10400] =	vst v63  }
0x167: {  	(v2sf) =	vpush v1, $0xB;
	s29 =	spop (v2sf);
	s30 =	sadd.s32 s4, s22;
	s22 =	rddreg [dreg:$0x9]  }
0x168: {  	[tilespmem:s8], [sflag:$0x1] =	stream.linear.gather [hbm4b:s21+s1], $0x80, $0x38;
	[tilespmem:$0x10400] =	vst v63  }
0x169: {  	(v2sf) =	vpush v63, $0xB;
	s31 =	sand.u32 $0x1FFFFFF0, s29;
	s9 =	rddreg [dreg:$0x11];
	s5 =	spop (v2sf)  }
0x16a: {  	(v2sf) =	vpush v1, $0xC;
	s6 =	sadd.s32 s3, s31;
	s16 =	rddreg [dreg:$0xf];
	s8 =	spop (v2sf)  }
0x16b: {  	[tilespmem:s7], [sflag:$0x2] =	stream.linear.gather [hbm4b:s30+s1], $0x80, $0x38;
	[tilespmem:$0x10400] =	vst v63  }
0x16c: {  	(v2sf) =	vpush v63, $0xC;
	s7 =	sand.u32 $0x1FFFFFF0, s5;
	s14 =	sand.u32 $0x1FFFFFF0, s8;
	s15 =	spop (v2sf)  }
0x16d: {  	[tilespmem:s9], [sflag:$0x1] =	stream.linear.gather [hbm4b:s6+s1], $0x80, $0x38;
	[tilespmem:$0x10400] =	vst v63  }
0x16e: {  	s8 =	rddreg [dreg:$0xd];
	s11 =	sadd.s32 s4, s7;
	s17 =	sadd.s32 s3, s14  }
0x16f: {  	[tilespmem:s16], [sflag:$0x2] =	stream.linear.gather [hbm4b:s11+s1], $0x80, $0x38;
	[tilespmem:$0x10400] =	vst v63  }
0x170: {  	s20 =	sand.u32 $0x1FFFFFF0, s15;
	s15 =	rddreg [dreg:$0xb];
	s21 =	spop (v2sf)  }
0x171: {  	[tilespmem:s22], [sflag:$0x1] =	stream.linear.gather [hbm4b:s17+s1], $0x80, $0x38;
	[tilespmem:$0x10400] =	vst v63  }
0x172: {  	s29 =	sadd.s32 s4, s20;
	s30 =	sand.u32 $0x1FFFFFF0, s21;
	s31 =	spop (v2sf)  }
0x173: {  	[tilespmem:s8], [sflag:$0x2] =	stream.linear.gather [hbm4b:s29+s1], $0x80, $0x38;
	[tilespmem:$0x10400] =	vst v63  }
0x174: {  	s21 =	rddreg [dreg:$0x5];
	s9 =	sadd.s32 s3, s30;
	s11 =	sand.u32 $0x1FFFFFF0, s31  }
0x175: {  	[tilespmem:s15], [sflag:$0x1] =	stream.linear.gather [hbm4b:s9+s1], $0x80, $0x38;
	[tilespmem:$0x10400] =	vst v63  }
0x176: {  	s31 =	rddreg [dreg:$0x7];
	s16 =	sadd.s32 s4, s11;
	s14 =	spop (v2sf)  }
0x177: {  	(v2sf) =	vpush v1, $0xD;
	[tilespmem:s21], [sflag:$0x2] =	stream.linear.gather [hbm4b:s16+s1], $0x80, $0x38;
	[tilespmem:$0x10400] =	vst v63  }
.Ltmp1:
0x178: {  	(v2sf) =	vpush v63, $0xD;
	s17 =	sand.u32 $0x1FFFFFF0, s14;
	s20 =	spop (v2sf);
	(pc) =	sbr.rel @p0 .LBB2_4-.Ltmp1, $4  }
0x179: {  	(v2sf) =	vpush v1, $0xE;
	s22 =	sadd.s32 s3, s17;
	s29 =	sand.u32 $0x1FFFFFF0, s20;
	s30 =	spop (v2sf)  }
0x17a: {  	(v2sf) =	vpush v63, $0xE;
	[tilespmem:s2], [sflag:$0x1] =	stream.linear.gather [hbm4b:s22+s1], $0x80, $0x38;
	[tilespmem:$0x10400] =	vst v63  }
0x17b: {  	(v2sf) =	vpush v1, $0xF;
	s5 =	sadd.s32 s4, s29;
	s0 =	sand.u32 $0x1FFFFFF0, s30;
	s2 =	spop (v2sf)  }
0x17c: {  	(v2sf) =	vpush v63, $0xF;
	[tilespmem:s31], [sflag:$0x2] =	stream.linear.gather [hbm4b:s5+s1], $0x80, $0x38;
	[tilespmem:$0x10400] =	vst v63  }
0x17d: {  	_ =	sdelay $0x4  }
0x17e: {  	s0 =	sadd.s32 s3, s0;
	s2 =	sand.u32 $0x1FFFFFF0, s2  }
0x17f: {  	[tilespmem:s28], [sflag:$0x1] =	stream.linear.gather [hbm4b:s0+s1], $0x80, $0x38;
	[tilespmem:$0x10400] =	vst v63  }
0x180: {  	s29 =	sadd.s32 s4, s2  }
0x181: {  	[tilespmem:s12], [sflag:$0x2] =	stream.linear.gather [hbm4b:s29+s1], $0x80, $0x38;
	[tilespmem:$0x10400] =	vst v63  }
0x182: {  	s5 =	spop (v2sf)  }
0x183: {  	s30 =	sand.u32 $0x1FFFFFF0, s5;
	s31 =	spop (v2sf)  }
0x184: {  	s6 =	sadd.s32 s3, s30;
	s7 =	sand.u32 $0x1FFFFFF0, s31;
	s8 =	spop (v2sf)  }
0x185: {  	[tilespmem:s13], [sflag:$0x1] =	stream.linear.gather [hbm4b:s6+s1], $0x80, $0x38;
	[tilespmem:$0x10400] =	vst v63  }
0x186: {  	s9 =	sadd.s32 s4, s7;
	s11 =	sand.u32 $0x1FFFFFF0, s8;
	s12 =	spop (v2sf)  }
0x187: {  	[tilespmem:s10], [sflag:$0x2] =	stream.linear.gather [hbm4b:s9+s1], $0x80, $0x38;
	[tilespmem:$0x10400] =	vst v63  }
0x188: {  	s13 =	sadd.s32 s3, s11;
	s14 =	sand.u32 $0x1FFFFFF0, s12;
	s15 =	spop (v2sf)  }
0x189: {  	[tilespmem:s26], [sflag:$0x1] =	stream.linear.gather [hbm4b:s13+s1], $0x80, $0x38;
	[tilespmem:$0x10400] =	vst v63  }
0x18a: {  	s16 =	sadd.s32 s4, s14;
	s17 =	sand.u32 $0x1FFFFFF0, s15;
	s19 =	spop (v2sf)  }
0x18b: {  	[tilespmem:s25], [sflag:$0x2] =	stream.linear.gather [hbm4b:s16+s1], $0x80, $0x38;
	[tilespmem:$0x10400] =	vst v63  }
0x18c: {  	s20 =	sadd.s32 $0xB80, s18;
	s2 =	sadd.s32 s3, s17;
	s5 =	sand.u32 $0x1FFFFFF0, s19  }
0x18d: {  	[tilespmem:s20], [sflag:$0x1] =	stream.linear.gather [hbm4b:s2+s1], $0x80, $0x38;
	[tilespmem:$0x10400] =	vst v63  }
0x18e: {  	s21 =	sadd.s32 $0x8B80, s18;
	s23 =	simm.s32 $0x1;
	s22 =	sadd.s32 s4, s5  }
0x18f: {  	[tilespmem:s21], [sflag:$0x2] =	stream.linear.gather [hbm4b:s22+s1], $0x80, $0x38;
	[tilespmem:$0x10400] =	vst v63  }
0x190: {  	_ =	swait.ge [sflag:s23], $0x8000  }
0x191: {  	[sflag:s23] =	ssyncset.done $0x0  }
0x192: {  	s24 =	simm.s32 $0x2;
	[sflag:s23] =	ssyncadd.s32 $0xFFFF8000  }
0x193: {  	_ =	swait.ge [sflag:s24], $0x8000  }
0x194: {  	s26 =	simm.s32 $0x400;
	[sflag:s24] =	ssyncset.done $0x0  }
0x195: {  	s5 =	simm.s32 $0x3;
	s25 =	rddreg [dreg:$0x1a];
	[sflag:s24] =	ssyncadd.s32 $0xFFFF8000  }
0x196: {  	[hbm4b:s25+s1] =	stream.linear.scatter [tilespmem:s26], [sflag:$0x3], $0x8000, $0x38;
	[tilespmem:$0x10400] =	vst v63  }
0x197: {  	_ =	swait.ge [sflag:s5], $0x8000  }
0x198: {  	[sflag:s5] =	ssyncset.done $0x0  }
0x199: {  	s29 =	simm.s32 $0x8400;
	s28 =	rddreg [dreg:$0x1b];
	[sflag:s5] =	ssyncadd.s32 $0xFFFF8000  }
0x19a: {  	[hbm4b:s28+s1] =	stream.linear.scatter [tilespmem:s29], [sflag:$0x3], $0x8000, $0x38;
	[tilespmem:$0x10400] =	vst v63  }
0x19b: {  	_ =	swait.ge [sflag:s5], $0x8000  }
0x19c: {  	s30 =	rddreg [dreg:$0x1d]  }
0x19d: {  	s31 =	rddreg [dreg:$0x1c];
	s2 =	sadd.s32 $0x1, s30  }
0x19e: {  	p0 =	sne.s32 s2, s31  }
.Ltmp2:
0x19f: {  	_ = 	snop;
	(pc) =	sbr.rel @p0 .LBB2_1-.Ltmp2, $3  }
0x1a0: {  	_ =	sdelay $0x1  }
0x1a1: {  	[sflag:s5] =	ssyncset.done $0x0  }
0x1a2: {  	[sflag:s5] =	ssyncadd.s32 $0xFFFF8000  }
0x1a3: {  	_ =	sfence.sel $0x180000  }
0x1a4: {  	[bflag:$0x0] =	sbarrier.arrive $0xFFFF  }
0x1a5: {  	_ =	strace $0x90000047  }
0x1a6: {  	s0 =	stileid.u32;
	[bflag:$0x2] =	sbarrier.arrive $0xFFFF  }
0x1a7: {  	p0 =	sne.s32 s0, $0x0;
	s0 =	rddreg [dreg:$0x3]  }
0x1a8: {  	s0 =	sadd.s32 @!p0 $0x100000, s0  }
0x1a9: {  	[sflag:s0] =	ssyncadd.tile.s32 @!p0 $0x1;
	_ =	shalt  }
.Lfunc_end2:
_tile_overlayer_lowered:
.L_overlay_start_2:
0x1aa: {  	(tag) =	ssettag $0x2  }
0x1ab: {  	s0 =	rddreg [dreg:$0x0];
	s2 =	stileid.u32  }
0x1ac: {  	s1 =	rddreg [dreg:$0x1];
	p0 =	sne.s32 s2, $0x0  }
0x1ad: {  	s3 =	rddreg [dreg:$0x2];
	[bflag:$0x3] =	sbarrier.arrive $0xFFFF;
	s2 =	simm.s32 @!p0 $0x1C03  }
0x1ae: {  	[timem:s3], [sflag:s2] =	dma.local @!p0 [hbm:s0], s1  }
0x1af: {  	s0 =	simm.s32 @!p0 $0x3  }
0x1b0: {  	_ =	swait.ge @!p0 [sflag:s0], s1  }
0x1b1: {  	s1 =	ssub.s32 @!p0 $0x0, s1;
	[sflag:s0] =	ssyncset.done @!p0 $0x0  }
0x1b2: {  	[sflag:s0] =	ssyncadd.s32 @!p0 s1  }
0x1b3: {  	[bflag:$0x3] =	sbarrier.arrive $0xFFFF  }
0x1b4: {  	_ =	shalt  }

</sc_bundles>
